<compile_context>
chip_gen: v7x
topology: tpu7x:2x2x1
jax: 0.10.2.dev20260603
libtpu: 0.0.44.dev20260713+nightly
codegen_flags: <defaults>
</compile_context>

<pallas_src>
import functools

import jax
import jax.numpy as jnp
from jax import lax
from jax.experimental import pallas as pl
from jax.experimental.pallas import tpu as pltpu
from jax.experimental.pallas import tpu_sc as plsc

K = 4

_NC = 2
_NS = 16
_NW = _NC * _NS

_C_SC = 32
_SC_OUT = 80
_NBUF = 4
_LOOKAHEAD = 2


def _stats_kernel(x_ref, sum_ref, topk_ref):
    v = x_ref[...]
    total = jnp.sum(v, axis=(1, 2))
    sum_ref[...] = total[:, None]

    cb, r, lanes = v.shape
    g = r // 8

    def body(i, carry):
        a1, a2, a3, a4 = carry
        s = x_ref[:, pl.ds(i * 8, 8), :]
        t = jnp.maximum(a1, s); s = jnp.minimum(a1, s); a1 = t
        t = jnp.maximum(a2, s); s = jnp.minimum(a2, s); a2 = t
        t = jnp.maximum(a3, s); s = jnp.minimum(a3, s); a3 = t
        a4 = jnp.maximum(a4, s)
        return a1, a2, a3, a4

    neg = jnp.full((cb, 8, lanes), -jnp.inf, jnp.float32)
    a1, a2, a3, a4 = jax.lax.fori_loop(0, g, body, (neg, neg, neg, neg))
    cand = jnp.concatenate([a1, a2, a3, a4], axis=1)

    acc = jnp.zeros((cb,), jnp.float32)
    k_rem = jnp.full((cb,), float(K))
    for _ in range(K):
        m = jnp.max(cand, axis=(1, 2))
        eq = cand == m[:, None, None]
        cnt = jnp.sum(eq.astype(jnp.float32), axis=(1, 2))
        take = jnp.minimum(cnt, k_rem)
        acc = acc + jnp.where(take > 0, m * take, 0.0)
        k_rem = k_rem - take
        cand = jnp.where(eq, -jnp.inf, cand)
    topk_ref[...] = acc[:, None]


def _sc_stats_body(x_hbm, out_hbm, b0, b1, b2, b3, s0, s1, s2, s3, ov,
                   *, n, ch0, chunk):
    w = lax.axis_index("s") * _NC + lax.axis_index("c")
    nchunk = n // chunk
    nv = chunk // 256
    bufs = [b0, b1, b2, b3]
    sems = [s0, s1, s2, s3]

    def off(t):
        return (ch0 + w) * n + t * chunk

    hin = {}
    for t in range(min(_LOOKAHEAD, nchunk)):
        hin[t] = pltpu.async_copy(
            x_hbm.at[pl.ds(off(t), chunk)], bufs[t % _NBUF], sems[t % _NBUF])

    neg = jnp.full((16,), -jnp.inf, jnp.float32)
    carry = (neg, neg, neg, neg, jnp.zeros((16,), jnp.float32))
    for t in range(nchunk):
        hin[t].wait()
        nt = t + _LOOKAHEAD
        if nt < nchunk:
            hin[nt] = pltpu.async_copy(
                x_hbm.at[pl.ds(off(nt), chunk)],
                bufs[nt % _NBUF], sems[nt % _NBUF])
        buf = bufs[t % _NBUF]

        def vbody(i, cr, buf=buf):
            a1, a2, a3, a4, ps = cr
            base = i * 256
            for j in range(16):
                s = buf[pl.ds(base + j * 16, 16)]
                ps = ps + s
                t_ = jnp.maximum(a1, s); s = jnp.minimum(a1, s); a1 = t_
                t_ = jnp.maximum(a2, s); s = jnp.minimum(a2, s); a2 = t_
                t_ = jnp.maximum(a3, s); s = jnp.minimum(a3, s); a3 = t_
                a4 = jnp.maximum(a4, s)
            return a1, a2, a3, a4, ps

        carry = lax.fori_loop(0, nv, vbody, carry)

    a1, a2, a3, a4, ps = carry
    ov[pl.ds(0, 16)] = a1
    ov[pl.ds(16, 16)] = a2
    ov[pl.ds(32, 16)] = a3
    ov[pl.ds(48, 16)] = a4
    ov[pl.ds(64, 16)] = ps
    pltpu.sync_copy(ov, out_hbm.at[pl.ds(w * _SC_OUT, _SC_OUT)])


def _gate_kernel(sum_lo_ref, topk_lo_ref, sc_ref, w1_ref, b1_ref, w2_ref,
                 b2_ref, gate_ref, *, inv_n):
    sc = sc_ref[...]
    ps = jnp.sum(sc[:, 64:80], axis=1)
    cand = sc[:, 0:64]

    acc = jnp.zeros((_C_SC,), jnp.float32)
    k_rem = jnp.full((_C_SC,), float(K))
    for _ in range(K):
        m = jnp.max(cand, axis=1)
        eq = cand == m[:, None]
        cnt = jnp.sum(eq.astype(jnp.float32), axis=1)
        take = jnp.minimum(cnt, k_rem)
        acc = acc + jnp.where(take > 0, m * take, 0.0)
        k_rem = k_rem - take
        cand = jnp.where(eq, -jnp.inf, cand)

    avg = jnp.concatenate([sum_lo_ref[...][:, 0], ps], axis=0) * inv_n
    tk = jnp.concatenate([topk_lo_ref[...][:, 0], acc], axis=0)

    def fc(v):
        h = jnp.dot(w1_ref[...], v, preferred_element_type=jnp.float32)
        h = jnp.maximum(h + b1_ref[...], 0.0)
        o = jnp.dot(w2_ref[...], h, preferred_element_type=jnp.float32)
        return o + b2_ref[...]

    gate_ref[...] = jax.nn.sigmoid(fc(avg[:, None]) + fc(tk[:, None]))


def _scale_kernel(x_ref, gate_ref, y_ref):
    y_ref[...] = x_ref[...] * gate_ref[...][:, :, None]


def kernel(x, W1, b1, W2, b2):
    b, c, d, h, w = x.shape
    n = d * h * w
    assert b == 1
    lanes = 128
    rows = n // lanes
    xr = x.reshape(c, rows, lanes)
    c_lo = c - _C_SC

    cb = 8
    sums_lo, topks_lo = pl.pallas_call(
        _stats_kernel,
        grid=(c_lo // cb,),
        in_specs=[pl.BlockSpec((cb, rows, lanes), lambda i: (i, 0, 0))],
        out_specs=[
            pl.BlockSpec((cb, 1), lambda i: (i, 0)),
            pl.BlockSpec((cb, 1), lambda i: (i, 0)),
        ],
        out_shape=[
            jax.ShapeDtypeStruct((c_lo, 1), jnp.float32),
            jax.ShapeDtypeStruct((c_lo, 1), jnp.float32),
        ],
        compiler_params=pltpu.CompilerParams(
            dimension_semantics=("parallel",)),
    )(xr)

    chunk = 25088
    assert n % chunk == 0
    sc_stats = pl.kernel(
        functools.partial(_sc_stats_body, n=n, ch0=c_lo, chunk=chunk),
        out_type=jax.ShapeDtypeStruct((_C_SC * _SC_OUT,), jnp.float32),
        mesh=plsc.VectorSubcoreMesh(core_axis_name="c", subcore_axis_name="s"),
        scratch_types=(
            [pltpu.VMEM((chunk,), jnp.float32) for _ in range(_NBUF)]
            + [pltpu.SemaphoreType.DMA for _ in range(_NBUF)]
            + [pltpu.VMEM((_SC_OUT,), jnp.float32)]
        ),
    )(x.reshape(c * n))

    gate = pl.pallas_call(
        functools.partial(_gate_kernel, inv_n=1.0 / n),
        out_shape=jax.ShapeDtypeStruct((c, 1), jnp.float32),
    )(sums_lo, topks_lo, sc_stats.reshape(_C_SC, _SC_OUT),
      W1, b1[:, None], W2, b2[:, None])

    y = pl.pallas_call(
        _scale_kernel,
        grid=(c // cb,),
        in_specs=[
            pl.BlockSpec((cb, rows, lanes), lambda i: (i, 0, 0)),
            pl.BlockSpec((cb, 1), lambda i: (i, 0)),
        ],
        out_specs=pl.BlockSpec((cb, rows, lanes), lambda i: (i, 0, 0)),
        out_shape=jax.ShapeDtypeStruct((c, rows, lanes), jnp.float32),
        compiler_params=pltpu.CompilerParams(
            dimension_semantics=("parallel",)),
    )(xr, gate)

    out = gate.reshape(b, c, 1, 1, 1)
    return (y.reshape(b, c, d, h, w), out)

# --- scband reference (transcript-rebuilt; emitter-appended) ---
"""Pipeline reference for scband-channel-attention-88862873354868 (READ-ONLY COPY).

The authoritative reference and input builder live on the scoring server;
editing this copy changes nothing except your own understanding.
"""

import jax, jax.numpy as jnp
import numpy as np

K = 4

def setup_inputs(seed: int = 0) -> dict:
    key = jax.random.key(seed)
    ks = jax.random.split(key, 6)
    b, c, d, h, w = 1, 96, 16, 112, 112
    x = jax.random.normal(ks[0], (b, c, d, h, w), dtype=jnp.float32)
    # fc: Linear(c, c//2) -> ReLU -> Linear(c//2, c); PyTorch weight layout [out, in]
    W1 = jax.random.normal(ks[1], (c // 2, c), dtype=jnp.float32) * (1.0 / np.sqrt(c))
    b1 = jnp.zeros((c // 2,), dtype=jnp.float32)
    W2 = jax.random.normal(ks[2], (c, c // 2), dtype=jnp.float32) * (1.0 / np.sqrt(c // 2))
    b2 = jnp.zeros((c,), dtype=jnp.float32)
    return {"x": x, "W1": W1, "b1": b1, "W2": W2, "b2": b2}

def reference(x, W1, b1, W2, b2):
    b, c = x.shape[0], x.shape[1]
    def fc(v):
        hdn = jnp.maximum(v @ W1.T + b1, 0.0)
        return hdn @ W2.T + b2
    avg_out = jnp.mean(x, axis=(2, 3, 4))           # AdaptiveAvgPool3d(1) -> [b, c]
    avg_score = fc(avg_out)
    x_flat = x.reshape(b, c, -1)                    # [b, c, d*h*w]
    topk_values, _ = jax.lax.top_k(x_flat, K)       # [b, c, K]
    topk_mean = jnp.sum(topk_values, axis=-1)       # [b, c]
    topk_score = fc(topk_mean)
    out = jax.nn.sigmoid(avg_score + topk_score).reshape(b, c, 1, 1, 1)
    return (x * out, out)

if __name__ == "__main__":
    import jax
    _d = setup_inputs()
    print(jax.jit(kernel)(*tuple(_d.values())))

</pallas_src>

<mosaic_0001>
#map = affine_map<(d0, d1) -> (0)>
module attributes {stable_mosaic.version = 14 : i64} {
  func.func @_sc_stats_body(%arg0: i32, %arg1: i32, %arg2: memref<19267584xf32, #tpu.memory_space<hbm>>, %arg3: memref<2560xf32, #tpu.memory_space<hbm>>, %arg4: memref<25088xf32, #tpu.memory_space<vmem>>, %arg5: memref<25088xf32, #tpu.memory_space<vmem>>, %arg6: memref<25088xf32, #tpu.memory_space<vmem>>, %arg7: memref<25088xf32, #tpu.memory_space<vmem>>, %arg8: memref<!tpu.dma_semaphore, #tpu.memory_space<semaphore_mem>>, %arg9: memref<!tpu.dma_semaphore, #tpu.memory_space<semaphore_mem>>, %arg10: memref<!tpu.dma_semaphore, #tpu.memory_space<semaphore_mem>>, %arg11: memref<!tpu.dma_semaphore, #tpu.memory_space<semaphore_mem>>, %arg12: memref<80xf32, #tpu.memory_space<vmem>>) attributes {dimension_semantics = [#tpu.dimension_semantics<core_parallel>, #tpu.dimension_semantics<subcore_parallel>], iteration_bounds = array<i64: 2, 16>, scalar_prefetch = 0 : i64, scratch_operands = 9 : i64, tpu.core_type = #tpu.core_type<sc_vector_subcore>, window_params = [{transform_indices = #map}, {transform_indices = #map}]} {
    %mul3A = arith.constant 2 : i32
    %mul3A_0 = arith.muli %arg1, %mul3A : i32
    %add3A = arith.addi %mul3A_0, %arg0 : i32
    %add3A_1 = arith.constant 64 : i32
    %add3A_2 = arith.addi %add3A_1, %add3A : i32
    %mul3A_3 = arith.constant 200704 : i32
    %mul3A_4 = arith.muli %add3A_2, %mul3A_3 : i32
    %add3A_5 = arith.constant 0 : i32
    %add3A_6 = arith.addi %mul3A_4, %add3A_5 : i32
    %dma_start3A = tpu.memref_slice %arg2[%add3A_6] : memref<19267584xf32, #tpu.memory_space<hbm>> -> memref<25088xf32, #tpu.memory_space<hbm>>
    %dma_start3A_7 = tpu.memref_slice %arg2[%add3A_6] : memref<19267584xf32, #tpu.memory_space<hbm>> -> memref<25088xf32, #tpu.memory_space<hbm>>
    tpu.enqueue_dma source(%dma_start3A_7 : memref<25088xf32, #tpu.memory_space<hbm>>) target(%arg4 : memref<25088xf32, #tpu.memory_space<vmem>>) target_semaphore(%arg8 : memref<!tpu.dma_semaphore, #tpu.memory_space<semaphore_mem>>)
    %add3A_8 = arith.constant 64 : i32
    %add3A_9 = arith.addi %add3A_8, %add3A : i32
    %mul3A_10 = arith.constant 200704 : i32
    %mul3A_11 = arith.muli %add3A_9, %mul3A_10 : i32
    %add3A_12 = arith.constant 25088 : i32
    %add3A_13 = arith.addi %mul3A_11, %add3A_12 : i32
    %dma_start3A_14 = tpu.memref_slice %arg2[%add3A_13] : memref<19267584xf32, #tpu.memory_space<hbm>> -> memref<25088xf32, #tpu.memory_space<hbm>>
    %dma_start3A_15 = tpu.memref_slice %arg2[%add3A_13] : memref<19267584xf32, #tpu.memory_space<hbm>> -> memref<25088xf32, #tpu.memory_space<hbm>>
    tpu.enqueue_dma source(%dma_start3A_15 : memref<25088xf32, #tpu.memory_space<hbm>>) target(%arg5 : memref<25088xf32, #tpu.memory_space<vmem>>) target_semaphore(%arg9 : memref<!tpu.dma_semaphore, #tpu.memory_space<semaphore_mem>>)
    %broadcast_in_dim3A = arith.constant 0xFF800000 : f32
    %broadcast_in_dim3A_16 = vector.broadcast %broadcast_in_dim3A : f32 to vector<16xf32>
    %broadcast_in_dim3A_17 = arith.constant 0.000000e+00 : f32
    %broadcast_in_dim3A_18 = vector.broadcast %broadcast_in_dim3A_17 : f32 to vector<16xf32>
    %dma_wait3A = tpu.memref_slice %arg2[%add3A_6] : memref<19267584xf32, #tpu.memory_space<hbm>> -> memref<25088xf32, #tpu.memory_space<hbm>>
    %dma_wait3A_19 = tpu.memref_slice %arg2[%add3A_6] : memref<19267584xf32, #tpu.memory_space<hbm>> -> memref<25088xf32, #tpu.memory_space<hbm>>
    tpu.wait_dma2 semaphore(%arg8 : memref<!tpu.dma_semaphore, #tpu.memory_space<semaphore_mem>>) src(%dma_wait3A_19 : memref<25088xf32, #tpu.memory_space<hbm>>) dst(%arg4 : memref<25088xf32, #tpu.memory_space<vmem>>)
    %add3A_20 = arith.constant 64 : i32
    %add3A_21 = arith.addi %add3A_20, %add3A : i32
    %mul3A_22 = arith.constant 200704 : i32
    %mul3A_23 = arith.muli %add3A_21, %mul3A_22 : i32
    %add3A_24 = arith.constant 50176 : i32
    %add3A_25 = arith.addi %mul3A_23, %add3A_24 : i32
    %dma_start3A_26 = tpu.memref_slice %arg2[%add3A_25] : memref<19267584xf32, #tpu.memory_space<hbm>> -> memref<25088xf32, #tpu.memory_space<hbm>>
    %dma_start3A_27 = tpu.memref_slice %arg2[%add3A_25] : memref<19267584xf32, #tpu.memory_space<hbm>> -> memref<25088xf32, #tpu.memory_space<hbm>>
    tpu.enqueue_dma source(%dma_start3A_27 : memref<25088xf32, #tpu.memory_space<hbm>>) target(%arg6 : memref<25088xf32, #tpu.memory_space<vmem>>) target_semaphore(%arg10 : memref<!tpu.dma_semaphore, #tpu.memory_space<semaphore_mem>>)
    %scan3A = arith.constant 0 : i32
    %scan3A_28 = arith.constant 98 : i32
    %scan3A_29 = arith.addi %scan3A, %scan3A_28 : i32
    %scan3A_30 = arith.constant 1 : i32
    %scan3A_31:5 = scf.for %scan3A_150 = %scan3A to %scan3A_29 step %scan3A_30 iter_args(%scan3A_151 = %broadcast_in_dim3A_16, %scan3A_152 = %broadcast_in_dim3A_16, %scan3A_153 = %broadcast_in_dim3A_16, %scan3A_154 = %broadcast_in_dim3A_16, %scan3A_155 = %broadcast_in_dim3A_18) -> (vector<16xf32>, vector<16xf32>, vector<16xf32>, vector<16xf32>, vector<16xf32>)  : i32 {
      %mul3A_156 = arith.constant 256 : i32
      %mul3A_157 = arith.muli %scan3A_150, %mul3A_156 : i32
      %add3A_158 = arith.constant 0 : i32
      %add3A_159 = arith.addi %mul3A_157, %add3A_158 : i32
      %get3A = arith.index_cast %add3A_159 : i32 to index
      %get3A_160 = tpu.vector_load %arg4[%get3A] {strides = array<i32>} : memref<25088xf32, #tpu.memory_space<vmem>>, vector<16xf32>,
      %get3A_161 = vector.shape_cast %get3A_160 : vector<16xf32> to vector<16xf32>
      %add3A_162 = arith.addf %scan3A_155, %get3A_161 : vector<16xf32>
      %max3A = arith.maximumf %scan3A_151, %get3A_161 : vector<16xf32>
      %min3A = arith.minimumf %scan3A_151, %get3A_161 : vector<16xf32>
      %max3A_163 = arith.maximumf %scan3A_152, %min3A : vector<16xf32>
      %min3A_164 = arith.minimumf %scan3A_152, %min3A : vector<16xf32>
      %max3A_165 = arith.maximumf %scan3A_153, %min3A_164 : vector<16xf32>
      %min3A_166 = arith.minimumf %scan3A_153, %min3A_164 : vector<16xf32>
      %max3A_167 = arith.maximumf %scan3A_154, %min3A_166 : vector<16xf32>
      %add3A_168 = arith.constant 16 : i32
      %add3A_169 = arith.addi %mul3A_157, %add3A_168 : i32
      %get3A_170 = arith.index_cast %add3A_169 : i32 to index
      %get3A_171 = tpu.vector_load %arg4[%get3A_170] {strides = array<i32>} : memref<25088xf32, #tpu.memory_space<vmem>>, vector<16xf32>,
      %get3A_172 = vector.shape_cast %get3A_171 : vector<16xf32> to vector<16xf32>
      %add3A_173 = arith.addf %add3A_162, %get3A_172 : vector<16xf32>
      %max3A_174 = arith.maximumf %max3A, %get3A_172 : vector<16xf32>
      %min3A_175 = arith.minimumf %max3A, %get3A_172 : vector<16xf32>
      %max3A_176 = arith.maximumf %max3A_163, %min3A_175 : vector<16xf32>
      %min3A_177 = arith.minimumf %max3A_163, %min3A_175 : vector<16xf32>
      %max3A_178 = arith.maximumf %max3A_165, %min3A_177 : vector<16xf32>
      %min3A_179 = arith.minimumf %max3A_165, %min3A_177 : vector<16xf32>
      %max3A_180 = arith.maximumf %max3A_167, %min3A_179 : vector<16xf32>
      %add3A_181 = arith.constant 32 : i32
      %add3A_182 = arith.addi %mul3A_157, %add3A_181 : i32
      %get3A_183 = arith.index_cast %add3A_182 : i32 to index
      %get3A_184 = tpu.vector_load %arg4[%get3A_183] {strides = array<i32>} : memref<25088xf32, #tpu.memory_space<vmem>>, vector<16xf32>,
      %get3A_185 = vector.shape_cast %get3A_184 : vector<16xf32> to vector<16xf32>
      %add3A_186 = arith.addf %add3A_173, %get3A_185 : vector<16xf32>
      %max3A_187 = arith.maximumf %max3A_174, %get3A_185 : vector<16xf32>
      %min3A_188 = arith.minimumf %max3A_174, %get3A_185 : vector<16xf32>
      %max3A_189 = arith.maximumf %max3A_176, %min3A_188 : vector<16xf32>
      %min3A_190 = arith.minimumf %max3A_176, %min3A_188 : vector<16xf32>
      %max3A_191 = arith.maximumf %max3A_178, %min3A_190 : vector<16xf32>
      %min3A_192 = arith.minimumf %max3A_178, %min3A_190 : vector<16xf32>
      %max3A_193 = arith.maximumf %max3A_180, %min3A_192 : vector<16xf32>
      %add3A_194 = arith.constant 48 : i32
      %add3A_195 = arith.addi %mul3A_157, %add3A_194 : i32
      %get3A_196 = arith.index_cast %add3A_195 : i32 to index
      %get3A_197 = tpu.vector_load %arg4[%get3A_196] {strides = array<i32>} : memref<25088xf32, #tpu.memory_space<vmem>>, vector<16xf32>,
      %get3A_198 = vector.shape_cast %get3A_197 : vector<16xf32> to vector<16xf32>
      %add3A_199 = arith.addf %add3A_186, %get3A_198 : vector<16xf32>
      %max3A_200 = arith.maximumf %max3A_187, %get3A_198 : vector<16xf32>
      %min3A_201 = arith.minimumf %max3A_187, %get3A_198 : vector<16xf32>
      %max3A_202 = arith.maximumf %max3A_189, %min3A_201 : vector<16xf32>
      %min3A_203 = arith.minimumf %max3A_189, %min3A_201 : vector<16xf32>
      %max3A_204 = arith.maximumf %max3A_191, %min3A_203 : vector<16xf32>
      %min3A_205 = arith.minimumf %max3A_191, %min3A_203 : vector<16xf32>
      %max3A_206 = arith.maximumf %max3A_193, %min3A_205 : vector<16xf32>
      %add3A_207 = arith.constant 64 : i32
      %add3A_208 = arith.addi %mul3A_157, %add3A_207 : i32
      %get3A_209 = arith.index_cast %add3A_208 : i32 to index
      %get3A_210 = tpu.vector_load %arg4[%get3A_209] {strides = array<i32>} : memref<25088xf32, #tpu.memory_space<vmem>>, vector<16xf32>,
      %get3A_211 = vector.shape_cast %get3A_210 : vector<16xf32> to vector<16xf32>
      %add3A_212 = arith.addf %add3A_199, %get3A_211 : vector<16xf32>
      %max3A_213 = arith.maximumf %max3A_200, %get3A_211 : vector<16xf32>
      %min3A_214 = arith.minimumf %max3A_200, %get3A_211 : vector<16xf32>
      %max3A_215 = arith.maximumf %max3A_202, %min3A_214 : vector<16xf32>
      %min3A_216 = arith.minimumf %max3A_202, %min3A_214 : vector<16xf32>
      %max3A_217 = arith.maximumf %max3A_204, %min3A_216 : vector<16xf32>
      %min3A_218 = arith.minimumf %max3A_204, %min3A_216 : vector<16xf32>
      %max3A_219 = arith.maximumf %max3A_206, %min3A_218 : vector<16xf32>
      %add3A_220 = arith.constant 80 : i32
      %add3A_221 = arith.addi %mul3A_157, %add3A_220 : i32
      %get3A_222 = arith.index_cast %add3A_221 : i32 to index
      %get3A_223 = tpu.vector_load %arg4[%get3A_222] {strides = array<i32>} : memref<25088xf32, #tpu.memory_space<vmem>>, vector<16xf32>,
      %get3A_224 = vector.shape_cast %get3A_223 : vector<16xf32> to vector<16xf32>
      %add3A_225 = arith.addf %add3A_212, %get3A_224 : vector<16xf32>
      %max3A_226 = arith.maximumf %max3A_213, %get3A_224 : vector<16xf32>
      %min3A_227 = arith.minimumf %max3A_213, %get3A_224 : vector<16xf32>
      %max3A_228 = arith.maximumf %max3A_215, %min3A_227 : vector<16xf32>
      %min3A_229 = arith.minimumf %max3A_215, %min3A_227 : vector<16xf32>
      %max3A_230 = arith.maximumf %max3A_217, %min3A_229 : vector<16xf32>
      %min3A_231 = arith.minimumf %max3A_217, %min3A_229 : vector<16xf32>
      %max3A_232 = arith.maximumf %max3A_219, %min3A_231 : vector<16xf32>
      %add3A_233 = arith.constant 96 : i32
      %add3A_234 = arith.addi %mul3A_157, %add3A_233 : i32
      %get3A_235 = arith.index_cast %add3A_234 : i32 to index
      %get3A_236 = tpu.vector_load %arg4[%get3A_235] {strides = array<i32>} : memref<25088xf32, #tpu.memory_space<vmem>>, vector<16xf32>,
      %get3A_237 = vector.shape_cast %get3A_236 : vector<16xf32> to vector<16xf32>
      %add3A_238 = arith.addf %add3A_225, %get3A_237 : vector<16xf32>
      %max3A_239 = arith.maximumf %max3A_226, %get3A_237 : vector<16xf32>
      %min3A_240 = arith.minimumf %max3A_226, %get3A_237 : vector<16xf32>
      %max3A_241 = arith.maximumf %max3A_228, %min3A_240 : vector<16xf32>
      %min3A_242 = arith.minimumf %max3A_228, %min3A_240 : vector<16xf32>
      %max3A_243 = arith.maximumf %max3A_230, %min3A_242 : vector<16xf32>
      %min3A_244 = arith.minimumf %max3A_230, %min3A_242 : vector<16xf32>
      %max3A_245 = arith.maximumf %max3A_232, %min3A_244 : vector<16xf32>
      %add3A_246 = arith.constant 112 : i32
      %add3A_247 = arith.addi %mul3A_157, %add3A_246 : i32
      %get3A_248 = arith.index_cast %add3A_247 : i32 to index
      %get3A_249 = tpu.vector_load %arg4[%get3A_248] {strides = array<i32>} : memref<25088xf32, #tpu.memory_space<vmem>>, vector<16xf32>,
      %get3A_250 = vector.shape_cast %get3A_249 : vector<16xf32> to vector<16xf32>
      %add3A_251 = arith.addf %add3A_238, %get3A_250 : vector<16xf32>
      %max3A_252 = arith.maximumf %max3A_239, %get3A_250 : vector<16xf32>
      %min3A_253 = arith.minimumf %max3A_239, %get3A_250 : vector<16xf32>
      %max3A_254 = arith.maximumf %max3A_241, %min3A_253 : vector<16xf32>
      %min3A_255 = arith.minimumf %max3A_241, %min3A_253 : vector<16xf32>
      %max3A_256 = arith.maximumf %max3A_243, %min3A_255 : vector<16xf32>
      %min3A_257 = arith.minimumf %max3A_243, %min3A_255 : vector<16xf32>
      %max3A_258 = arith.maximumf %max3A_245, %min3A_257 : vector<16xf32>
      %add3A_259 = arith.constant 128 : i32
      %add3A_260 = arith.addi %mul3A_157, %add3A_259 : i32
      %get3A_261 = arith.index_cast %add3A_260 : i32 to index
      %get3A_262 = tpu.vector_load %arg4[%get3A_261] {strides = array<i32>} : memref<25088xf32, #tpu.memory_space<vmem>>, vector<16xf32>,
      %get3A_263 = vector.shape_cast %get3A_262 : vector<16xf32> to vector<16xf32>
      %add3A_264 = arith.addf %add3A_251, %get3A_263 : vector<16xf32>
      %max3A_265 = arith.maximumf %max3A_252, %get3A_263 : vector<16xf32>
      %min3A_266 = arith.minimumf %max3A_252, %get3A_263 : vector<16xf32>
      %max3A_267 = arith.maximumf %max3A_254, %min3A_266 : vector<16xf32>
      %min3A_268 = arith.minimumf %max3A_254, %min3A_266 : vector<16xf32>
      %max3A_269 = arith.maximumf %max3A_256, %min3A_268 : vector<16xf32>
      %min3A_270 = arith.minimumf %max3A_256, %min3A_268 : vector<16xf32>
      %max3A_271 = arith.maximumf %max3A_258, %min3A_270 : vector<16xf32>
      %add3A_272 = arith.constant 144 : i32
      %add3A_273 = arith.addi %mul3A_157, %add3A_272 : i32
      %get3A_274 = arith.index_cast %add3A_273 : i32 to index
      %get3A_275 = tpu.vector_load %arg4[%get3A_274] {strides = array<i32>} : memref<25088xf32, #tpu.memory_space<vmem>>, vector<16xf32>,
      %get3A_276 = vector.shape_cast %get3A_275 : vector<16xf32> to vector<16xf32>
      %add3A_277 = arith.addf %add3A_264, %get3A_276 : vector<16xf32>
      %max3A_278 = arith.maximumf %max3A_265, %get3A_276 : vector<16xf32>
      %min3A_279 = arith.minimumf %max3A_265, %get3A_276 : vector<16xf32>
      %max3A_280 = arith.maximumf %max3A_267, %min3A_279 : vector<16xf32>
      %min3A_281 = arith.minimumf %max3A_267, %min3A_279 : vector<16xf32>
      %max3A_282 = arith.maximumf %max3A_269, %min3A_281 : vector<16xf32>
      %min3A_283 = arith.minimumf %max3A_269, %min3A_281 : vector<16xf32>
      %max3A_284 = arith.maximumf %max3A_271, %min3A_283 : vector<16xf32>
      %add3A_285 = arith.constant 160 : i32
      %add3A_286 = arith.addi %mul3A_157, %add3A_285 : i32
      %get3A_287 = arith.index_cast %add3A_286 : i32 to index
      %get3A_288 = tpu.vector_load %arg4[%get3A_287] {strides = array<i32>} : memref<25088xf32, #tpu.memory_space<vmem>>, vector<16xf32>,
      %get3A_289 = vector.shape_cast %get3A_288 : vector<16xf32> to vector<16xf32>
      %add3A_290 = arith.addf %add3A_277, %get3A_289 : vector<16xf32>
      %max3A_291 = arith.maximumf %max3A_278, %get3A_289 : vector<16xf32>
      %min3A_292 = arith.minimumf %max3A_278, %get3A_289 : vector<16xf32>
      %max3A_293 = arith.maximumf %max3A_280, %min3A_292 : vector<16xf32>
      %min3A_294 = arith.minimumf %max3A_280, %min3A_292 : vector<16xf32>
      %max3A_295 = arith.maximumf %max3A_282, %min3A_294 : vector<16xf32>
      %min3A_296 = arith.minimumf %max3A_282, %min3A_294 : vector<16xf32>
      %max3A_297 = arith.maximumf %max3A_284, %min3A_296 : vector<16xf32>
      %add3A_298 = arith.constant 176 : i32
      %add3A_299 = arith.addi %mul3A_157, %add3A_298 : i32
      %get3A_300 = arith.index_cast %add3A_299 : i32 to index
      %get3A_301 = tpu.vector_load %arg4[%get3A_300] {strides = array<i32>} : memref<25088xf32, #tpu.memory_space<vmem>>, vector<16xf32>,
      %get3A_302 = vector.shape_cast %get3A_301 : vector<16xf32> to vector<16xf32>
      %add3A_303 = arith.addf %add3A_290, %get3A_302 : vector<16xf32>
      %max3A_304 = arith.maximumf %max3A_291, %get3A_302 : vector<16xf32>
      %min3A_305 = arith.minimumf %max3A_291, %get3A_302 : vector<16xf32>
      %max3A_306 = arith.maximumf %max3A_293, %min3A_305 : vector<16xf32>
      %min3A_307 = arith.minimumf %max3A_293, %min3A_305 : vector<16xf32>
      %max3A_308 = arith.maximumf %max3A_295, %min3A_307 : vector<16xf32>
      %min3A_309 = arith.minimumf %max3A_295, %min3A_307 : vector<16xf32>
      %max3A_310 = arith.maximumf %max3A_297, %min3A_309 : vector<16xf32>
      %add3A_311 = arith.constant 192 : i32
      %add3A_312 = arith.addi %mul3A_157, %add3A_311 : i32
      %get3A_313 = arith.index_cast %add3A_312 : i32 to index
      %get3A_314 = tpu.vector_load %arg4[%get3A_313] {strides = array<i32>} : memref<25088xf32, #tpu.memory_space<vmem>>, vector<16xf32>,
      %get3A_315 = vector.shape_cast %get3A_314 : vector<16xf32> to vector<16xf32>
      %add3A_316 = arith.addf %add3A_303, %get3A_315 : vector<16xf32>
      %max3A_317 = arith.maximumf %max3A_304, %get3A_315 : vector<16xf32>
      %min3A_318 = arith.minimumf %max3A_304, %get3A_315 : vector<16xf32>
      %max3A_319 = arith.maximumf %max3A_306, %min3A_318 : vector<16xf32>
      %min3A_320 = arith.minimumf %max3A_306, %min3A_318 : vector<16xf32>
      %max3A_321 = arith.maximumf %max3A_308, %min3A_320 : vector<16xf32>
      %min3A_322 = arith.minimumf %max3A_308, %min3A_320 : vector<16xf32>
      %max3A_323 = arith.maximumf %max3A_310, %min3A_322 : vector<16xf32>
      %add3A_324 = arith.constant 208 : i32
      %add3A_325 = arith.addi %mul3A_157, %add3A_324 : i32
      %get3A_326 = arith.index_cast %add3A_325 : i32 to index
      %get3A_327 = tpu.vector_load %arg4[%get3A_326] {strides = array<i32>} : memref<25088xf32, #tpu.memory_space<vmem>>, vector<16xf32>,
      %get3A_328 = vector.shape_cast %get3A_327 : vector<16xf32> to vector<16xf32>
      %add3A_329 = arith.addf %add3A_316, %get3A_328 : vector<16xf32>
      %max3A_330 = arith.maximumf %max3A_317, %get3A_328 : vector<16xf32>
      %min3A_331 = arith.minimumf %max3A_317, %get3A_328 : vector<16xf32>
      %max3A_332 = arith.maximumf %max3A_319, %min3A_331 : vector<16xf32>
      %min3A_333 = arith.minimumf %max3A_319, %min3A_331 : vector<16xf32>
      %max3A_334 = arith.maximumf %max3A_321, %min3A_333 : vector<16xf32>
      %min3A_335 = arith.minimumf %max3A_321, %min3A_333 : vector<16xf32>
      %max3A_336 = arith.maximumf %max3A_323, %min3A_335 : vector<16xf32>
      %add3A_337 = arith.constant 224 : i32
      %add3A_338 = arith.addi %mul3A_157, %add3A_337 : i32
      %get3A_339 = arith.index_cast %add3A_338 : i32 to index
      %get3A_340 = tpu.vector_load %arg4[%get3A_339] {strides = array<i32>} : memref<25088xf32, #tpu.memory_space<vmem>>, vector<16xf32>,
      %get3A_341 = vector.shape_cast %get3A_340 : vector<16xf32> to vector<16xf32>
      %add3A_342 = arith.addf %add3A_329, %get3A_341 : vector<16xf32>
      %max3A_343 = arith.maximumf %max3A_330, %get3A_341 : vector<16xf32>
      %min3A_344 = arith.minimumf %max3A_330, %get3A_341 : vector<16xf32>
      %max3A_345 = arith.maximumf %max3A_332, %min3A_344 : vector<16xf32>
      %min3A_346 = arith.minimumf %max3A_332, %min3A_344 : vector<16xf32>
      %max3A_347 = arith.maximumf %max3A_334, %min3A_346 : vector<16xf32>
      %min3A_348 = arith.minimumf %max3A_334, %min3A_346 : vector<16xf32>
      %max3A_349 = arith.maximumf %max3A_336, %min3A_348 : vector<16xf32>
      %add3A_350 = arith.constant 240 : i32
      %add3A_351 = arith.addi %mul3A_157, %add3A_350 : i32
      %get3A_352 = arith.index_cast %add3A_351 : i32 to index
      %get3A_353 = tpu.vector_load %arg4[%get3A_352] {strides = array<i32>} : memref<25088xf32, #tpu.memory_space<vmem>>, vector<16xf32>,
      %get3A_354 = vector.shape_cast %get3A_353 : vector<16xf32> to vector<16xf32>
      %add3A_355 = arith.addf %add3A_342, %get3A_354 : vector<16xf32>
      %max3A_356 = arith.maximumf %max3A_343, %get3A_354 : vector<16xf32>
      %min3A_357 = arith.minimumf %max3A_343, %get3A_354 : vector<16xf32>
      %max3A_358 = arith.maximumf %max3A_345, %min3A_357 : vector<16xf32>
      %min3A_359 = arith.minimumf %max3A_345, %min3A_357 : vector<16xf32>
      %max3A_360 = arith.maximumf %max3A_347, %min3A_359 : vector<16xf32>
      %min3A_361 = arith.minimumf %max3A_347, %min3A_359 : vector<16xf32>
      %max3A_362 = arith.maximumf %max3A_349, %min3A_361 : vector<16xf32>
      scf.yield %max3A_356, %max3A_358, %max3A_360, %max3A_362, %add3A_355 : vector<16xf32>, vector<16xf32>, vector<16xf32>, vector<16xf32>, vector<16xf32>
    }
    %scan3A_32 = arith.constant 98 : i32
    %dma_wait3A_33 = tpu.memref_slice %arg2[%add3A_13] : memref<19267584xf32, #tpu.memory_space<hbm>> -> memref<25088xf32, #tpu.memory_space<hbm>>
    %dma_wait3A_34 = tpu.memref_slice %arg2[%add3A_13] : memref<19267584xf32, #tpu.memory_space<hbm>> -> memref<25088xf32, #tpu.memory_space<hbm>>
    tpu.wait_dma2 semaphore(%arg9 : memref<!tpu.dma_semaphore, #tpu.memory_space<semaphore_mem>>) src(%dma_wait3A_34 : memref<25088xf32, #tpu.memory_space<hbm>>) dst(%arg5 : memref<25088xf32, #tpu.memory_space<vmem>>)
    %add3A_35 = arith.constant 64 : i32
    %add3A_36 = arith.addi %add3A_35, %add3A : i32
    %mul3A_37 = arith.constant 200704 : i32
    %mul3A_38 = arith.muli %add3A_36, %mul3A_37 : i32
    %add3A_39 = arith.constant 75264 : i32
    %add3A_40 = arith.addi %mul3A_38, %add3A_39 : i32
    %dma_start3A_41 = tpu.memref_slice %arg2[%add3A_40] : memref<19267584xf32, #tpu.memory_space<hbm>> -> memref<25088xf32, #tpu.memory_space<hbm>>
    %dma_start3A_42 = tpu.memref_slice %arg2[%add3A_40] : memref<19267584xf32, #tpu.memory_space<hbm>> -> memref<25088xf32, #tpu.memory_space<hbm>>
    tpu.enqueue_dma source(%dma_start3A_42 : memref<25088xf32, #tpu.memory_space<hbm>>) target(%arg7 : memref<25088xf32, #tpu.memory_space<vmem>>) target_semaphore(%arg11 : memref<!tpu.dma_semaphore, #tpu.memory_space<semaphore_mem>>)
    %scan3A_43 = arith.constant 0 : i32
    %scan3A_44 = arith.constant 98 : i32
    %scan3A_45 = arith.addi %scan3A_43, %scan3A_44 : i32
    %scan3A_46 = arith.constant 1 : i32
    %scan3A_47:5 = scf.for %scan3A_150 = %scan3A_43 to %scan3A_45 step %scan3A_46 iter_args(%scan3A_151 = %scan3A_31#0, %scan3A_152 = %scan3A_31#1, %scan3A_153 = %scan3A_31#2, %scan3A_154 = %scan3A_31#3, %scan3A_155 = %scan3A_31#4) -> (vector<16xf32>, vector<16xf32>, vector<16xf32>, vector<16xf32>, vector<16xf32>)  : i32 {
      %mul3A_156 = arith.constant 256 : i32
      %mul3A_157 = arith.muli %scan3A_150, %mul3A_156 : i32
      %add3A_158 = arith.constant 0 : i32
      %add3A_159 = arith.addi %mul3A_157, %add3A_158 : i32
      %get3A = arith.index_cast %add3A_159 : i32 to index
      %get3A_160 = tpu.vector_load %arg5[%get3A] {strides = array<i32>} : memref<25088xf32, #tpu.memory_space<vmem>>, vector<16xf32>,
      %get3A_161 = vector.shape_cast %get3A_160 : vector<16xf32> to vector<16xf32>
      %add3A_162 = arith.addf %scan3A_155, %get3A_161 : vector<16xf32>
      %max3A = arith.maximumf %scan3A_151, %get3A_161 : vector<16xf32>
      %min3A = arith.minimumf %scan3A_151, %get3A_161 : vector<16xf32>
      %max3A_163 = arith.maximumf %scan3A_152, %min3A : vector<16xf32>
      %min3A_164 = arith.minimumf %scan3A_152, %min3A : vector<16xf32>
      %max3A_165 = arith.maximumf %scan3A_153, %min3A_164 : vector<16xf32>
      %min3A_166 = arith.minimumf %scan3A_153, %min3A_164 : vector<16xf32>
      %max3A_167 = arith.maximumf %scan3A_154, %min3A_166 : vector<16xf32>
      %add3A_168 = arith.constant 16 : i32
      %add3A_169 = arith.addi %mul3A_157, %add3A_168 : i32
      %get3A_170 = arith.index_cast %add3A_169 : i32 to index
      %get3A_171 = tpu.vector_load %arg5[%get3A_170] {strides = array<i32>} : memref<25088xf32, #tpu.memory_space<vmem>>, vector<16xf32>,
      %get3A_172 = vector.shape_cast %get3A_171 : vector<16xf32> to vector<16xf32>
      %add3A_173 = arith.addf %add3A_162, %get3A_172 : vector<16xf32>
      %max3A_174 = arith.maximumf %max3A, %get3A_172 : vector<16xf32>
      %min3A_175 = arith.minimumf %max3A, %get3A_172 : vector<16xf32>
      %max3A_176 = arith.maximumf %max3A_163, %min3A_175 : vector<16xf32>
      %min3A_177 = arith.minimumf %max3A_163, %min3A_175 : vector<16xf32>
      %max3A_178 = arith.maximumf %max3A_165, %min3A_177 : vector<16xf32>
      %min3A_179 = arith.minimumf %max3A_165, %min3A_177 : vector<16xf32>
      %max3A_180 = arith.maximumf %max3A_167, %min3A_179 : vector<16xf32>
      %add3A_181 = arith.constant 32 : i32
      %add3A_182 = arith.addi %mul3A_157, %add3A_181 : i32
      %get3A_183 = arith.index_cast %add3A_182 : i32 to index
      %get3A_184 = tpu.vector_load %arg5[%get3A_183] {strides = array<i32>} : memref<25088xf32, #tpu.memory_space<vmem>>, vector<16xf32>,
      %get3A_185 = vector.shape_cast %get3A_184 : vector<16xf32> to vector<16xf32>
      %add3A_186 = arith.addf %add3A_173, %get3A_185 : vector<16xf32>
      %max3A_187 = arith.maximumf %max3A_174, %get3A_185 : vector<16xf32>
      %min3A_188 = arith.minimumf %max3A_174, %get3A_185 : vector<16xf32>
      %max3A_189 = arith.maximumf %max3A_176, %min3A_188 : vector<16xf32>
      %min3A_190 = arith.minimumf %max3A_176, %min3A_188 : vector<16xf32>
      %max3A_191 = arith.maximumf %max3A_178, %min3A_190 : vector<16xf32>
      %min3A_192 = arith.minimumf %max3A_178, %min3A_190 : vector<16xf32>
      %max3A_193 = arith.maximumf %max3A_180, %min3A_192 : vector<16xf32>
      %add3A_194 = arith.constant 48 : i32
      %add3A_195 = arith.addi %mul3A_157, %add3A_194 : i32
      %get3A_196 = arith.index_cast %add3A_195 : i32 to index
      %get3A_197 = tpu.vector_load %arg5[%get3A_196] {strides = array<i32>} : memref<25088xf32, #tpu.memory_space<vmem>>, vector<16xf32>,
      %get3A_198 = vector.shape_cast %get3A_197 : vector<16xf32> to vector<16xf32>
      %add3A_199 = arith.addf %add3A_186, %get3A_198 : vector<16xf32>
      %max3A_200 = arith.maximumf %max3A_187, %get3A_198 : vector<16xf32>
      %min3A_201 = arith.minimumf %max3A_187, %get3A_198 : vector<16xf32>
      %max3A_202 = arith.maximumf %max3A_189, %min3A_201 : vector<16xf32>
      %min3A_203 = arith.minimumf %max3A_189, %min3A_201 : vector<16xf32>
      %max3A_204 = arith.maximumf %max3A_191, %min3A_203 : vector<16xf32>
      %min3A_205 = arith.minimumf %max3A_191, %min3A_203 : vector<16xf32>
      %max3A_206 = arith.maximumf %max3A_193, %min3A_205 : vector<16xf32>
      %add3A_207 = arith.constant 64 : i32
      %add3A_208 = arith.addi %mul3A_157, %add3A_207 : i32
      %get3A_209 = arith.index_cast %add3A_208 : i32 to index
      %get3A_210 = tpu.vector_load %arg5[%get3A_209] {strides = array<i32>} : memref<25088xf32, #tpu.memory_space<vmem>>, vector<16xf32>,
      %get3A_211 = vector.shape_cast %get3A_210 : vector<16xf32> to vector<16xf32>
      %add3A_212 = arith.addf %add3A_199, %get3A_211 : vector<16xf32>
      %max3A_213 = arith.maximumf %max3A_200, %get3A_211 : vector<16xf32>
      %min3A_214 = arith.minimumf %max3A_200, %get3A_211 : vector<16xf32>
      %max3A_215 = arith.maximumf %max3A_202, %min3A_214 : vector<16xf32>
      %min3A_216 = arith.minimumf %max3A_202, %min3A_214 : vector<16xf32>
      %max3A_217 = arith.maximumf %max3A_204, %min3A_216 : vector<16xf32>
      %min3A_218 = arith.minimumf %max3A_204, %min3A_216 : vector<16xf32>
      %max3A_219 = arith.maximumf %max3A_206, %min3A_218 : vector<16xf32>
      %add3A_220 = arith.constant 80 : i32
      %add3A_221 = arith.addi %mul3A_157, %add3A_220 : i32
      %get3A_222 = arith.index_cast %add3A_221 : i32 to index
      %get3A_223 = tpu.vector_load %arg5[%get3A_222] {strides = array<i32>} : memref<25088xf32, #tpu.memory_space<vmem>>, vector<16xf32>,
      %get3A_224 = vector.shape_cast %get3A_223 : vector<16xf32> to vector<16xf32>
      %add3A_225 = arith.addf %add3A_212, %get3A_224 : vector<16xf32>
      %max3A_226 = arith.maximumf %max3A_213, %get3A_224 : vector<16xf32>
      %min3A_227 = arith.minimumf %max3A_213, %get3A_224 : vector<16xf32>
      %max3A_228 = arith.maximumf %max3A_215, %min3A_227 : vector<16xf32>
      %min3A_229 = arith.minimumf %max3A_215, %min3A_227 : vector<16xf32>
      %max3A_230 = arith.maximumf %max3A_217, %min3A_229 : vector<16xf32>
      %min3A_231 = arith.minimumf %max3A_217, %min3A_229 : vector<16xf32>
      %max3A_232 = arith.maximumf %max3A_219, %min3A_231 : vector<16xf32>
      %add3A_233 = arith.constant 96 : i32
      %add3A_234 = arith.addi %mul3A_157, %add3A_233 : i32
      %get3A_235 = arith.index_cast %add3A_234 : i32 to index
      %get3A_236 = tpu.vector_load %arg5[%get3A_235] {strides = array<i32>} : memref<25088xf32, #tpu.memory_space<vmem>>, vector<16xf32>,
      %get3A_237 = vector.shape_cast %get3A_236 : vector<16xf32> to vector<16xf32>
      %add3A_238 = arith.addf %add3A_225, %get3A_237 : vector<16xf32>
      %max3A_239 = arith.maximumf %max3A_226, %get3A_237 : vector<16xf32>
      %min3A_240 = arith.minimumf %max3A_226, %get3A_237 : vector<16xf32>
      %max3A_241 = arith.maximumf %max3A_228, %min3A_240 : vector<16xf32>
      %min3A_242 = arith.minimumf %max3A_228, %min3A_240 : vector<16xf32>
      %max3A_243 = arith.maximumf %max3A_230, %min3A_242 : vector<16xf32>
      %min3A_244 = arith.minimumf %max3A_230, %min3A_242 : vector<16xf32>
      %max3A_245 = arith.maximumf %max3A_232, %min3A_244 : vector<16xf32>
      %add3A_246 = arith.constant 112 : i32
      %add3A_247 = arith.addi %mul3A_157, %add3A_246 : i32
      %get3A_248 = arith.index_cast %add3A_247 : i32 to index
      %get3A_249 = tpu.vector_load %arg5[%get3A_248] {strides = array<i32>} : memref<25088xf32, #tpu.memory_space<vmem>>, vector<16xf32>,
      %get3A_250 = vector.shape_cast %get3A_249 : vector<16xf32> to vector<16xf32>
      %add3A_251 = arith.addf %add3A_238, %get3A_250 : vector<16xf32>
      %max3A_252 = arith.maximumf %max3A_239, %get3A_250 : vector<16xf32>
      %min3A_253 = arith.minimumf %max3A_239, %get3A_250 : vector<16xf32>
      %max3A_254 = arith.maximumf %max3A_241, %min3A_253 : vector<16xf32>
      %min3A_255 = arith.minimumf %max3A_241, %min3A_253 : vector<16xf32>
      %max3A_256 = arith.maximumf %max3A_243, %min3A_255 : vector<16xf32>
      %min3A_257 = arith.minimumf %max3A_243, %min3A_255 : vector<16xf32>
      %max3A_258 = arith.maximumf %max3A_245, %min3A_257 : vector<16xf32>
      %add3A_259 = arith.constant 128 : i32
      %add3A_260 = arith.addi %mul3A_157, %add3A_259 : i32
      %get3A_261 = arith.index_cast %add3A_260 : i32 to index
      %get3A_262 = tpu.vector_load %arg5[%get3A_261] {strides = array<i32>} : memref<25088xf32, #tpu.memory_space<vmem>>, vector<16xf32>,
      %get3A_263 = vector.shape_cast %get3A_262 : vector<16xf32> to vector<16xf32>
      %add3A_264 = arith.addf %add3A_251, %get3A_263 : vector<16xf32>
      %max3A_265 = arith.maximumf %max3A_252, %get3A_263 : vector<16xf32>
      %min3A_266 = arith.minimumf %max3A_252, %get3A_263 : vector<16xf32>
      %max3A_267 = arith.maximumf %max3A_254, %min3A_266 : vector<16xf32>
      %min3A_268 = arith.minimumf %max3A_254, %min3A_266 : vector<16xf32>
      %max3A_269 = arith.maximumf %max3A_256, %min3A_268 : vector<16xf32>
      %min3A_270 = arith.minimumf %max3A_256, %min3A_268 : vector<16xf32>
      %max3A_271 = arith.maximumf %max3A_258, %min3A_270 : vector<16xf32>
      %add3A_272 = arith.constant 144 : i32
      %add3A_273 = arith.addi %mul3A_157, %add3A_272 : i32
      %get3A_274 = arith.index_cast %add3A_273 : i32 to index
      %get3A_275 = tpu.vector_load %arg5[%get3A_274] {strides = array<i32>} : memref<25088xf32, #tpu.memory_space<vmem>>, vector<16xf32>,
      %get3A_276 = vector.shape_cast %get3A_275 : vector<16xf32> to vector<16xf32>
      %add3A_277 = arith.addf %add3A_264, %get3A_276 : vector<16xf32>
      %max3A_278 = arith.maximumf %max3A_265, %get3A_276 : vector<16xf32>
      %min3A_279 = arith.minimumf %max3A_265, %get3A_276 : vector<16xf32>
      %max3A_280 = arith.maximumf %max3A_267, %min3A_279 : vector<16xf32>
      %min3A_281 = arith.minimumf %max3A_267, %min3A_279 : vector<16xf32>
      %max3A_282 = arith.maximumf %max3A_269, %min3A_281 : vector<16xf32>
      %min3A_283 = arith.minimumf %max3A_269, %min3A_281 : vector<16xf32>
      %max3A_284 = arith.maximumf %max3A_271, %min3A_283 : vector<16xf32>
      %add3A_285 = arith.constant 160 : i32
      %add3A_286 = arith.addi %mul3A_157, %add3A_285 : i32
      %get3A_287 = arith.index_cast %add3A_286 : i32 to index
      %get3A_288 = tpu.vector_load %arg5[%get3A_287] {strides = array<i32>} : memref<25088xf32, #tpu.memory_space<vmem>>, vector<16xf32>,
      %get3A_289 = vector.shape_cast %get3A_288 : vector<16xf32> to vector<16xf32>
      %add3A_290 = arith.addf %add3A_277, %get3A_289 : vector<16xf32>
      %max3A_291 = arith.maximumf %max3A_278, %get3A_289 : vector<16xf32>
      %min3A_292 = arith.minimumf %max3A_278, %get3A_289 : vector<16xf32>
      %max3A_293 = arith.maximumf %max3A_280, %min3A_292 : vector<16xf32>
      %min3A_294 = arith.minimumf %max3A_280, %min3A_292 : vector<16xf32>
      %max3A_295 = arith.maximumf %max3A_282, %min3A_294 : vector<16xf32>
      %min3A_296 = arith.minimumf %max3A_282, %min3A_294 : vector<16xf32>
      %max3A_297 = arith.maximumf %max3A_284, %min3A_296 : vector<16xf32>
      %add3A_298 = arith.constant 176 : i32
      %add3A_299 = arith.addi %mul3A_157, %add3A_298 : i32
      %get3A_300 = arith.index_cast %add3A_299 : i32 to index
      %get3A_301 = tpu.vector_load %arg5[%get3A_300] {strides = array<i32>} : memref<25088xf32, #tpu.memory_space<vmem>>, vector<16xf32>,
      %get3A_302 = vector.shape_cast %get3A_301 : vector<16xf32> to vector<16xf32>
      %add3A_303 = arith.addf %add3A_290, %get3A_302 : vector<16xf32>
      %max3A_304 = arith.maximumf %max3A_291, %get3A_302 : vector<16xf32>
      %min3A_305 = arith.minimumf %max3A_291, %get3A_302 : vector<16xf32>
      %max3A_306 = arith.maximumf %max3A_293, %min3A_305 : vector<16xf32>
      %min3A_307 = arith.minimumf %max3A_293, %min3A_305 : vector<16xf32>
      %max3A_308 = arith.maximumf %max3A_295, %min3A_307 : vector<16xf32>
      %min3A_309 = arith.minimumf %max3A_295, %min3A_307 : vector<16xf32>
      %max3A_310 = arith.maximumf %max3A_297, %min3A_309 : vector<16xf32>
      %add3A_311 = arith.constant 192 : i32
      %add3A_312 = arith.addi %mul3A_157, %add3A_311 : i32
      %get3A_313 = arith.index_cast %add3A_312 : i32 to index
      %get3A_314 = tpu.vector_load %arg5[%get3A_313] {strides = array<i32>} : memref<25088xf32, #tpu.memory_space<vmem>>, vector<16xf32>,
      %get3A_315 = vector.shape_cast %get3A_314 : vector<16xf32> to vector<16xf32>
      %add3A_316 = arith.addf %add3A_303, %get3A_315 : vector<16xf32>
      %max3A_317 = arith.maximumf %max3A_304, %get3A_315 : vector<16xf32>
      %min3A_318 = arith.minimumf %max3A_304, %get3A_315 : vector<16xf32>
      %max3A_319 = arith.maximumf %max3A_306, %min3A_318 : vector<16xf32>
      %min3A_320 = arith.minimumf %max3A_306, %min3A_318 : vector<16xf32>
      %max3A_321 = arith.maximumf %max3A_308, %min3A_320 : vector<16xf32>
      %min3A_322 = arith.minimumf %max3A_308, %min3A_320 : vector<16xf32>
      %max3A_323 = arith.maximumf %max3A_310, %min3A_322 : vector<16xf32>
      %add3A_324 = arith.constant 208 : i32
      %add3A_325 = arith.addi %mul3A_157, %add3A_324 : i32
      %get3A_326 = arith.index_cast %add3A_325 : i32 to index
      %get3A_327 = tpu.vector_load %arg5[%get3A_326] {strides = array<i32>} : memref<25088xf32, #tpu.memory_space<vmem>>, vector<16xf32>,
      %get3A_328 = vector.shape_cast %get3A_327 : vector<16xf32> to vector<16xf32>
      %add3A_329 = arith.addf %add3A_316, %get3A_328 : vector<16xf32>
      %max3A_330 = arith.maximumf %max3A_317, %get3A_328 : vector<16xf32>
      %min3A_331 = arith.minimumf %max3A_317, %get3A_328 : vector<16xf32>
      %max3A_332 = arith.maximumf %max3A_319, %min3A_331 : vector<16xf32>
      %min3A_333 = arith.minimumf %max3A_319, %min3A_331 : vector<16xf32>
      %max3A_334 = arith.maximumf %max3A_321, %min3A_333 : vector<16xf32>
      %min3A_335 = arith.minimumf %max3A_321, %min3A_333 : vector<16xf32>
      %max3A_336 = arith.maximumf %max3A_323, %min3A_335 : vector<16xf32>
      %add3A_337 = arith.constant 224 : i32
      %add3A_338 = arith.addi %mul3A_157, %add3A_337 : i32
      %get3A_339 = arith.index_cast %add3A_338 : i32 to index
      %get3A_340 = tpu.vector_load %arg5[%get3A_339] {strides = array<i32>} : memref<25088xf32, #tpu.memory_space<vmem>>, vector<16xf32>,
      %get3A_341 = vector.shape_cast %get3A_340 : vector<16xf32> to vector<16xf32>
      %add3A_342 = arith.addf %add3A_329, %get3A_341 : vector<16xf32>
      %max3A_343 = arith.maximumf %max3A_330, %get3A_341 : vector<16xf32>
      %min3A_344 = arith.minimumf %max3A_330, %get3A_341 : vector<16xf32>
      %max3A_345 = arith.maximumf %max3A_332, %min3A_344 : vector<16xf32>
      %min3A_346 = arith.minimumf %max3A_332, %min3A_344 : vector<16xf32>
      %max3A_347 = arith.maximumf %max3A_334, %min3A_346 : vector<16xf32>
      %min3A_348 = arith.minimumf %max3A_334, %min3A_346 : vector<16xf32>
      %max3A_349 = arith.maximumf %max3A_336, %min3A_348 : vector<16xf32>
      %add3A_350 = arith.constant 240 : i32
      %add3A_351 = arith.addi %mul3A_157, %add3A_350 : i32
      %get3A_352 = arith.index_cast %add3A_351 : i32 to index
      %get3A_353 = tpu.vector_load %arg5[%get3A_352] {strides = array<i32>} : memref<25088xf32, #tpu.memory_space<vmem>>, vector<16xf32>,
      %get3A_354 = vector.shape_cast %get3A_353 : vector<16xf32> to vector<16xf32>
      %add3A_355 = arith.addf %add3A_342, %get3A_354 : vector<16xf32>
      %max3A_356 = arith.maximumf %max3A_343, %get3A_354 : vector<16xf32>
      %min3A_357 = arith.minimumf %max3A_343, %get3A_354 : vector<16xf32>
      %max3A_358 = arith.maximumf %max3A_345, %min3A_357 : vector<16xf32>
      %min3A_359 = arith.minimumf %max3A_345, %min3A_357 : vector<16xf32>
      %max3A_360 = arith.maximumf %max3A_347, %min3A_359 : vector<16xf32>
      %min3A_361 = arith.minimumf %max3A_347, %min3A_359 : vector<16xf32>
      %max3A_362 = arith.maximumf %max3A_349, %min3A_361 : vector<16xf32>
      scf.yield %max3A_356, %max3A_358, %max3A_360, %max3A_362, %add3A_355 : vector<16xf32>, vector<16xf32>, vector<16xf32>, vector<16xf32>, vector<16xf32>
    }
    %scan3A_48 = arith.constant 98 : i32
    %dma_wait3A_49 = tpu.memref_slice %arg2[%add3A_25] : memref<19267584xf32, #tpu.memory_space<hbm>> -> memref<25088xf32, #tpu.memory_space<hbm>>
    %dma_wait3A_50 = tpu.memref_slice %arg2[%add3A_25] : memref<19267584xf32, #tpu.memory_space<hbm>> -> memref<25088xf32, #tpu.memory_space<hbm>>
    tpu.wait_dma2 semaphore(%arg10 : memref<!tpu.dma_semaphore, #tpu.memory_space<semaphore_mem>>) src(%dma_wait3A_50 : memref<25088xf32, #tpu.memory_space<hbm>>) dst(%arg6 : memref<25088xf32, #tpu.memory_space<vmem>>)
    %add3A_51 = arith.constant 64 : i32
    %add3A_52 = arith.addi %add3A_51, %add3A : i32
    %mul3A_53 = arith.constant 200704 : i32
    %mul3A_54 = arith.muli %add3A_52, %mul3A_53 : i32
    %add3A_55 = arith.constant 100352 : i32
    %add3A_56 = arith.addi %mul3A_54, %add3A_55 : i32
    %dma_start3A_57 = tpu.memref_slice %arg2[%add3A_56] : memref<19267584xf32, #tpu.memory_space<hbm>> -> memref<25088xf32, #tpu.memory_space<hbm>>
    %dma_start3A_58 = tpu.memref_slice %arg2[%add3A_56] : memref<19267584xf32, #tpu.memory_space<hbm>> -> memref<25088xf32, #tpu.memory_space<hbm>>
    tpu.enqueue_dma source(%dma_start3A_58 : memref<25088xf32, #tpu.memory_space<hbm>>) target(%arg4 : memref<25088xf32, #tpu.memory_space<vmem>>) target_semaphore(%arg8 : memref<!tpu.dma_semaphore, #tpu.memory_space<semaphore_mem>>)
    %scan3A_59 = arith.constant 0 : i32
    %scan3A_60 = arith.constant 98 : i32
    %scan3A_61 = arith.addi %scan3A_59, %scan3A_60 : i32
    %scan3A_62 = arith.constant 1 : i32
    %scan3A_63:5 = scf.for %scan3A_150 = %scan3A_59 to %scan3A_61 step %scan3A_62 iter_args(%scan3A_151 = %scan3A_47#0, %scan3A_152 = %scan3A_47#1, %scan3A_153 = %scan3A_47#2, %scan3A_154 = %scan3A_47#3, %scan3A_155 = %scan3A_47#4) -> (vector<16xf32>, vector<16xf32>, vector<16xf32>, vector<16xf32>, vector<16xf32>)  : i32 {
      %mul3A_156 = arith.constant 256 : i32
      %mul3A_157 = arith.muli %scan3A_150, %mul3A_156 : i32
      %add3A_158 = arith.constant 0 : i32
      %add3A_159 = arith.addi %mul3A_157, %add3A_158 : i32
      %get3A = arith.index_cast %add3A_159 : i32 to index
      %get3A_160 = tpu.vector_load %arg6[%get3A] {strides = array<i32>} : memref<25088xf32, #tpu.memory_space<vmem>>, vector<16xf32>,
      %get3A_161 = vector.shape_cast %get3A_160 : vector<16xf32> to vector<16xf32>
      %add3A_162 = arith.addf %scan3A_155, %get3A_161 : vector<16xf32>
      %max3A = arith.maximumf %scan3A_151, %get3A_161 : vector<16xf32>
      %min3A = arith.minimumf %scan3A_151, %get3A_161 : vector<16xf32>
      %max3A_163 = arith.maximumf %scan3A_152, %min3A : vector<16xf32>
      %min3A_164 = arith.minimumf %scan3A_152, %min3A : vector<16xf32>
      %max3A_165 = arith.maximumf %scan3A_153, %min3A_164 : vector<16xf32>
      %min3A_166 = arith.minimumf %scan3A_153, %min3A_164 : vector<16xf32>
      %max3A_167 = arith.maximumf %scan3A_154, %min3A_166 : vector<16xf32>
      %add3A_168 = arith.constant 16 : i32
      %add3A_169 = arith.addi %mul3A_157, %add3A_168 : i32
      %get3A_170 = arith.index_cast %add3A_169 : i32 to index
      %get3A_171 = tpu.vector_load %arg6[%get3A_170] {strides = array<i32>} : memref<25088xf32, #tpu.memory_space<vmem>>, vector<16xf32>,
      %get3A_172 = vector.shape_cast %get3A_171 : vector<16xf32> to vector<16xf32>
      %add3A_173 = arith.addf %add3A_162, %get3A_172 : vector<16xf32>
      %max3A_174 = arith.maximumf %max3A, %get3A_172 : vector<16xf32>
      %min3A_175 = arith.minimumf %max3A, %get3A_172 : vector<16xf32>
      %max3A_176 = arith.maximumf %max3A_163, %min3A_175 : vector<16xf32>
      %min3A_177 = arith.minimumf %max3A_163, %min3A_175 : vector<16xf32>
      %max3A_178 = arith.maximumf %max3A_165, %min3A_177 : vector<16xf32>
      %min3A_179 = arith.minimumf %max3A_165, %min3A_177 : vector<16xf32>
      %max3A_180 = arith.maximumf %max3A_167, %min3A_179 : vector<16xf32>
      %add3A_181 = arith.constant 32 : i32
      %add3A_182 = arith.addi %mul3A_157, %add3A_181 : i32
      %get3A_183 = arith.index_cast %add3A_182 : i32 to index
      %get3A_184 = tpu.vector_load %arg6[%get3A_183] {strides = array<i32>} : memref<25088xf32, #tpu.memory_space<vmem>>, vector<16xf32>,
      %get3A_185 = vector.shape_cast %get3A_184 : vector<16xf32> to vector<16xf32>
      %add3A_186 = arith.addf %add3A_173, %get3A_185 : vector<16xf32>
      %max3A_187 = arith.maximumf %max3A_174, %get3A_185 : vector<16xf32>
      %min3A_188 = arith.minimumf %max3A_174, %get3A_185 : vector<16xf32>
      %max3A_189 = arith.maximumf %max3A_176, %min3A_188 : vector<16xf32>
      %min3A_190 = arith.minimumf %max3A_176, %min3A_188 : vector<16xf32>
      %max3A_191 = arith.maximumf %max3A_178, %min3A_190 : vector<16xf32>
      %min3A_192 = arith.minimumf %max3A_178, %min3A_190 : vector<16xf32>
      %max3A_193 = arith.maximumf %max3A_180, %min3A_192 : vector<16xf32>
      %add3A_194 = arith.constant 48 : i32
      %add3A_195 = arith.addi %mul3A_157, %add3A_194 : i32
      %get3A_196 = arith.index_cast %add3A_195 : i32 to index
      %get3A_197 = tpu.vector_load %arg6[%get3A_196] {strides = array<i32>} : memref<25088xf32, #tpu.memory_space<vmem>>, vector<16xf32>,
      %get3A_198 = vector.shape_cast %get3A_197 : vector<16xf32> to vector<16xf32>
      %add3A_199 = arith.addf %add3A_186, %get3A_198 : vector<16xf32>
      %max3A_200 = arith.maximumf %max3A_187, %get3A_198 : vector<16xf32>
      %min3A_201 = arith.minimumf %max3A_187, %get3A_198 : vector<16xf32>
      %max3A_202 = arith.maximumf %max3A_189, %min3A_201 : vector<16xf32>
      %min3A_203 = arith.minimumf %max3A_189, %min3A_201 : vector<16xf32>
      %max3A_204 = arith.maximumf %max3A_191, %min3A_203 : vector<16xf32>
      %min3A_205 = arith.minimumf %max3A_191, %min3A_203 : vector<16xf32>
      %max3A_206 = arith.maximumf %max3A_193, %min3A_205 : vector<16xf32>
      %add3A_207 = arith.constant 64 : i32
      %add3A_208 = arith.addi %mul3A_157, %add3A_207 : i32
      %get3A_209 = arith.index_cast %add3A_208 : i32 to index
      %get3A_210 = tpu.vector_load %arg6[%get3A_209] {strides = array<i32>} : memref<25088xf32, #tpu.memory_space<vmem>>, vector<16xf32>,
      %get3A_211 = vector.shape_cast %get3A_210 : vector<16xf32> to vector<16xf32>
      %add3A_212 = arith.addf %add3A_199, %get3A_211 : vector<16xf32>
      %max3A_213 = arith.maximumf %max3A_200, %get3A_211 : vector<16xf32>
      %min3A_214 = arith.minimumf %max3A_200, %get3A_211 : vector<16xf32>
      %max3A_215 = arith.maximumf %max3A_202, %min3A_214 : vector<16xf32>
      %min3A_216 = arith.minimumf %max3A_202, %min3A_214 : vector<16xf32>
      %max3A_217 = arith.maximumf %max3A_204, %min3A_216 : vector<16xf32>
      %min3A_218 = arith.minimumf %max3A_204, %min3A_216 : vector<16xf32>
      %max3A_219 = arith.maximumf %max3A_206, %min3A_218 : vector<16xf32>
      %add3A_220 = arith.constant 80 : i32
      %add3A_221 = arith.addi %mul3A_157, %add3A_220 : i32
      %get3A_222 = arith.index_cast %add3A_221 : i32 to index
      %get3A_223 = tpu.vector_load %arg6[%get3A_222] {strides = array<i32>} : memref<25088xf32, #tpu.memory_space<vmem>>, vector<16xf32>,
      %get3A_224 = vector.shape_cast %get3A_223 : vector<16xf32> to vector<16xf32>
      %add3A_225 = arith.addf %add3A_212, %get3A_224 : vector<16xf32>
      %max3A_226 = arith.maximumf %max3A_213, %get3A_224 : vector<16xf32>
      %min3A_227 = arith.minimumf %max3A_213, %get3A_224 : vector<16xf32>
      %max3A_228 = arith.maximumf %max3A_215, %min3A_227 : vector<16xf32>
      %min3A_229 = arith.minimumf %max3A_215, %min3A_227 : vector<16xf32>
      %max3A_230 = arith.maximumf %max3A_217, %min3A_229 : vector<16xf32>
      %min3A_231 = arith.minimumf %max3A_217, %min3A_229 : vector<16xf32>
      %max3A_232 = arith.maximumf %max3A_219, %min3A_231 : vector<16xf32>
      %add3A_233 = arith.constant 96 : i32
      %add3A_234 = arith.addi %mul3A_157, %add3A_233 : i32
      %get3A_235 = arith.index_cast %add3A_234 : i32 to index
      %get3A_236 = tpu.vector_load %arg6[%get3A_235] {strides = array<i32>} : memref<25088xf32, #tpu.memory_space<vmem>>, vector<16xf32>,
      %get3A_237 = vector.shape_cast %get3A_236 : vector<16xf32> to vector<16xf32>
      %add3A_238 = arith.addf %add3A_225, %get3A_237 : vector<16xf32>
      %max3A_239 = arith.maximumf %max3A_226, %get3A_237 : vector<16xf32>
      %min3A_240 = arith.minimumf %max3A_226, %get3A_237 : vector<16xf32>
      %max3A_241 = arith.maximumf %max3A_228, %min3A_240 : vector<16xf32>
      %min3A_242 = arith.minimumf %max3A_228, %min3A_240 : vector<16xf32>
      %max3A_243 = arith.maximumf %max3A_230, %min3A_242 : vector<16xf32>
      %min3A_244 = arith.minimumf %max3A_230, %min3A_242 : vector<16xf32>
      %max3A_245 = arith.maximumf %max3A_232, %min3A_244 : vector<16xf32>
      %add3A_246 = arith.constant 112 : i32
      %add3A_247 = arith.addi %mul3A_157, %add3A_246 : i32
      %get3A_248 = arith.index_cast %add3A_247 : i32 to index
      %get3A_249 = tpu.vector_load %arg6[%get3A_248] {strides = array<i32>} : memref<25088xf32, #tpu.memory_space<vmem>>, vector<16xf32>,
      %get3A_250 = vector.shape_cast %get3A_249 : vector<16xf32> to vector<16xf32>
      %add3A_251 = arith.addf %add3A_238, %get3A_250 : vector<16xf32>
      %max3A_252 = arith.maximumf %max3A_239, %get3A_250 : vector<16xf32>
      %min3A_253 = arith.minimumf %max3A_239, %get3A_250 : vector<16xf32>
      %max3A_254 = arith.maximumf %max3A_241, %min3A_253 : vector<16xf32>
      %min3A_255 = arith.minimumf %max3A_241, %min3A_253 : vector<16xf32>
      %max3A_256 = arith.maximumf %max3A_243, %min3A_255 : vector<16xf32>
      %min3A_257 = arith.minimumf %max3A_243, %min3A_255 : vector<16xf32>
      %max3A_258 = arith.maximumf %max3A_245, %min3A_257 : vector<16xf32>
      %add3A_259 = arith.constant 128 : i32
      %add3A_260 = arith.addi %mul3A_157, %add3A_259 : i32
      %get3A_261 = arith.index_cast %add3A_260 : i32 to index
      %get3A_262 = tpu.vector_load %arg6[%get3A_261] {strides = array<i32>} : memref<25088xf32, #tpu.memory_space<vmem>>, vector<16xf32>,
      %get3A_263 = vector.shape_cast %get3A_262 : vector<16xf32> to vector<16xf32>
      %add3A_264 = arith.addf %add3A_251, %get3A_263 : vector<16xf32>
      %max3A_265 = arith.maximumf %max3A_252, %get3A_263 : vector<16xf32>
      %min3A_266 = arith.minimumf %max3A_252, %get3A_263 : vector<16xf32>
      %max3A_267 = arith.maximumf %max3A_254, %min3A_266 : vector<16xf32>
      %min3A_268 = arith.minimumf %max3A_254, %min3A_266 : vector<16xf32>
      %max3A_269 = arith.maximumf %max3A_256, %min3A_268 : vector<16xf32>
      %min3A_270 = arith.minimumf %max3A_256, %min3A_268 : vector<16xf32>
      %max3A_271 = arith.maximumf %max3A_258, %min3A_270 : vector<16xf32>
      %add3A_272 = arith.constant 144 : i32
      %add3A_273 = arith.addi %mul3A_157, %add3A_272 : i32
      %get3A_274 = arith.index_cast %add3A_273 : i32 to index
      %get3A_275 = tpu.vector_load %arg6[%get3A_274] {strides = array<i32>} : memref<25088xf32, #tpu.memory_space<vmem>>, vector<16xf32>,
      %get3A_276 = vector.shape_cast %get3A_275 : vector<16xf32> to vector<16xf32>
      %add3A_277 = arith.addf %add3A_264, %get3A_276 : vector<16xf32>
      %max3A_278 = arith.maximumf %max3A_265, %get3A_276 : vector<16xf32>
      %min3A_279 = arith.minimumf %max3A_265, %get3A_276 : vector<16xf32>
      %max3A_280 = arith.maximumf %max3A_267, %min3A_279 : vector<16xf32>
      %min3A_281 = arith.minimumf %max3A_267, %min3A_279 : vector<16xf32>
      %max3A_282 = arith.maximumf %max3A_269, %min3A_281 : vector<16xf32>
      %min3A_283 = arith.minimumf %max3A_269, %min3A_281 : vector<16xf32>
      %max3A_284 = arith.maximumf %max3A_271, %min3A_283 : vector<16xf32>
      %add3A_285 = arith.constant 160 : i32
      %add3A_286 = arith.addi %mul3A_157, %add3A_285 : i32
      %get3A_287 = arith.index_cast %add3A_286 : i32 to index
      %get3A_288 = tpu.vector_load %arg6[%get3A_287] {strides = array<i32>} : memref<25088xf32, #tpu.memory_space<vmem>>, vector<16xf32>,
      %get3A_289 = vector.shape_cast %get3A_288 : vector<16xf32> to vector<16xf32>
      %add3A_290 = arith.addf %add3A_277, %get3A_289 : vector<16xf32>
      %max3A_291 = arith.maximumf %max3A_278, %get3A_289 : vector<16xf32>
      %min3A_292 = arith.minimumf %max3A_278, %get3A_289 : vector<16xf32>
      %max3A_293 = arith.maximumf %max3A_280, %min3A_292 : vector<16xf32>
      %min3A_294 = arith.minimumf %max3A_280, %min3A_292 : vector<16xf32>
      %max3A_295 = arith.maximumf %max3A_282, %min3A_294 : vector<16xf32>
      %min3A_296 = arith.minimumf %max3A_282, %min3A_294 : vector<16xf32>
      %max3A_297 = arith.maximumf %max3A_284, %min3A_296 : vector<16xf32>
      %add3A_298 = arith.constant 176 : i32
      %add3A_299 = arith.addi %mul3A_157, %add3A_298 : i32
      %get3A_300 = arith.index_cast %add3A_299 : i32 to index
      %get3A_301 = tpu.vector_load %arg6[%get3A_300] {strides = array<i32>} : memref<25088xf32, #tpu.memory_space<vmem>>, vector<16xf32>,
      %get3A_302 = vector.shape_cast %get3A_301 : vector<16xf32> to vector<16xf32>
      %add3A_303 = arith.addf %add3A_290, %get3A_302 : vector<16xf32>
      %max3A_304 = arith.maximumf %max3A_291, %get3A_302 : vector<16xf32>
      %min3A_305 = arith.minimumf %max3A_291, %get3A_302 : vector<16xf32>
      %max3A_306 = arith.maximumf %max3A_293, %min3A_305 : vector<16xf32>
      %min3A_307 = arith.minimumf %max3A_293, %min3A_305 : vector<16xf32>
      %max3A_308 = arith.maximumf %max3A_295, %min3A_307 : vector<16xf32>
      %min3A_309 = arith.minimumf %max3A_295, %min3A_307 : vector<16xf32>
      %max3A_310 = arith.maximumf %max3A_297, %min3A_309 : vector<16xf32>
      %add3A_311 = arith.constant 192 : i32
      %add3A_312 = arith.addi %mul3A_157, %add3A_311 : i32
      %get3A_313 = arith.index_cast %add3A_312 : i32 to index
      %get3A_314 = tpu.vector_load %arg6[%get3A_313] {strides = array<i32>} : memref<25088xf32, #tpu.memory_space<vmem>>, vector<16xf32>,
      %get3A_315 = vector.shape_cast %get3A_314 : vector<16xf32> to vector<16xf32>
      %add3A_316 = arith.addf %add3A_303, %get3A_315 : vector<16xf32>
      %max3A_317 = arith.maximumf %max3A_304, %get3A_315 : vector<16xf32>
      %min3A_318 = arith.minimumf %max3A_304, %get3A_315 : vector<16xf32>
      %max3A_319 = arith.maximumf %max3A_306, %min3A_318 : vector<16xf32>
      %min3A_320 = arith.minimumf %max3A_306, %min3A_318 : vector<16xf32>
      %max3A_321 = arith.maximumf %max3A_308, %min3A_320 : vector<16xf32>
      %min3A_322 = arith.minimumf %max3A_308, %min3A_320 : vector<16xf32>
      %max3A_323 = arith.maximumf %max3A_310, %min3A_322 : vector<16xf32>
      %add3A_324 = arith.constant 208 : i32
      %add3A_325 = arith.addi %mul3A_157, %add3A_324 : i32
      %get3A_326 = arith.index_cast %add3A_325 : i32 to index
      %get3A_327 = tpu.vector_load %arg6[%get3A_326] {strides = array<i32>} : memref<25088xf32, #tpu.memory_space<vmem>>, vector<16xf32>,
      %get3A_328 = vector.shape_cast %get3A_327 : vector<16xf32> to vector<16xf32>
      %add3A_329 = arith.addf %add3A_316, %get3A_328 : vector<16xf32>
      %max3A_330 = arith.maximumf %max3A_317, %get3A_328 : vector<16xf32>
      %min3A_331 = arith.minimumf %max3A_317, %get3A_328 : vector<16xf32>
      %max3A_332 = arith.maximumf %max3A_319, %min3A_331 : vector<16xf32>
      %min3A_333 = arith.minimumf %max3A_319, %min3A_331 : vector<16xf32>
      %max3A_334 = arith.maximumf %max3A_321, %min3A_333 : vector<16xf32>
      %min3A_335 = arith.minimumf %max3A_321, %min3A_333 : vector<16xf32>
      %max3A_336 = arith.maximumf %max3A_323, %min3A_335 : vector<16xf32>
      %add3A_337 = arith.constant 224 : i32
      %add3A_338 = arith.addi %mul3A_157, %add3A_337 : i32
      %get3A_339 = arith.index_cast %add3A_338 : i32 to index
      %get3A_340 = tpu.vector_load %arg6[%get3A_339] {strides = array<i32>} : memref<25088xf32, #tpu.memory_space<vmem>>, vector<16xf32>,
      %get3A_341 = vector.shape_cast %get3A_340 : vector<16xf32> to vector<16xf32>
      %add3A_342 = arith.addf %add3A_329, %get3A_341 : vector<16xf32>
      %max3A_343 = arith.maximumf %max3A_330, %get3A_341 : vector<16xf32>
      %min3A_344 = arith.minimumf %max3A_330, %get3A_341 : vector<16xf32>
      %max3A_345 = arith.maximumf %max3A_332, %min3A_344 : vector<16xf32>
      %min3A_346 = arith.minimumf %max3A_332, %min3A_344 : vector<16xf32>
      %max3A_347 = arith.maximumf %max3A_334, %min3A_346 : vector<16xf32>
      %min3A_348 = arith.minimumf %max3A_334, %min3A_346 : vector<16xf32>
      %max3A_349 = arith.maximumf %max3A_336, %min3A_348 : vector<16xf32>
      %add3A_350 = arith.constant 240 : i32
      %add3A_351 = arith.addi %mul3A_157, %add3A_350 : i32
      %get3A_352 = arith.index_cast %add3A_351 : i32 to index
      %get3A_353 = tpu.vector_load %arg6[%get3A_352] {strides = array<i32>} : memref<25088xf32, #tpu.memory_space<vmem>>, vector<16xf32>,
      %get3A_354 = vector.shape_cast %get3A_353 : vector<16xf32> to vector<16xf32>
      %add3A_355 = arith.addf %add3A_342, %get3A_354 : vector<16xf32>
      %max3A_356 = arith.maximumf %max3A_343, %get3A_354 : vector<16xf32>
      %min3A_357 = arith.minimumf %max3A_343, %get3A_354 : vector<16xf32>
      %max3A_358 = arith.maximumf %max3A_345, %min3A_357 : vector<16xf32>
      %min3A_359 = arith.minimumf %max3A_345, %min3A_357 : vector<16xf32>
      %max3A_360 = arith.maximumf %max3A_347, %min3A_359 : vector<16xf32>
      %min3A_361 = arith.minimumf %max3A_347, %min3A_359 : vector<16xf32>
      %max3A_362 = arith.maximumf %max3A_349, %min3A_361 : vector<16xf32>
      scf.yield %max3A_356, %max3A_358, %max3A_360, %max3A_362, %add3A_355 : vector<16xf32>, vector<16xf32>, vector<16xf32>, vector<16xf32>, vector<16xf32>
    }
    %scan3A_64 = arith.constant 98 : i32
    %dma_wait3A_65 = tpu.memref_slice %arg2[%add3A_40] : memref<19267584xf32, #tpu.memory_space<hbm>> -> memref<25088xf32, #tpu.memory_space<hbm>>
    %dma_wait3A_66 = tpu.memref_slice %arg2[%add3A_40] : memref<19267584xf32, #tpu.memory_space<hbm>> -> memref<25088xf32, #tpu.memory_space<hbm>>
    tpu.wait_dma2 semaphore(%arg11 : memref<!tpu.dma_semaphore, #tpu.memory_space<semaphore_mem>>) src(%dma_wait3A_66 : memref<25088xf32, #tpu.memory_space<hbm>>) dst(%arg7 : memref<25088xf32, #tpu.memory_space<vmem>>)
    %add3A_67 = arith.constant 64 : i32
    %add3A_68 = arith.addi %add3A_67, %add3A : i32
    %mul3A_69 = arith.constant 200704 : i32
    %mul3A_70 = arith.muli %add3A_68, %mul3A_69 : i32
    %add3A_71 = arith.constant 125440 : i32
    %add3A_72 = arith.addi %mul3A_70, %add3A_71 : i32
    %dma_start3A_73 = tpu.memref_slice %arg2[%add3A_72] : memref<19267584xf32, #tpu.memory_space<hbm>> -> memref<25088xf32, #tpu.memory_space<hbm>>
    %dma_start3A_74 = tpu.memref_slice %arg2[%add3A_72] : memref<19267584xf32, #tpu.memory_space<hbm>> -> memref<25088xf32, #tpu.memory_space<hbm>>
    tpu.enqueue_dma source(%dma_start3A_74 : memref<25088xf32, #tpu.memory_space<hbm>>) target(%arg5 : memref<25088xf32, #tpu.memory_space<vmem>>) target_semaphore(%arg9 : memref<!tpu.dma_semaphore, #tpu.memory_space<semaphore_mem>>)
    %scan3A_75 = arith.constant 0 : i32
    %scan3A_76 = arith.constant 98 : i32
    %scan3A_77 = arith.addi %scan3A_75, %scan3A_76 : i32
    %scan3A_78 = arith.constant 1 : i32
    %scan3A_79:5 = scf.for %scan3A_150 = %scan3A_75 to %scan3A_77 step %scan3A_78 iter_args(%scan3A_151 = %scan3A_63#0, %scan3A_152 = %scan3A_63#1, %scan3A_153 = %scan3A_63#2, %scan3A_154 = %scan3A_63#3, %scan3A_155 = %scan3A_63#4) -> (vector<16xf32>, vector<16xf32>, vector<16xf32>, vector<16xf32>, vector<16xf32>)  : i32 {
      %mul3A_156 = arith.constant 256 : i32
      %mul3A_157 = arith.muli %scan3A_150, %mul3A_156 : i32
      %add3A_158 = arith.constant 0 : i32
      %add3A_159 = arith.addi %mul3A_157, %add3A_158 : i32
      %get3A = arith.index_cast %add3A_159 : i32 to index
      %get3A_160 = tpu.vector_load %arg7[%get3A] {strides = array<i32>} : memref<25088xf32, #tpu.memory_space<vmem>>, vector<16xf32>,
      %get3A_161 = vector.shape_cast %get3A_160 : vector<16xf32> to vector<16xf32>
      %add3A_162 = arith.addf %scan3A_155, %get3A_161 : vector<16xf32>
      %max3A = arith.maximumf %scan3A_151, %get3A_161 : vector<16xf32>
      %min3A = arith.minimumf %scan3A_151, %get3A_161 : vector<16xf32>
      %max3A_163 = arith.maximumf %scan3A_152, %min3A : vector<16xf32>
      %min3A_164 = arith.minimumf %scan3A_152, %min3A : vector<16xf32>
      %max3A_165 = arith.maximumf %scan3A_153, %min3A_164 : vector<16xf32>
      %min3A_166 = arith.minimumf %scan3A_153, %min3A_164 : vector<16xf32>
      %max3A_167 = arith.maximumf %scan3A_154, %min3A_166 : vector<16xf32>
      %add3A_168 = arith.constant 16 : i32
      %add3A_169 = arith.addi %mul3A_157, %add3A_168 : i32
      %get3A_170 = arith.index_cast %add3A_169 : i32 to index
      %get3A_171 = tpu.vector_load %arg7[%get3A_170] {strides = array<i32>} : memref<25088xf32, #tpu.memory_space<vmem>>, vector<16xf32>,
      %get3A_172 = vector.shape_cast %get3A_171 : vector<16xf32> to vector<16xf32>
      %add3A_173 = arith.addf %add3A_162, %get3A_172 : vector<16xf32>
      %max3A_174 = arith.maximumf %max3A, %get3A_172 : vector<16xf32>
      %min3A_175 = arith.minimumf %max3A, %get3A_172 : vector<16xf32>
      %max3A_176 = arith.maximumf %max3A_163, %min3A_175 : vector<16xf32>
      %min3A_177 = arith.minimumf %max3A_163, %min3A_175 : vector<16xf32>
      %max3A_178 = arith.maximumf %max3A_165, %min3A_177 : vector<16xf32>
      %min3A_179 = arith.minimumf %max3A_165, %min3A_177 : vector<16xf32>
      %max3A_180 = arith.maximumf %max3A_167, %min3A_179 : vector<16xf32>
      %add3A_181 = arith.constant 32 : i32
      %add3A_182 = arith.addi %mul3A_157, %add3A_181 : i32
      %get3A_183 = arith.index_cast %add3A_182 : i32 to index
      %get3A_184 = tpu.vector_load %arg7[%get3A_183] {strides = array<i32>} : memref<25088xf32, #tpu.memory_space<vmem>>, vector<16xf32>,
      %get3A_185 = vector.shape_cast %get3A_184 : vector<16xf32> to vector<16xf32>
      %add3A_186 = arith.addf %add3A_173, %get3A_185 : vector<16xf32>
      %max3A_187 = arith.maximumf %max3A_174, %get3A_185 : vector<16xf32>
      %min3A_188 = arith.minimumf %max3A_174, %get3A_185 : vector<16xf32>
      %max3A_189 = arith.maximumf %max3A_176, %min3A_188 : vector<16xf32>
      %min3A_190 = arith.minimumf %max3A_176, %min3A_188 : vector<16xf32>
      %max3A_191 = arith.maximumf %max3A_178, %min3A_190 : vector<16xf32>
      %min3A_192 = arith.minimumf %max3A_178, %min3A_190 : vector<16xf32>
      %max3A_193 = arith.maximumf %max3A_180, %min3A_192 : vector<16xf32>
      %add3A_194 = arith.constant 48 : i32
      %add3A_195 = arith.addi %mul3A_157, %add3A_194 : i32
      %get3A_196 = arith.index_cast %add3A_195 : i32 to index
      %get3A_197 = tpu.vector_load %arg7[%get3A_196] {strides = array<i32>} : memref<25088xf32, #tpu.memory_space<vmem>>, vector<16xf32>,
      %get3A_198 = vector.shape_cast %get3A_197 : vector<16xf32> to vector<16xf32>
      %add3A_199 = arith.addf %add3A_186, %get3A_198 : vector<16xf32>
      %max3A_200 = arith.maximumf %max3A_187, %get3A_198 : vector<16xf32>
      %min3A_201 = arith.minimumf %max3A_187, %get3A_198 : vector<16xf32>
      %max3A_202 = arith.maximumf %max3A_189, %min3A_201 : vector<16xf32>
      %min3A_203 = arith.minimumf %max3A_189, %min3A_201 : vector<16xf32>
      %max3A_204 = arith.maximumf %max3A_191, %min3A_203 : vector<16xf32>
      %min3A_205 = arith.minimumf %max3A_191, %min3A_203 : vector<16xf32>
      %max3A_206 = arith.maximumf %max3A_193, %min3A_205 : vector<16xf32>
      %add3A_207 = arith.constant 64 : i32
      %add3A_208 = arith.addi %mul3A_157, %add3A_207 : i32
      %get3A_209 = arith.index_cast %add3A_208 : i32 to index
      %get3A_210 = tpu.vector_load %arg7[%get3A_209] {strides = array<i32>} : memref<25088xf32, #tpu.memory_space<vmem>>, vector<16xf32>,
      %get3A_211 = vector.shape_cast %get3A_210 : vector<16xf32> to vector<16xf32>
      %add3A_212 = arith.addf %add3A_199, %get3A_211 : vector<16xf32>
      %max3A_213 = arith.maximumf %max3A_200, %get3A_211 : vector<16xf32>
      %min3A_214 = arith.minimumf %max3A_200, %get3A_211 : vector<16xf32>
      %max3A_215 = arith.maximumf %max3A_202, %min3A_214 : vector<16xf32>
      %min3A_216 = arith.minimumf %max3A_202, %min3A_214 : vector<16xf32>
      %max3A_217 = arith.maximumf %max3A_204, %min3A_216 : vector<16xf32>
      %min3A_218 = arith.minimumf %max3A_204, %min3A_216 : vector<16xf32>
      %max3A_219 = arith.maximumf %max3A_206, %min3A_218 : vector<16xf32>
      %add3A_220 = arith.constant 80 : i32
      %add3A_221 = arith.addi %mul3A_157, %add3A_220 : i32
      %get3A_222 = arith.index_cast %add3A_221 : i32 to index
      %get3A_223 = tpu.vector_load %arg7[%get3A_222] {strides = array<i32>} : memref<25088xf32, #tpu.memory_space<vmem>>, vector<16xf32>,
      %get3A_224 = vector.shape_cast %get3A_223 : vector<16xf32> to vector<16xf32>
      %add3A_225 = arith.addf %add3A_212, %get3A_224 : vector<16xf32>
      %max3A_226 = arith.maximumf %max3A_213, %get3A_224 : vector<16xf32>
      %min3A_227 = arith.minimumf %max3A_213, %get3A_224 : vector<16xf32>
      %max3A_228 = arith.maximumf %max3A_215, %min3A_227 : vector<16xf32>
      %min3A_229 = arith.minimumf %max3A_215, %min3A_227 : vector<16xf32>
      %max3A_230 = arith.maximumf %max3A_217, %min3A_229 : vector<16xf32>
      %min3A_231 = arith.minimumf %max3A_217, %min3A_229 : vector<16xf32>
      %max3A_232 = arith.maximumf %max3A_219, %min3A_231 : vector<16xf32>
      %add3A_233 = arith.constant 96 : i32
      %add3A_234 = arith.addi %mul3A_157, %add3A_233 : i32
      %get3A_235 = arith.index_cast %add3A_234 : i32 to index
      %get3A_236 = tpu.vector_load %arg7[%get3A_235] {strides = array<i32>} : memref<25088xf32, #tpu.memory_space<vmem>>, vector<16xf32>,
      %get3A_237 = vector.shape_cast %get3A_236 : vector<16xf32> to vector<16xf32>
      %add3A_238 = arith.addf %add3A_225, %get3A_237 : vector<16xf32>
      %max3A_239 = arith.maximumf %max3A_226, %get3A_237 : vector<16xf32>
      %min3A_240 = arith.minimumf %max3A_226, %get3A_237 : vector<16xf32>
      %max3A_241 = arith.maximumf %max3A_228, %min3A_240 : vector<16xf32>
      %min3A_242 = arith.minimumf %max3A_228, %min3A_240 : vector<16xf32>
      %max3A_243 = arith.maximumf %max3A_230, %min3A_242 : vector<16xf32>
      %min3A_244 = arith.minimumf %max3A_230, %min3A_242 : vector<16xf32>
      %max3A_245 = arith.maximumf %max3A_232, %min3A_244 : vector<16xf32>
      %add3A_246 = arith.constant 112 : i32
      %add3A_247 = arith.addi %mul3A_157, %add3A_246 : i32
      %get3A_248 = arith.index_cast %add3A_247 : i32 to index
      %get3A_249 = tpu.vector_load %arg7[%get3A_248] {strides = array<i32>} : memref<25088xf32, #tpu.memory_space<vmem>>, vector<16xf32>,
      %get3A_250 = vector.shape_cast %get3A_249 : vector<16xf32> to vector<16xf32>
      %add3A_251 = arith.addf %add3A_238, %get3A_250 : vector<16xf32>
      %max3A_252 = arith.maximumf %max3A_239, %get3A_250 : vector<16xf32>
      %min3A_253 = arith.minimumf %max3A_239, %get3A_250 : vector<16xf32>
      %max3A_254 = arith.maximumf %max3A_241, %min3A_253 : vector<16xf32>
      %min3A_255 = arith.minimumf %max3A_241, %min3A_253 : vector<16xf32>
      %max3A_256 = arith.maximumf %max3A_243, %min3A_255 : vector<16xf32>
      %min3A_257 = arith.minimumf %max3A_243, %min3A_255 : vector<16xf32>
      %max3A_258 = arith.maximumf %max3A_245, %min3A_257 : vector<16xf32>
      %add3A_259 = arith.constant 128 : i32
      %add3A_260 = arith.addi %mul3A_157, %add3A_259 : i32
      %get3A_261 = arith.index_cast %add3A_260 : i32 to index
      %get3A_262 = tpu.vector_load %arg7[%get3A_261] {strides = array<i32>} : memref<25088xf32, #tpu.memory_space<vmem>>, vector<16xf32>,
      %get3A_263 = vector.shape_cast %get3A_262 : vector<16xf32> to vector<16xf32>
      %add3A_264 = arith.addf %add3A_251, %get3A_263 : vector<16xf32>
      %max3A_265 = arith.maximumf %max3A_252, %get3A_263 : vector<16xf32>
      %min3A_266 = arith.minimumf %max3A_252, %get3A_263 : vector<16xf32>
      %max3A_267 = arith.maximumf %max3A_254, %min3A_266 : vector<16xf32>
      %min3A_268 = arith.minimumf %max3A_254, %min3A_266 : vector<16xf32>
      %max3A_269 = arith.maximumf %max3A_256, %min3A_268 : vector<16xf32>
      %min3A_270 = arith.minimumf %max3A_256, %min3A_268 : vector<16xf32>
      %max3A_271 = arith.maximumf %max3A_258, %min3A_270 : vector<16xf32>
      %add3A_272 = arith.constant 144 : i32
      %add3A_273 = arith.addi %mul3A_157, %add3A_272 : i32
      %get3A_274 = arith.index_cast %add3A_273 : i32 to index
      %get3A_275 = tpu.vector_load %arg7[%get3A_274] {strides = array<i32>} : memref<25088xf32, #tpu.memory_space<vmem>>, vector<16xf32>,
      %get3A_276 = vector.shape_cast %get3A_275 : vector<16xf32> to vector<16xf32>
      %add3A_277 = arith.addf %add3A_264, %get3A_276 : vector<16xf32>
      %max3A_278 = arith.maximumf %max3A_265, %get3A_276 : vector<16xf32>
      %min3A_279 = arith.minimumf %max3A_265, %get3A_276 : vector<16xf32>
      %max3A_280 = arith.maximumf %max3A_267, %min3A_279 : vector<16xf32>
      %min3A_281 = arith.minimumf %max3A_267, %min3A_279 : vector<16xf32>
      %max3A_282 = arith.maximumf %max3A_269, %min3A_281 : vector<16xf32>
      %min3A_283 = arith.minimumf %max3A_269, %min3A_281 : vector<16xf32>
      %max3A_284 = arith.maximumf %max3A_271, %min3A_283 : vector<16xf32>
      %add3A_285 = arith.constant 160 : i32
      %add3A_286 = arith.addi %mul3A_157, %add3A_285 : i32
      %get3A_287 = arith.index_cast %add3A_286 : i32 to index
      %get3A_288 = tpu.vector_load %arg7[%get3A_287] {strides = array<i32>} : memref<25088xf32, #tpu.memory_space<vmem>>, vector<16xf32>,
      %get3A_289 = vector.shape_cast %get3A_288 : vector<16xf32> to vector<16xf32>
      %add3A_290 = arith.addf %add3A_277, %get3A_289 : vector<16xf32>
      %max3A_291 = arith.maximumf %max3A_278, %get3A_289 : vector<16xf32>
      %min3A_292 = arith.minimumf %max3A_278, %get3A_289 : vector<16xf32>
      %max3A_293 = arith.maximumf %max3A_280, %min3A_292 : vector<16xf32>
      %min3A_294 = arith.minimumf %max3A_280, %min3A_292 : vector<16xf32>
      %max3A_295 = arith.maximumf %max3A_282, %min3A_294 : vector<16xf32>
      %min3A_296 = arith.minimumf %max3A_282, %min3A_294 : vector<16xf32>
      %max3A_297 = arith.maximumf %max3A_284, %min3A_296 : vector<16xf32>
      %add3A_298 = arith.constant 176 : i32
      %add3A_299 = arith.addi %mul3A_157, %add3A_298 : i32
      %get3A_300 = arith.index_cast %add3A_299 : i32 to index
      %get3A_301 = tpu.vector_load %arg7[%get3A_300] {strides = array<i32>} : memref<25088xf32, #tpu.memory_space<vmem>>, vector<16xf32>,
      %get3A_302 = vector.shape_cast %get3A_301 : vector<16xf32> to vector<16xf32>
      %add3A_303 = arith.addf %add3A_290, %get3A_302 : vector<16xf32>
      %max3A_304 = arith.maximumf %max3A_291, %get3A_302 : vector<16xf32>
      %min3A_305 = arith.minimumf %max3A_291, %get3A_302 : vector<16xf32>
      %max3A_306 = arith.maximumf %max3A_293, %min3A_305 : vector<16xf32>
      %min3A_307 = arith.minimumf %max3A_293, %min3A_305 : vector<16xf32>
      %max3A_308 = arith.maximumf %max3A_295, %min3A_307 : vector<16xf32>
      %min3A_309 = arith.minimumf %max3A_295, %min3A_307 : vector<16xf32>
      %max3A_310 = arith.maximumf %max3A_297, %min3A_309 : vector<16xf32>
      %add3A_311 = arith.constant 192 : i32
      %add3A_312 = arith.addi %mul3A_157, %add3A_311 : i32
      %get3A_313 = arith.index_cast %add3A_312 : i32 to index
      %get3A_314 = tpu.vector_load %arg7[%get3A_313] {strides = array<i32>} : memref<25088xf32, #tpu.memory_space<vmem>>, vector<16xf32>,
      %get3A_315 = vector.shape_cast %get3A_314 : vector<16xf32> to vector<16xf32>
      %add3A_316 = arith.addf %add3A_303, %get3A_315 : vector<16xf32>
      %max3A_317 = arith.maximumf %max3A_304, %get3A_315 : vector<16xf32>
      %min3A_318 = arith.minimumf %max3A_304, %get3A_315 : vector<16xf32>
      %max3A_319 = arith.maximumf %max3A_306, %min3A_318 : vector<16xf32>
      %min3A_320 = arith.minimumf %max3A_306, %min3A_318 : vector<16xf32>
      %max3A_321 = arith.maximumf %max3A_308, %min3A_320 : vector<16xf32>
      %min3A_322 = arith.minimumf %max3A_308, %min3A_320 : vector<16xf32>
      %max3A_323 = arith.maximumf %max3A_310, %min3A_322 : vector<16xf32>
      %add3A_324 = arith.constant 208 : i32
      %add3A_325 = arith.addi %mul3A_157, %add3A_324 : i32
      %get3A_326 = arith.index_cast %add3A_325 : i32 to index
      %get3A_327 = tpu.vector_load %arg7[%get3A_326] {strides = array<i32>} : memref<25088xf32, #tpu.memory_space<vmem>>, vector<16xf32>,
      %get3A_328 = vector.shape_cast %get3A_327 : vector<16xf32> to vector<16xf32>
      %add3A_329 = arith.addf %add3A_316, %get3A_328 : vector<16xf32>
      %max3A_330 = arith.maximumf %max3A_317, %get3A_328 : vector<16xf32>
      %min3A_331 = arith.minimumf %max3A_317, %get3A_328 : vector<16xf32>
      %max3A_332 = arith.maximumf %max3A_319, %min3A_331 : vector<16xf32>
      %min3A_333 = arith.minimumf %max3A_319, %min3A_331 : vector<16xf32>
      %max3A_334 = arith.maximumf %max3A_321, %min3A_333 : vector<16xf32>
      %min3A_335 = arith.minimumf %max3A_321, %min3A_333 : vector<16xf32>
      %max3A_336 = arith.maximumf %max3A_323, %min3A_335 : vector<16xf32>
      %add3A_337 = arith.constant 224 : i32
      %add3A_338 = arith.addi %mul3A_157, %add3A_337 : i32
      %get3A_339 = arith.index_cast %add3A_338 : i32 to index
      %get3A_340 = tpu.vector_load %arg7[%get3A_339] {strides = array<i32>} : memref<25088xf32, #tpu.memory_space<vmem>>, vector<16xf32>,
      %get3A_341 = vector.shape_cast %get3A_340 : vector<16xf32> to vector<16xf32>
      %add3A_342 = arith.addf %add3A_329, %get3A_341 : vector<16xf32>
      %max3A_343 = arith.maximumf %max3A_330, %get3A_341 : vector<16xf32>
      %min3A_344 = arith.minimumf %max3A_330, %get3A_341 : vector<16xf32>
      %max3A_345 = arith.maximumf %max3A_332, %min3A_344 : vector<16xf32>
      %min3A_346 = arith.minimumf %max3A_332, %min3A_344 : vector<16xf32>
      %max3A_347 = arith.maximumf %max3A_334, %min3A_346 : vector<16xf32>
      %min3A_348 = arith.minimumf %max3A_334, %min3A_346 : vector<16xf32>
      %max3A_349 = arith.maximumf %max3A_336, %min3A_348 : vector<16xf32>
      %add3A_350 = arith.constant 240 : i32
      %add3A_351 = arith.addi %mul3A_157, %add3A_350 : i32
      %get3A_352 = arith.index_cast %add3A_351 : i32 to index
      %get3A_353 = tpu.vector_load %arg7[%get3A_352] {strides = array<i32>} : memref<25088xf32, #tpu.memory_space<vmem>>, vector<16xf32>,
      %get3A_354 = vector.shape_cast %get3A_353 : vector<16xf32> to vector<16xf32>
      %add3A_355 = arith.addf %add3A_342, %get3A_354 : vector<16xf32>
      %max3A_356 = arith.maximumf %max3A_343, %get3A_354 : vector<16xf32>
      %min3A_357 = arith.minimumf %max3A_343, %get3A_354 : vector<16xf32>
      %max3A_358 = arith.maximumf %max3A_345, %min3A_357 : vector<16xf32>
      %min3A_359 = arith.minimumf %max3A_345, %min3A_357 : vector<16xf32>
      %max3A_360 = arith.maximumf %max3A_347, %min3A_359 : vector<16xf32>
      %min3A_361 = arith.minimumf %max3A_347, %min3A_359 : vector<16xf32>
      %max3A_362 = arith.maximumf %max3A_349, %min3A_361 : vector<16xf32>
      scf.yield %max3A_356, %max3A_358, %max3A_360, %max3A_362, %add3A_355 : vector<16xf32>, vector<16xf32>, vector<16xf32>, vector<16xf32>, vector<16xf32>
    }
    %scan3A_80 = arith.constant 98 : i32
    %dma_wait3A_81 = tpu.memref_slice %arg2[%add3A_56] : memref<19267584xf32, #tpu.memory_space<hbm>> -> memref<25088xf32, #tpu.memory_space<hbm>>
    %dma_wait3A_82 = tpu.memref_slice %arg2[%add3A_56] : memref<19267584xf32, #tpu.memory_space<hbm>> -> memref<25088xf32, #tpu.memory_space<hbm>>
    tpu.wait_dma2 semaphore(%arg8 : memref<!tpu.dma_semaphore, #tpu.memory_space<semaphore_mem>>) src(%dma_wait3A_82 : memref<25088xf32, #tpu.memory_space<hbm>>) dst(%arg4 : memref<25088xf32, #tpu.memory_space<vmem>>)
    %add3A_83 = arith.constant 64 : i32
    %add3A_84 = arith.addi %add3A_83, %add3A : i32
    %mul3A_85 = arith.constant 200704 : i32
    %mul3A_86 = arith.muli %add3A_84, %mul3A_85 : i32
    %add3A_87 = arith.constant 150528 : i32
    %add3A_88 = arith.addi %mul3A_86, %add3A_87 : i32
    %dma_start3A_89 = tpu.memref_slice %arg2[%add3A_88] : memref<19267584xf32, #tpu.memory_space<hbm>> -> memref<25088xf32, #tpu.memory_space<hbm>>
    %dma_start3A_90 = tpu.memref_slice %arg2[%add3A_88] : memref<19267584xf32, #tpu.memory_space<hbm>> -> memref<25088xf32, #tpu.memory_space<hbm>>
    tpu.enqueue_dma source(%dma_start3A_90 : memref<25088xf32, #tpu.memory_space<hbm>>) target(%arg6 : memref<25088xf32, #tpu.memory_space<vmem>>) target_semaphore(%arg10 : memref<!tpu.dma_semaphore, #tpu.memory_space<semaphore_mem>>)
    %scan3A_91 = arith.constant 0 : i32
    %scan3A_92 = arith.constant 98 : i32
    %scan3A_93 = arith.addi %scan3A_91, %scan3A_92 : i32
    %scan3A_94 = arith.constant 1 : i32
    %scan3A_95:5 = scf.for %scan3A_150 = %scan3A_91 to %scan3A_93 step %scan3A_94 iter_args(%scan3A_151 = %scan3A_79#0, %scan3A_152 = %scan3A_79#1, %scan3A_153 = %scan3A_79#2, %scan3A_154 = %scan3A_79#3, %scan3A_155 = %scan3A_79#4) -> (vector<16xf32>, vector<16xf32>, vector<16xf32>, vector<16xf32>, vector<16xf32>)  : i32 {
      %mul3A_156 = arith.constant 256 : i32
      %mul3A_157 = arith.muli %scan3A_150, %mul3A_156 : i32
      %add3A_158 = arith.constant 0 : i32
      %add3A_159 = arith.addi %mul3A_157, %add3A_158 : i32
      %get3A = arith.index_cast %add3A_159 : i32 to index
      %get3A_160 = tpu.vector_load %arg4[%get3A] {strides = array<i32>} : memref<25088xf32, #tpu.memory_space<vmem>>, vector<16xf32>,
      %get3A_161 = vector.shape_cast %get3A_160 : vector<16xf32> to vector<16xf32>
      %add3A_162 = arith.addf %scan3A_155, %get3A_161 : vector<16xf32>
      %max3A = arith.maximumf %scan3A_151, %get3A_161 : vector<16xf32>
      %min3A = arith.minimumf %scan3A_151, %get3A_161 : vector<16xf32>
      %max3A_163 = arith.maximumf %scan3A_152, %min3A : vector<16xf32>
      %min3A_164 = arith.minimumf %scan3A_152, %min3A : vector<16xf32>
      %max3A_165 = arith.maximumf %scan3A_153, %min3A_164 : vector<16xf32>
      %min3A_166 = arith.minimumf %scan3A_153, %min3A_164 : vector<16xf32>
      %max3A_167 = arith.maximumf %scan3A_154, %min3A_166 : vector<16xf32>
      %add3A_168 = arith.constant 16 : i32
      %add3A_169 = arith.addi %mul3A_157, %add3A_168 : i32
      %get3A_170 = arith.index_cast %add3A_169 : i32 to index
      %get3A_171 = tpu.vector_load %arg4[%get3A_170] {strides = array<i32>} : memref<25088xf32, #tpu.memory_space<vmem>>, vector<16xf32>,
      %get3A_172 = vector.shape_cast %get3A_171 : vector<16xf32> to vector<16xf32>
      %add3A_173 = arith.addf %add3A_162, %get3A_172 : vector<16xf32>
      %max3A_174 = arith.maximumf %max3A, %get3A_172 : vector<16xf32>
      %min3A_175 = arith.minimumf %max3A, %get3A_172 : vector<16xf32>
      %max3A_176 = arith.maximumf %max3A_163, %min3A_175 : vector<16xf32>
      %min3A_177 = arith.minimumf %max3A_163, %min3A_175 : vector<16xf32>
      %max3A_178 = arith.maximumf %max3A_165, %min3A_177 : vector<16xf32>
      %min3A_179 = arith.minimumf %max3A_165, %min3A_177 : vector<16xf32>
      %max3A_180 = arith.maximumf %max3A_167, %min3A_179 : vector<16xf32>
      %add3A_181 = arith.constant 32 : i32
      %add3A_182 = arith.addi %mul3A_157, %add3A_181 : i32
      %get3A_183 = arith.index_cast %add3A_182 : i32 to index
      %get3A_184 = tpu.vector_load %arg4[%get3A_183] {strides = array<i32>} : memref<25088xf32, #tpu.memory_space<vmem>>, vector<16xf32>,
      %get3A_185 = vector.shape_cast %get3A_184 : vector<16xf32> to vector<16xf32>
      %add3A_186 = arith.addf %add3A_173, %get3A_185 : vector<16xf32>
      %max3A_187 = arith.maximumf %max3A_174, %get3A_185 : vector<16xf32>
      %min3A_188 = arith.minimumf %max3A_174, %get3A_185 : vector<16xf32>
      %max3A_189 = arith.maximumf %max3A_176, %min3A_188 : vector<16xf32>
      %min3A_190 = arith.minimumf %max3A_176, %min3A_188 : vector<16xf32>
      %max3A_191 = arith.maximumf %max3A_178, %min3A_190 : vector<16xf32>
      %min3A_192 = arith.minimumf %max3A_178, %min3A_190 : vector<16xf32>
      %max3A_193 = arith.maximumf %max3A_180, %min3A_192 : vector<16xf32>
      %add3A_194 = arith.constant 48 : i32
      %add3A_195 = arith.addi %mul3A_157, %add3A_194 : i32
      %get3A_196 = arith.index_cast %add3A_195 : i32 to index
      %get3A_197 = tpu.vector_load %arg4[%get3A_196] {strides = array<i32>} : memref<25088xf32, #tpu.memory_space<vmem>>, vector<16xf32>,
      %get3A_198 = vector.shape_cast %get3A_197 : vector<16xf32> to vector<16xf32>
      %add3A_199 = arith.addf %add3A_186, %get3A_198 : vector<16xf32>
      %max3A_200 = arith.maximumf %max3A_187, %get3A_198 : vector<16xf32>
      %min3A_201 = arith.minimumf %max3A_187, %get3A_198 : vector<16xf32>
      %max3A_202 = arith.maximumf %max3A_189, %min3A_201 : vector<16xf32>
      %min3A_203 = arith.minimumf %max3A_189, %min3A_201 : vector<16xf32>
      %max3A_204 = arith.maximumf %max3A_191, %min3A_203 : vector<16xf32>
      %min3A_205 = arith.minimumf %max3A_191, %min3A_203 : vector<16xf32>
      %max3A_206 = arith.maximumf %max3A_193, %min3A_205 : vector<16xf32>
      %add3A_207 = arith.constant 64 : i32
      %add3A_208 = arith.addi %mul3A_157, %add3A_207 : i32
      %get3A_209 = arith.index_cast %add3A_208 : i32 to index
      %get3A_210 = tpu.vector_load %arg4[%get3A_209] {strides = array<i32>} : memref<25088xf32, #tpu.memory_space<vmem>>, vector<16xf32>,
      %get3A_211 = vector.shape_cast %get3A_210 : vector<16xf32> to vector<16xf32>
      %add3A_212 = arith.addf %add3A_199, %get3A_211 : vector<16xf32>
      %max3A_213 = arith.maximumf %max3A_200, %get3A_211 : vector<16xf32>
      %min3A_214 = arith.minimumf %max3A_200, %get3A_211 : vector<16xf32>
      %max3A_215 = arith.maximumf %max3A_202, %min3A_214 : vector<16xf32>
      %min3A_216 = arith.minimumf %max3A_202, %min3A_214 : vector<16xf32>
      %max3A_217 = arith.maximumf %max3A_204, %min3A_216 : vector<16xf32>
      %min3A_218 = arith.minimumf %max3A_204, %min3A_216 : vector<16xf32>
      %max3A_219 = arith.maximumf %max3A_206, %min3A_218 : vector<16xf32>
      %add3A_220 = arith.constant 80 : i32
      %add3A_221 = arith.addi %mul3A_157, %add3A_220 : i32
      %get3A_222 = arith.index_cast %add3A_221 : i32 to index
      %get3A_223 = tpu.vector_load %arg4[%get3A_222] {strides = array<i32>} : memref<25088xf32, #tpu.memory_space<vmem>>, vector<16xf32>,
      %get3A_224 = vector.shape_cast %get3A_223 : vector<16xf32> to vector<16xf32>
      %add3A_225 = arith.addf %add3A_212, %get3A_224 : vector<16xf32>
      %max3A_226 = arith.maximumf %max3A_213, %get3A_224 : vector<16xf32>
      %min3A_227 = arith.minimumf %max3A_213, %get3A_224 : vector<16xf32>
      %max3A_228 = arith.maximumf %max3A_215, %min3A_227 : vector<16xf32>
      %min3A_229 = arith.minimumf %max3A_215, %min3A_227 : vector<16xf32>
      %max3A_230 = arith.maximumf %max3A_217, %min3A_229 : vector<16xf32>
      %min3A_231 = arith.minimumf %max3A_217, %min3A_229 : vector<16xf32>
      %max3A_232 = arith.maximumf %max3A_219, %min3A_231 : vector<16xf32>
      %add3A_233 = arith.constant 96 : i32
      %add3A_234 = arith.addi %mul3A_157, %add3A_233 : i32
      %get3A_235 = arith.index_cast %add3A_234 : i32 to index
      %get3A_236 = tpu.vector_load %arg4[%get3A_235] {strides = array<i32>} : memref<25088xf32, #tpu.memory_space<vmem>>, vector<16xf32>,
      %get3A_237 = vector.shape_cast %get3A_236 : vector<16xf32> to vector<16xf32>
      %add3A_238 = arith.addf %add3A_225, %get3A_237 : vector<16xf32>
      %max3A_239 = arith.maximumf %max3A_226, %get3A_237 : vector<16xf32>
      %min3A_240 = arith.minimumf %max3A_226, %get3A_237 : vector<16xf32>
      %max3A_241 = arith.maximumf %max3A_228, %min3A_240 : vector<16xf32>
      %min3A_242 = arith.minimumf %max3A_228, %min3A_240 : vector<16xf32>
      %max3A_243 = arith.maximumf %max3A_230, %min3A_242 : vector<16xf32>
      %min3A_244 = arith.minimumf %max3A_230, %min3A_242 : vector<16xf32>
      %max3A_245 = arith.maximumf %max3A_232, %min3A_244 : vector<16xf32>
      %add3A_246 = arith.constant 112 : i32
      %add3A_247 = arith.addi %mul3A_157, %add3A_246 : i32
      %get3A_248 = arith.index_cast %add3A_247 : i32 to index
      %get3A_249 = tpu.vector_load %arg4[%get3A_248] {strides = array<i32>} : memref<25088xf32, #tpu.memory_space<vmem>>, vector<16xf32>,
      %get3A_250 = vector.shape_cast %get3A_249 : vector<16xf32> to vector<16xf32>
      %add3A_251 = arith.addf %add3A_238, %get3A_250 : vector<16xf32>
      %max3A_252 = arith.maximumf %max3A_239, %get3A_250 : vector<16xf32>
      %min3A_253 = arith.minimumf %max3A_239, %get3A_250 : vector<16xf32>
      %max3A_254 = arith.maximumf %max3A_241, %min3A_253 : vector<16xf32>
      %min3A_255 = arith.minimumf %max3A_241, %min3A_253 : vector<16xf32>
      %max3A_256 = arith.maximumf %max3A_243, %min3A_255 : vector<16xf32>
      %min3A_257 = arith.minimumf %max3A_243, %min3A_255 : vector<16xf32>
      %max3A_258 = arith.maximumf %max3A_245, %min3A_257 : vector<16xf32>
      %add3A_259 = arith.constant 128 : i32
      %add3A_260 = arith.addi %mul3A_157, %add3A_259 : i32
      %get3A_261 = arith.index_cast %add3A_260 : i32 to index
      %get3A_262 = tpu.vector_load %arg4[%get3A_261] {strides = array<i32>} : memref<25088xf32, #tpu.memory_space<vmem>>, vector<16xf32>,
      %get3A_263 = vector.shape_cast %get3A_262 : vector<16xf32> to vector<16xf32>
      %add3A_264 = arith.addf %add3A_251, %get3A_263 : vector<16xf32>
      %max3A_265 = arith.maximumf %max3A_252, %get3A_263 : vector<16xf32>
      %min3A_266 = arith.minimumf %max3A_252, %get3A_263 : vector<16xf32>
      %max3A_267 = arith.maximumf %max3A_254, %min3A_266 : vector<16xf32>
      %min3A_268 = arith.minimumf %max3A_254, %min3A_266 : vector<16xf32>
      %max3A_269 = arith.maximumf %max3A_256, %min3A_268 : vector<16xf32>
      %min3A_270 = arith.minimumf %max3A_256, %min3A_268 : vector<16xf32>
      %max3A_271 = arith.maximumf %max3A_258, %min3A_270 : vector<16xf32>
      %add3A_272 = arith.constant 144 : i32
      %add3A_273 = arith.addi %mul3A_157, %add3A_272 : i32
      %get3A_274 = arith.index_cast %add3A_273 : i32 to index
      %get3A_275 = tpu.vector_load %arg4[%get3A_274] {strides = array<i32>} : memref<25088xf32, #tpu.memory_space<vmem>>, vector<16xf32>,
      %get3A_276 = vector.shape_cast %get3A_275 : vector<16xf32> to vector<16xf32>
      %add3A_277 = arith.addf %add3A_264, %get3A_276 : vector<16xf32>
      %max3A_278 = arith.maximumf %max3A_265, %get3A_276 : vector<16xf32>
      %min3A_279 = arith.minimumf %max3A_265, %get3A_276 : vector<16xf32>
      %max3A_280 = arith.maximumf %max3A_267, %min3A_279 : vector<16xf32>
      %min3A_281 = arith.minimumf %max3A_267, %min3A_279 : vector<16xf32>
      %max3A_282 = arith.maximumf %max3A_269, %min3A_281 : vector<16xf32>
      %min3A_283 = arith.minimumf %max3A_269, %min3A_281 : vector<16xf32>
      %max3A_284 = arith.maximumf %max3A_271, %min3A_283 : vector<16xf32>
      %add3A_285 = arith.constant 160 : i32
      %add3A_286 = arith.addi %mul3A_157, %add3A_285 : i32
      %get3A_287 = arith.index_cast %add3A_286 : i32 to index
      %get3A_288 = tpu.vector_load %arg4[%get3A_287] {strides = array<i32>} : memref<25088xf32, #tpu.memory_space<vmem>>, vector<16xf32>,
      %get3A_289 = vector.shape_cast %get3A_288 : vector<16xf32> to vector<16xf32>
      %add3A_290 = arith.addf %add3A_277, %get3A_289 : vector<16xf32>
      %max3A_291 = arith.maximumf %max3A_278, %get3A_289 : vector<16xf32>
      %min3A_292 = arith.minimumf %max3A_278, %get3A_289 : vector<16xf32>
      %max3A_293 = arith.maximumf %max3A_280, %min3A_292 : vector<16xf32>
      %min3A_294 = arith.minimumf %max3A_280, %min3A_292 : vector<16xf32>
      %max3A_295 = arith.maximumf %max3A_282, %min3A_294 : vector<16xf32>
      %min3A_296 = arith.minimumf %max3A_282, %min3A_294 : vector<16xf32>
      %max3A_297 = arith.maximumf %max3A_284, %min3A_296 : vector<16xf32>
      %add3A_298 = arith.constant 176 : i32
      %add3A_299 = arith.addi %mul3A_157, %add3A_298 : i32
      %get3A_300 = arith.index_cast %add3A_299 : i32 to index
      %get3A_301 = tpu.vector_load %arg4[%get3A_300] {strides = array<i32>} : memref<25088xf32, #tpu.memory_space<vmem>>, vector<16xf32>,
      %get3A_302 = vector.shape_cast %get3A_301 : vector<16xf32> to vector<16xf32>
      %add3A_303 = arith.addf %add3A_290, %get3A_302 : vector<16xf32>
      %max3A_304 = arith.maximumf %max3A_291, %get3A_302 : vector<16xf32>
      %min3A_305 = arith.minimumf %max3A_291, %get3A_302 : vector<16xf32>
      %max3A_306 = arith.maximumf %max3A_293, %min3A_305 : vector<16xf32>
      %min3A_307 = arith.minimumf %max3A_293, %min3A_305 : vector<16xf32>
      %max3A_308 = arith.maximumf %max3A_295, %min3A_307 : vector<16xf32>
      %min3A_309 = arith.minimumf %max3A_295, %min3A_307 : vector<16xf32>
      %max3A_310 = arith.maximumf %max3A_297, %min3A_309 : vector<16xf32>
      %add3A_311 = arith.constant 192 : i32
      %add3A_312 = arith.addi %mul3A_157, %add3A_311 : i32
      %get3A_313 = arith.index_cast %add3A_312 : i32 to index
      %get3A_314 = tpu.vector_load %arg4[%get3A_313] {strides = array<i32>} : memref<25088xf32, #tpu.memory_space<vmem>>, vector<16xf32>,
      %get3A_315 = vector.shape_cast %get3A_314 : vector<16xf32> to vector<16xf32>
      %add3A_316 = arith.addf %add3A_303, %get3A_315 : vector<16xf32>
      %max3A_317 = arith.maximumf %max3A_304, %get3A_315 : vector<16xf32>
      %min3A_318 = arith.minimumf %max3A_304, %get3A_315 : vector<16xf32>
      %max3A_319 = arith.maximumf %max3A_306, %min3A_318 : vector<16xf32>
      %min3A_320 = arith.minimumf %max3A_306, %min3A_318 : vector<16xf32>
      %max3A_321 = arith.maximumf %max3A_308, %min3A_320 : vector<16xf32>
      %min3A_322 = arith.minimumf %max3A_308, %min3A_320 : vector<16xf32>
      %max3A_323 = arith.maximumf %max3A_310, %min3A_322 : vector<16xf32>
      %add3A_324 = arith.constant 208 : i32
      %add3A_325 = arith.addi %mul3A_157, %add3A_324 : i32
      %get3A_326 = arith.index_cast %add3A_325 : i32 to index
      %get3A_327 = tpu.vector_load %arg4[%get3A_326] {strides = array<i32>} : memref<25088xf32, #tpu.memory_space<vmem>>, vector<16xf32>,
      %get3A_328 = vector.shape_cast %get3A_327 : vector<16xf32> to vector<16xf32>
      %add3A_329 = arith.addf %add3A_316, %get3A_328 : vector<16xf32>
      %max3A_330 = arith.maximumf %max3A_317, %get3A_328 : vector<16xf32>
      %min3A_331 = arith.minimumf %max3A_317, %get3A_328 : vector<16xf32>
      %max3A_332 = arith.maximumf %max3A_319, %min3A_331 : vector<16xf32>
      %min3A_333 = arith.minimumf %max3A_319, %min3A_331 : vector<16xf32>
      %max3A_334 = arith.maximumf %max3A_321, %min3A_333 : vector<16xf32>
      %min3A_335 = arith.minimumf %max3A_321, %min3A_333 : vector<16xf32>
      %max3A_336 = arith.maximumf %max3A_323, %min3A_335 : vector<16xf32>
      %add3A_337 = arith.constant 224 : i32
      %add3A_338 = arith.addi %mul3A_157, %add3A_337 : i32
      %get3A_339 = arith.index_cast %add3A_338 : i32 to index
      %get3A_340 = tpu.vector_load %arg4[%get3A_339] {strides = array<i32>} : memref<25088xf32, #tpu.memory_space<vmem>>, vector<16xf32>,
      %get3A_341 = vector.shape_cast %get3A_340 : vector<16xf32> to vector<16xf32>
      %add3A_342 = arith.addf %add3A_329, %get3A_341 : vector<16xf32>
      %max3A_343 = arith.maximumf %max3A_330, %get3A_341 : vector<16xf32>
      %min3A_344 = arith.minimumf %max3A_330, %get3A_341 : vector<16xf32>
      %max3A_345 = arith.maximumf %max3A_332, %min3A_344 : vector<16xf32>
      %min3A_346 = arith.minimumf %max3A_332, %min3A_344 : vector<16xf32>
      %max3A_347 = arith.maximumf %max3A_334, %min3A_346 : vector<16xf32>
      %min3A_348 = arith.minimumf %max3A_334, %min3A_346 : vector<16xf32>
      %max3A_349 = arith.maximumf %max3A_336, %min3A_348 : vector<16xf32>
      %add3A_350 = arith.constant 240 : i32
      %add3A_351 = arith.addi %mul3A_157, %add3A_350 : i32
      %get3A_352 = arith.index_cast %add3A_351 : i32 to index
      %get3A_353 = tpu.vector_load %arg4[%get3A_352] {strides = array<i32>} : memref<25088xf32, #tpu.memory_space<vmem>>, vector<16xf32>,
      %get3A_354 = vector.shape_cast %get3A_353 : vector<16xf32> to vector<16xf32>
      %add3A_355 = arith.addf %add3A_342, %get3A_354 : vector<16xf32>
      %max3A_356 = arith.maximumf %max3A_343, %get3A_354 : vector<16xf32>
      %min3A_357 = arith.minimumf %max3A_343, %get3A_354 : vector<16xf32>
      %max3A_358 = arith.maximumf %max3A_345, %min3A_357 : vector<16xf32>
      %min3A_359 = arith.minimumf %max3A_345, %min3A_357 : vector<16xf32>
      %max3A_360 = arith.maximumf %max3A_347, %min3A_359 : vector<16xf32>
      %min3A_361 = arith.minimumf %max3A_347, %min3A_359 : vector<16xf32>
      %max3A_362 = arith.maximumf %max3A_349, %min3A_361 : vector<16xf32>
      scf.yield %max3A_356, %max3A_358, %max3A_360, %max3A_362, %add3A_355 : vector<16xf32>, vector<16xf32>, vector<16xf32>, vector<16xf32>, vector<16xf32>
    }
    %scan3A_96 = arith.constant 98 : i32
    %dma_wait3A_97 = tpu.memref_slice %arg2[%add3A_72] : memref<19267584xf32, #tpu.memory_space<hbm>> -> memref<25088xf32, #tpu.memory_space<hbm>>
    %dma_wait3A_98 = tpu.memref_slice %arg2[%add3A_72] : memref<19267584xf32, #tpu.memory_space<hbm>> -> memref<25088xf32, #tpu.memory_space<hbm>>
    tpu.wait_dma2 semaphore(%arg9 : memref<!tpu.dma_semaphore, #tpu.memory_space<semaphore_mem>>) src(%dma_wait3A_98 : memref<25088xf32, #tpu.memory_space<hbm>>) dst(%arg5 : memref<25088xf32, #tpu.memory_space<vmem>>)
    %add3A_99 = arith.constant 64 : i32
    %add3A_100 = arith.addi %add3A_99, %add3A : i32
    %mul3A_101 = arith.constant 200704 : i32
    %mul3A_102 = arith.muli %add3A_100, %mul3A_101 : i32
    %add3A_103 = arith.constant 175616 : i32
    %add3A_104 = arith.addi %mul3A_102, %add3A_103 : i32
    %dma_start3A_105 = tpu.memref_slice %arg2[%add3A_104] : memref<19267584xf32, #tpu.memory_space<hbm>> -> memref<25088xf32, #tpu.memory_space<hbm>>
    %dma_start3A_106 = tpu.memref_slice %arg2[%add3A_104] : memref<19267584xf32, #tpu.memory_space<hbm>> -> memref<25088xf32, #tpu.memory_space<hbm>>
    tpu.enqueue_dma source(%dma_start3A_106 : memref<25088xf32, #tpu.memory_space<hbm>>) target(%arg7 : memref<25088xf32, #tpu.memory_space<vmem>>) target_semaphore(%arg11 : memref<!tpu.dma_semaphore, #tpu.memory_space<semaphore_mem>>)
    %scan3A_107 = arith.constant 0 : i32
    %scan3A_108 = arith.constant 98 : i32
    %scan3A_109 = arith.addi %scan3A_107, %scan3A_108 : i32
    %scan3A_110 = arith.constant 1 : i32
    %scan3A_111:5 = scf.for %scan3A_150 = %scan3A_107 to %scan3A_109 step %scan3A_110 iter_args(%scan3A_151 = %scan3A_95#0, %scan3A_152 = %scan3A_95#1, %scan3A_153 = %scan3A_95#2, %scan3A_154 = %scan3A_95#3, %scan3A_155 = %scan3A_95#4) -> (vector<16xf32>, vector<16xf32>, vector<16xf32>, vector<16xf32>, vector<16xf32>)  : i32 {
      %mul3A_156 = arith.constant 256 : i32
      %mul3A_157 = arith.muli %scan3A_150, %mul3A_156 : i32
      %add3A_158 = arith.constant 0 : i32
      %add3A_159 = arith.addi %mul3A_157, %add3A_158 : i32
      %get3A = arith.index_cast %add3A_159 : i32 to index
      %get3A_160 = tpu.vector_load %arg5[%get3A] {strides = array<i32>} : memref<25088xf32, #tpu.memory_space<vmem>>, vector<16xf32>,
      %get3A_161 = vector.shape_cast %get3A_160 : vector<16xf32> to vector<16xf32>
      %add3A_162 = arith.addf %scan3A_155, %get3A_161 : vector<16xf32>
      %max3A = arith.maximumf %scan3A_151, %get3A_161 : vector<16xf32>
      %min3A = arith.minimumf %scan3A_151, %get3A_161 : vector<16xf32>
      %max3A_163 = arith.maximumf %scan3A_152, %min3A : vector<16xf32>
      %min3A_164 = arith.minimumf %scan3A_152, %min3A : vector<16xf32>
      %max3A_165 = arith.maximumf %scan3A_153, %min3A_164 : vector<16xf32>
      %min3A_166 = arith.minimumf %scan3A_153, %min3A_164 : vector<16xf32>
      %max3A_167 = arith.maximumf %scan3A_154, %min3A_166 : vector<16xf32>
      %add3A_168 = arith.constant 16 : i32
      %add3A_169 = arith.addi %mul3A_157, %add3A_168 : i32
      %get3A_170 = arith.index_cast %add3A_169 : i32 to index
      %get3A_171 = tpu.vector_load %arg5[%get3A_170] {strides = array<i32>} : memref<25088xf32, #tpu.memory_space<vmem>>, vector<16xf32>,
      %get3A_172 = vector.shape_cast %get3A_171 : vector<16xf32> to vector<16xf32>
      %add3A_173 = arith.addf %add3A_162, %get3A_172 : vector<16xf32>
      %max3A_174 = arith.maximumf %max3A, %get3A_172 : vector<16xf32>
      %min3A_175 = arith.minimumf %max3A, %get3A_172 : vector<16xf32>
      %max3A_176 = arith.maximumf %max3A_163, %min3A_175 : vector<16xf32>
      %min3A_177 = arith.minimumf %max3A_163, %min3A_175 : vector<16xf32>
      %max3A_178 = arith.maximumf %max3A_165, %min3A_177 : vector<16xf32>
      %min3A_179 = arith.minimumf %max3A_165, %min3A_177 : vector<16xf32>
      %max3A_180 = arith.maximumf %max3A_167, %min3A_179 : vector<16xf32>
      %add3A_181 = arith.constant 32 : i32
      %add3A_182 = arith.addi %mul3A_157, %add3A_181 : i32
      %get3A_183 = arith.index_cast %add3A_182 : i32 to index
      %get3A_184 = tpu.vector_load %arg5[%get3A_183] {strides = array<i32>} : memref<25088xf32, #tpu.memory_space<vmem>>, vector<16xf32>,
      %get3A_185 = vector.shape_cast %get3A_184 : vector<16xf32> to vector<16xf32>
      %add3A_186 = arith.addf %add3A_173, %get3A_185 : vector<16xf32>
      %max3A_187 = arith.maximumf %max3A_174, %get3A_185 : vector<16xf32>
      %min3A_188 = arith.minimumf %max3A_174, %get3A_185 : vector<16xf32>
      %max3A_189 = arith.maximumf %max3A_176, %min3A_188 : vector<16xf32>
      %min3A_190 = arith.minimumf %max3A_176, %min3A_188 : vector<16xf32>
      %max3A_191 = arith.maximumf %max3A_178, %min3A_190 : vector<16xf32>
      %min3A_192 = arith.minimumf %max3A_178, %min3A_190 : vector<16xf32>
      %max3A_193 = arith.maximumf %max3A_180, %min3A_192 : vector<16xf32>
      %add3A_194 = arith.constant 48 : i32
      %add3A_195 = arith.addi %mul3A_157, %add3A_194 : i32
      %get3A_196 = arith.index_cast %add3A_195 : i32 to index
      %get3A_197 = tpu.vector_load %arg5[%get3A_196] {strides = array<i32>} : memref<25088xf32, #tpu.memory_space<vmem>>, vector<16xf32>,
      %get3A_198 = vector.shape_cast %get3A_197 : vector<16xf32> to vector<16xf32>
      %add3A_199 = arith.addf %add3A_186, %get3A_198 : vector<16xf32>
      %max3A_200 = arith.maximumf %max3A_187, %get3A_198 : vector<16xf32>
      %min3A_201 = arith.minimumf %max3A_187, %get3A_198 : vector<16xf32>
      %max3A_202 = arith.maximumf %max3A_189, %min3A_201 : vector<16xf32>
      %min3A_203 = arith.minimumf %max3A_189, %min3A_201 : vector<16xf32>
      %max3A_204 = arith.maximumf %max3A_191, %min3A_203 : vector<16xf32>
      %min3A_205 = arith.minimumf %max3A_191, %min3A_203 : vector<16xf32>
      %max3A_206 = arith.maximumf %max3A_193, %min3A_205 : vector<16xf32>
      %add3A_207 = arith.constant 64 : i32
      %add3A_208 = arith.addi %mul3A_157, %add3A_207 : i32
      %get3A_209 = arith.index_cast %add3A_208 : i32 to index
      %get3A_210 = tpu.vector_load %arg5[%get3A_209] {strides = array<i32>} : memref<25088xf32, #tpu.memory_space<vmem>>, vector<16xf32>,
      %get3A_211 = vector.shape_cast %get3A_210 : vector<16xf32> to vector<16xf32>
      %add3A_212 = arith.addf %add3A_199, %get3A_211 : vector<16xf32>
      %max3A_213 = arith.maximumf %max3A_200, %get3A_211 : vector<16xf32>
      %min3A_214 = arith.minimumf %max3A_200, %get3A_211 : vector<16xf32>
      %max3A_215 = arith.maximumf %max3A_202, %min3A_214 : vector<16xf32>
      %min3A_216 = arith.minimumf %max3A_202, %min3A_214 : vector<16xf32>
      %max3A_217 = arith.maximumf %max3A_204, %min3A_216 : vector<16xf32>
      %min3A_218 = arith.minimumf %max3A_204, %min3A_216 : vector<16xf32>
      %max3A_219 = arith.maximumf %max3A_206, %min3A_218 : vector<16xf32>
      %add3A_220 = arith.constant 80 : i32
      %add3A_221 = arith.addi %mul3A_157, %add3A_220 : i32
      %get3A_222 = arith.index_cast %add3A_221 : i32 to index
      %get3A_223 = tpu.vector_load %arg5[%get3A_222] {strides = array<i32>} : memref<25088xf32, #tpu.memory_space<vmem>>, vector<16xf32>,
      %get3A_224 = vector.shape_cast %get3A_223 : vector<16xf32> to vector<16xf32>
      %add3A_225 = arith.addf %add3A_212, %get3A_224 : vector<16xf32>
      %max3A_226 = arith.maximumf %max3A_213, %get3A_224 : vector<16xf32>
      %min3A_227 = arith.minimumf %max3A_213, %get3A_224 : vector<16xf32>
      %max3A_228 = arith.maximumf %max3A_215, %min3A_227 : vector<16xf32>
      %min3A_229 = arith.minimumf %max3A_215, %min3A_227 : vector<16xf32>
      %max3A_230 = arith.maximumf %max3A_217, %min3A_229 : vector<16xf32>
      %min3A_231 = arith.minimumf %max3A_217, %min3A_229 : vector<16xf32>
      %max3A_232 = arith.maximumf %max3A_219, %min3A_231 : vector<16xf32>
      %add3A_233 = arith.constant 96 : i32
      %add3A_234 = arith.addi %mul3A_157, %add3A_233 : i32
      %get3A_235 = arith.index_cast %add3A_234 : i32 to index
      %get3A_236 = tpu.vector_load %arg5[%get3A_235] {strides = array<i32>} : memref<25088xf32, #tpu.memory_space<vmem>>, vector<16xf32>,
      %get3A_237 = vector.shape_cast %get3A_236 : vector<16xf32> to vector<16xf32>
      %add3A_238 = arith.addf %add3A_225, %get3A_237 : vector<16xf32>
      %max3A_239 = arith.maximumf %max3A_226, %get3A_237 : vector<16xf32>
      %min3A_240 = arith.minimumf %max3A_226, %get3A_237 : vector<16xf32>
      %max3A_241 = arith.maximumf %max3A_228, %min3A_240 : vector<16xf32>
      %min3A_242 = arith.minimumf %max3A_228, %min3A_240 : vector<16xf32>
      %max3A_243 = arith.maximumf %max3A_230, %min3A_242 : vector<16xf32>
      %min3A_244 = arith.minimumf %max3A_230, %min3A_242 : vector<16xf32>
      %max3A_245 = arith.maximumf %max3A_232, %min3A_244 : vector<16xf32>
      %add3A_246 = arith.constant 112 : i32
      %add3A_247 = arith.addi %mul3A_157, %add3A_246 : i32
      %get3A_248 = arith.index_cast %add3A_247 : i32 to index
      %get3A_249 = tpu.vector_load %arg5[%get3A_248] {strides = array<i32>} : memref<25088xf32, #tpu.memory_space<vmem>>, vector<16xf32>,
      %get3A_250 = vector.shape_cast %get3A_249 : vector<16xf32> to vector<16xf32>
      %add3A_251 = arith.addf %add3A_238, %get3A_250 : vector<16xf32>
      %max3A_252 = arith.maximumf %max3A_239, %get3A_250 : vector<16xf32>
      %min3A_253 = arith.minimumf %max3A_239, %get3A_250 : vector<16xf32>
      %max3A_254 = arith.maximumf %max3A_241, %min3A_253 : vector<16xf32>
      %min3A_255 = arith.minimumf %max3A_241, %min3A_253 : vector<16xf32>
      %max3A_256 = arith.maximumf %max3A_243, %min3A_255 : vector<16xf32>
      %min3A_257 = arith.minimumf %max3A_243, %min3A_255 : vector<16xf32>
      %max3A_258 = arith.maximumf %max3A_245, %min3A_257 : vector<16xf32>
      %add3A_259 = arith.constant 128 : i32
      %add3A_260 = arith.addi %mul3A_157, %add3A_259 : i32
      %get3A_261 = arith.index_cast %add3A_260 : i32 to index
      %get3A_262 = tpu.vector_load %arg5[%get3A_261] {strides = array<i32>} : memref<25088xf32, #tpu.memory_space<vmem>>, vector<16xf32>,
      %get3A_263 = vector.shape_cast %get3A_262 : vector<16xf32> to vector<16xf32>
      %add3A_264 = arith.addf %add3A_251, %get3A_263 : vector<16xf32>
      %max3A_265 = arith.maximumf %max3A_252, %get3A_263 : vector<16xf32>
      %min3A_266 = arith.minimumf %max3A_252, %get3A_263 : vector<16xf32>
      %max3A_267 = arith.maximumf %max3A_254, %min3A_266 : vector<16xf32>
      %min3A_268 = arith.minimumf %max3A_254, %min3A_266 : vector<16xf32>
      %max3A_269 = arith.maximumf %max3A_256, %min3A_268 : vector<16xf32>
      %min3A_270 = arith.minimumf %max3A_256, %min3A_268 : vector<16xf32>
      %max3A_271 = arith.maximumf %max3A_258, %min3A_270 : vector<16xf32>
      %add3A_272 = arith.constant 144 : i32
      %add3A_273 = arith.addi %mul3A_157, %add3A_272 : i32
      %get3A_274 = arith.index_cast %add3A_273 : i32 to index
      %get3A_275 = tpu.vector_load %arg5[%get3A_274] {strides = array<i32>} : memref<25088xf32, #tpu.memory_space<vmem>>, vector<16xf32>,
      %get3A_276 = vector.shape_cast %get3A_275 : vector<16xf32> to vector<16xf32>
      %add3A_277 = arith.addf %add3A_264, %get3A_276 : vector<16xf32>
      %max3A_278 = arith.maximumf %max3A_265, %get3A_276 : vector<16xf32>
      %min3A_279 = arith.minimumf %max3A_265, %get3A_276 : vector<16xf32>
      %max3A_280 = arith.maximumf %max3A_267, %min3A_279 : vector<16xf32>
      %min3A_281 = arith.minimumf %max3A_267, %min3A_279 : vector<16xf32>
      %max3A_282 = arith.maximumf %max3A_269, %min3A_281 : vector<16xf32>
      %min3A_283 = arith.minimumf %max3A_269, %min3A_281 : vector<16xf32>
      %max3A_284 = arith.maximumf %max3A_271, %min3A_283 : vector<16xf32>
      %add3A_285 = arith.constant 160 : i32
      %add3A_286 = arith.addi %mul3A_157, %add3A_285 : i32
      %get3A_287 = arith.index_cast %add3A_286 : i32 to index
      %get3A_288 = tpu.vector_load %arg5[%get3A_287] {strides = array<i32>} : memref<25088xf32, #tpu.memory_space<vmem>>, vector<16xf32>,
      %get3A_289 = vector.shape_cast %get3A_288 : vector<16xf32> to vector<16xf32>
      %add3A_290 = arith.addf %add3A_277, %get3A_289 : vector<16xf32>
      %max3A_291 = arith.maximumf %max3A_278, %get3A_289 : vector<16xf32>
      %min3A_292 = arith.minimumf %max3A_278, %get3A_289 : vector<16xf32>
      %max3A_293 = arith.maximumf %max3A_280, %min3A_292 : vector<16xf32>
      %min3A_294 = arith.minimumf %max3A_280, %min3A_292 : vector<16xf32>
      %max3A_295 = arith.maximumf %max3A_282, %min3A_294 : vector<16xf32>
      %min3A_296 = arith.minimumf %max3A_282, %min3A_294 : vector<16xf32>
      %max3A_297 = arith.maximumf %max3A_284, %min3A_296 : vector<16xf32>
      %add3A_298 = arith.constant 176 : i32
      %add3A_299 = arith.addi %mul3A_157, %add3A_298 : i32
      %get3A_300 = arith.index_cast %add3A_299 : i32 to index
      %get3A_301 = tpu.vector_load %arg5[%get3A_300] {strides = array<i32>} : memref<25088xf32, #tpu.memory_space<vmem>>, vector<16xf32>,
      %get3A_302 = vector.shape_cast %get3A_301 : vector<16xf32> to vector<16xf32>
      %add3A_303 = arith.addf %add3A_290, %get3A_302 : vector<16xf32>
      %max3A_304 = arith.maximumf %max3A_291, %get3A_302 : vector<16xf32>
      %min3A_305 = arith.minimumf %max3A_291, %get3A_302 : vector<16xf32>
      %max3A_306 = arith.maximumf %max3A_293, %min3A_305 : vector<16xf32>
      %min3A_307 = arith.minimumf %max3A_293, %min3A_305 : vector<16xf32>
      %max3A_308 = arith.maximumf %max3A_295, %min3A_307 : vector<16xf32>
      %min3A_309 = arith.minimumf %max3A_295, %min3A_307 : vector<16xf32>
      %max3A_310 = arith.maximumf %max3A_297, %min3A_309 : vector<16xf32>
      %add3A_311 = arith.constant 192 : i32
      %add3A_312 = arith.addi %mul3A_157, %add3A_311 : i32
      %get3A_313 = arith.index_cast %add3A_312 : i32 to index
      %get3A_314 = tpu.vector_load %arg5[%get3A_313] {strides = array<i32>} : memref<25088xf32, #tpu.memory_space<vmem>>, vector<16xf32>,
      %get3A_315 = vector.shape_cast %get3A_314 : vector<16xf32> to vector<16xf32>
      %add3A_316 = arith.addf %add3A_303, %get3A_315 : vector<16xf32>
      %max3A_317 = arith.maximumf %max3A_304, %get3A_315 : vector<16xf32>
      %min3A_318 = arith.minimumf %max3A_304, %get3A_315 : vector<16xf32>
      %max3A_319 = arith.maximumf %max3A_306, %min3A_318 : vector<16xf32>
      %min3A_320 = arith.minimumf %max3A_306, %min3A_318 : vector<16xf32>
      %max3A_321 = arith.maximumf %max3A_308, %min3A_320 : vector<16xf32>
      %min3A_322 = arith.minimumf %max3A_308, %min3A_320 : vector<16xf32>
      %max3A_323 = arith.maximumf %max3A_310, %min3A_322 : vector<16xf32>
      %add3A_324 = arith.constant 208 : i32
      %add3A_325 = arith.addi %mul3A_157, %add3A_324 : i32
      %get3A_326 = arith.index_cast %add3A_325 : i32 to index
      %get3A_327 = tpu.vector_load %arg5[%get3A_326] {strides = array<i32>} : memref<25088xf32, #tpu.memory_space<vmem>>, vector<16xf32>,
      %get3A_328 = vector.shape_cast %get3A_327 : vector<16xf32> to vector<16xf32>
      %add3A_329 = arith.addf %add3A_316, %get3A_328 : vector<16xf32>
      %max3A_330 = arith.maximumf %max3A_317, %get3A_328 : vector<16xf32>
      %min3A_331 = arith.minimumf %max3A_317, %get3A_328 : vector<16xf32>
      %max3A_332 = arith.maximumf %max3A_319, %min3A_331 : vector<16xf32>
      %min3A_333 = arith.minimumf %max3A_319, %min3A_331 : vector<16xf32>
      %max3A_334 = arith.maximumf %max3A_321, %min3A_333 : vector<16xf32>
      %min3A_335 = arith.minimumf %max3A_321, %min3A_333 : vector<16xf32>
      %max3A_336 = arith.maximumf %max3A_323, %min3A_335 : vector<16xf32>
      %add3A_337 = arith.constant 224 : i32
      %add3A_338 = arith.addi %mul3A_157, %add3A_337 : i32
      %get3A_339 = arith.index_cast %add3A_338 : i32 to index
      %get3A_340 = tpu.vector_load %arg5[%get3A_339] {strides = array<i32>} : memref<25088xf32, #tpu.memory_space<vmem>>, vector<16xf32>,
      %get3A_341 = vector.shape_cast %get3A_340 : vector<16xf32> to vector<16xf32>
      %add3A_342 = arith.addf %add3A_329, %get3A_341 : vector<16xf32>
      %max3A_343 = arith.maximumf %max3A_330, %get3A_341 : vector<16xf32>
      %min3A_344 = arith.minimumf %max3A_330, %get3A_341 : vector<16xf32>
      %max3A_345 = arith.maximumf %max3A_332, %min3A_344 : vector<16xf32>
      %min3A_346 = arith.minimumf %max3A_332, %min3A_344 : vector<16xf32>
      %max3A_347 = arith.maximumf %max3A_334, %min3A_346 : vector<16xf32>
      %min3A_348 = arith.minimumf %max3A_334, %min3A_346 : vector<16xf32>
      %max3A_349 = arith.maximumf %max3A_336, %min3A_348 : vector<16xf32>
      %add3A_350 = arith.constant 240 : i32
      %add3A_351 = arith.addi %mul3A_157, %add3A_350 : i32
      %get3A_352 = arith.index_cast %add3A_351 : i32 to index
      %get3A_353 = tpu.vector_load %arg5[%get3A_352] {strides = array<i32>} : memref<25088xf32, #tpu.memory_space<vmem>>, vector<16xf32>,
      %get3A_354 = vector.shape_cast %get3A_353 : vector<16xf32> to vector<16xf32>
      %add3A_355 = arith.addf %add3A_342, %get3A_354 : vector<16xf32>
      %max3A_356 = arith.maximumf %max3A_343, %get3A_354 : vector<16xf32>
      %min3A_357 = arith.minimumf %max3A_343, %get3A_354 : vector<16xf32>
      %max3A_358 = arith.maximumf %max3A_345, %min3A_357 : vector<16xf32>
      %min3A_359 = arith.minimumf %max3A_345, %min3A_357 : vector<16xf32>
      %max3A_360 = arith.maximumf %max3A_347, %min3A_359 : vector<16xf32>
      %min3A_361 = arith.minimumf %max3A_347, %min3A_359 : vector<16xf32>
      %max3A_362 = arith.maximumf %max3A_349, %min3A_361 : vector<16xf32>
      scf.yield %max3A_356, %max3A_358, %max3A_360, %max3A_362, %add3A_355 : vector<16xf32>, vector<16xf32>, vector<16xf32>, vector<16xf32>, vector<16xf32>
    }
    %scan3A_112 = arith.constant 98 : i32
    %dma_wait3A_113 = tpu.memref_slice %arg2[%add3A_88] : memref<19267584xf32, #tpu.memory_space<hbm>> -> memref<25088xf32, #tpu.memory_space<hbm>>
    %dma_wait3A_114 = tpu.memref_slice %arg2[%add3A_88] : memref<19267584xf32, #tpu.memory_space<hbm>> -> memref<25088xf32, #tpu.memory_space<hbm>>
    tpu.wait_dma2 semaphore(%arg10 : memref<!tpu.dma_semaphore, #tpu.memory_space<semaphore_mem>>) src(%dma_wait3A_114 : memref<25088xf32, #tpu.memory_space<hbm>>) dst(%arg6 : memref<25088xf32, #tpu.memory_space<vmem>>)
    %scan3A_115 = arith.constant 0 : i32
    %scan3A_116 = arith.constant 98 : i32
    %scan3A_117 = arith.addi %scan3A_115, %scan3A_116 : i32
    %scan3A_118 = arith.constant 1 : i32
    %scan3A_119:5 = scf.for %scan3A_150 = %scan3A_115 to %scan3A_117 step %scan3A_118 iter_args(%scan3A_151 = %scan3A_111#0, %scan3A_152 = %scan3A_111#1, %scan3A_153 = %scan3A_111#2, %scan3A_154 = %scan3A_111#3, %scan3A_155 = %scan3A_111#4) -> (vector<16xf32>, vector<16xf32>, vector<16xf32>, vector<16xf32>, vector<16xf32>)  : i32 {
      %mul3A_156 = arith.constant 256 : i32
      %mul3A_157 = arith.muli %scan3A_150, %mul3A_156 : i32
      %add3A_158 = arith.constant 0 : i32
      %add3A_159 = arith.addi %mul3A_157, %add3A_158 : i32
      %get3A = arith.index_cast %add3A_159 : i32 to index
      %get3A_160 = tpu.vector_load %arg6[%get3A] {strides = array<i32>} : memref<25088xf32, #tpu.memory_space<vmem>>, vector<16xf32>,
      %get3A_161 = vector.shape_cast %get3A_160 : vector<16xf32> to vector<16xf32>
      %add3A_162 = arith.addf %scan3A_155, %get3A_161 : vector<16xf32>
      %max3A = arith.maximumf %scan3A_151, %get3A_161 : vector<16xf32>
      %min3A = arith.minimumf %scan3A_151, %get3A_161 : vector<16xf32>
      %max3A_163 = arith.maximumf %scan3A_152, %min3A : vector<16xf32>
      %min3A_164 = arith.minimumf %scan3A_152, %min3A : vector<16xf32>
      %max3A_165 = arith.maximumf %scan3A_153, %min3A_164 : vector<16xf32>
      %min3A_166 = arith.minimumf %scan3A_153, %min3A_164 : vector<16xf32>
      %max3A_167 = arith.maximumf %scan3A_154, %min3A_166 : vector<16xf32>
      %add3A_168 = arith.constant 16 : i32
      %add3A_169 = arith.addi %mul3A_157, %add3A_168 : i32
      %get3A_170 = arith.index_cast %add3A_169 : i32 to index
      %get3A_171 = tpu.vector_load %arg6[%get3A_170] {strides = array<i32>} : memref<25088xf32, #tpu.memory_space<vmem>>, vector<16xf32>,
      %get3A_172 = vector.shape_cast %get3A_171 : vector<16xf32> to vector<16xf32>
      %add3A_173 = arith.addf %add3A_162, %get3A_172 : vector<16xf32>
      %max3A_174 = arith.maximumf %max3A, %get3A_172 : vector<16xf32>
      %min3A_175 = arith.minimumf %max3A, %get3A_172 : vector<16xf32>
      %max3A_176 = arith.maximumf %max3A_163, %min3A_175 : vector<16xf32>
      %min3A_177 = arith.minimumf %max3A_163, %min3A_175 : vector<16xf32>
      %max3A_178 = arith.maximumf %max3A_165, %min3A_177 : vector<16xf32>
      %min3A_179 = arith.minimumf %max3A_165, %min3A_177 : vector<16xf32>
      %max3A_180 = arith.maximumf %max3A_167, %min3A_179 : vector<16xf32>
      %add3A_181 = arith.constant 32 : i32
      %add3A_182 = arith.addi %mul3A_157, %add3A_181 : i32
      %get3A_183 = arith.index_cast %add3A_182 : i32 to index
      %get3A_184 = tpu.vector_load %arg6[%get3A_183] {strides = array<i32>} : memref<25088xf32, #tpu.memory_space<vmem>>, vector<16xf32>,
      %get3A_185 = vector.shape_cast %get3A_184 : vector<16xf32> to vector<16xf32>
      %add3A_186 = arith.addf %add3A_173, %get3A_185 : vector<16xf32>
      %max3A_187 = arith.maximumf %max3A_174, %get3A_185 : vector<16xf32>
      %min3A_188 = arith.minimumf %max3A_174, %get3A_185 : vector<16xf32>
      %max3A_189 = arith.maximumf %max3A_176, %min3A_188 : vector<16xf32>
      %min3A_190 = arith.minimumf %max3A_176, %min3A_188 : vector<16xf32>
      %max3A_191 = arith.maximumf %max3A_178, %min3A_190 : vector<16xf32>
      %min3A_192 = arith.minimumf %max3A_178, %min3A_190 : vector<16xf32>
      %max3A_193 = arith.maximumf %max3A_180, %min3A_192 : vector<16xf32>
      %add3A_194 = arith.constant 48 : i32
      %add3A_195 = arith.addi %mul3A_157, %add3A_194 : i32
      %get3A_196 = arith.index_cast %add3A_195 : i32 to index
      %get3A_197 = tpu.vector_load %arg6[%get3A_196] {strides = array<i32>} : memref<25088xf32, #tpu.memory_space<vmem>>, vector<16xf32>,
      %get3A_198 = vector.shape_cast %get3A_197 : vector<16xf32> to vector<16xf32>
      %add3A_199 = arith.addf %add3A_186, %get3A_198 : vector<16xf32>
      %max3A_200 = arith.maximumf %max3A_187, %get3A_198 : vector<16xf32>
      %min3A_201 = arith.minimumf %max3A_187, %get3A_198 : vector<16xf32>
      %max3A_202 = arith.maximumf %max3A_189, %min3A_201 : vector<16xf32>
      %min3A_203 = arith.minimumf %max3A_189, %min3A_201 : vector<16xf32>
      %max3A_204 = arith.maximumf %max3A_191, %min3A_203 : vector<16xf32>
      %min3A_205 = arith.minimumf %max3A_191, %min3A_203 : vector<16xf32>
      %max3A_206 = arith.maximumf %max3A_193, %min3A_205 : vector<16xf32>
      %add3A_207 = arith.constant 64 : i32
      %add3A_208 = arith.addi %mul3A_157, %add3A_207 : i32
      %get3A_209 = arith.index_cast %add3A_208 : i32 to index
      %get3A_210 = tpu.vector_load %arg6[%get3A_209] {strides = array<i32>} : memref<25088xf32, #tpu.memory_space<vmem>>, vector<16xf32>,
      %get3A_211 = vector.shape_cast %get3A_210 : vector<16xf32> to vector<16xf32>
      %add3A_212 = arith.addf %add3A_199, %get3A_211 : vector<16xf32>
      %max3A_213 = arith.maximumf %max3A_200, %get3A_211 : vector<16xf32>
      %min3A_214 = arith.minimumf %max3A_200, %get3A_211 : vector<16xf32>
      %max3A_215 = arith.maximumf %max3A_202, %min3A_214 : vector<16xf32>
      %min3A_216 = arith.minimumf %max3A_202, %min3A_214 : vector<16xf32>
      %max3A_217 = arith.maximumf %max3A_204, %min3A_216 : vector<16xf32>
      %min3A_218 = arith.minimumf %max3A_204, %min3A_216 : vector<16xf32>
      %max3A_219 = arith.maximumf %max3A_206, %min3A_218 : vector<16xf32>
      %add3A_220 = arith.constant 80 : i32
      %add3A_221 = arith.addi %mul3A_157, %add3A_220 : i32
      %get3A_222 = arith.index_cast %add3A_221 : i32 to index
      %get3A_223 = tpu.vector_load %arg6[%get3A_222] {strides = array<i32>} : memref<25088xf32, #tpu.memory_space<vmem>>, vector<16xf32>,
      %get3A_224 = vector.shape_cast %get3A_223 : vector<16xf32> to vector<16xf32>
      %add3A_225 = arith.addf %add3A_212, %get3A_224 : vector<16xf32>
      %max3A_226 = arith.maximumf %max3A_213, %get3A_224 : vector<16xf32>
      %min3A_227 = arith.minimumf %max3A_213, %get3A_224 : vector<16xf32>
      %max3A_228 = arith.maximumf %max3A_215, %min3A_227 : vector<16xf32>
      %min3A_229 = arith.minimumf %max3A_215, %min3A_227 : vector<16xf32>
      %max3A_230 = arith.maximumf %max3A_217, %min3A_229 : vector<16xf32>
      %min3A_231 = arith.minimumf %max3A_217, %min3A_229 : vector<16xf32>
      %max3A_232 = arith.maximumf %max3A_219, %min3A_231 : vector<16xf32>
      %add3A_233 = arith.constant 96 : i32
      %add3A_234 = arith.addi %mul3A_157, %add3A_233 : i32
      %get3A_235 = arith.index_cast %add3A_234 : i32 to index
      %get3A_236 = tpu.vector_load %arg6[%get3A_235] {strides = array<i32>} : memref<25088xf32, #tpu.memory_space<vmem>>, vector<16xf32>,
      %get3A_237 = vector.shape_cast %get3A_236 : vector<16xf32> to vector<16xf32>
      %add3A_238 = arith.addf %add3A_225, %get3A_237 : vector<16xf32>
      %max3A_239 = arith.maximumf %max3A_226, %get3A_237 : vector<16xf32>
      %min3A_240 = arith.minimumf %max3A_226, %get3A_237 : vector<16xf32>
      %max3A_241 = arith.maximumf %max3A_228, %min3A_240 : vector<16xf32>
      %min3A_242 = arith.minimumf %max3A_228, %min3A_240 : vector<16xf32>
      %max3A_243 = arith.maximumf %max3A_230, %min3A_242 : vector<16xf32>
      %min3A_244 = arith.minimumf %max3A_230, %min3A_242 : vector<16xf32>
      %max3A_245 = arith.maximumf %max3A_232, %min3A_244 : vector<16xf32>
      %add3A_246 = arith.constant 112 : i32
      %add3A_247 = arith.addi %mul3A_157, %add3A_246 : i32
      %get3A_248 = arith.index_cast %add3A_247 : i32 to index
      %get3A_249 = tpu.vector_load %arg6[%get3A_248] {strides = array<i32>} : memref<25088xf32, #tpu.memory_space<vmem>>, vector<16xf32>,
      %get3A_250 = vector.shape_cast %get3A_249 : vector<16xf32> to vector<16xf32>
      %add3A_251 = arith.addf %add3A_238, %get3A_250 : vector<16xf32>
      %max3A_252 = arith.maximumf %max3A_239, %get3A_250 : vector<16xf32>
      %min3A_253 = arith.minimumf %max3A_239, %get3A_250 : vector<16xf32>
      %max3A_254 = arith.maximumf %max3A_241, %min3A_253 : vector<16xf32>
      %min3A_255 = arith.minimumf %max3A_241, %min3A_253 : vector<16xf32>
      %max3A_256 = arith.maximumf %max3A_243, %min3A_255 : vector<16xf32>
      %min3A_257 = arith.minimumf %max3A_243, %min3A_255 : vector<16xf32>
      %max3A_258 = arith.maximumf %max3A_245, %min3A_257 : vector<16xf32>
      %add3A_259 = arith.constant 128 : i32
      %add3A_260 = arith.addi %mul3A_157, %add3A_259 : i32
      %get3A_261 = arith.index_cast %add3A_260 : i32 to index
      %get3A_262 = tpu.vector_load %arg6[%get3A_261] {strides = array<i32>} : memref<25088xf32, #tpu.memory_space<vmem>>, vector<16xf32>,
      %get3A_263 = vector.shape_cast %get3A_262 : vector<16xf32> to vector<16xf32>
      %add3A_264 = arith.addf %add3A_251, %get3A_263 : vector<16xf32>
      %max3A_265 = arith.maximumf %max3A_252, %get3A_263 : vector<16xf32>
      %min3A_266 = arith.minimumf %max3A_252, %get3A_263 : vector<16xf32>
      %max3A_267 = arith.maximumf %max3A_254, %min3A_266 : vector<16xf32>
      %min3A_268 = arith.minimumf %max3A_254, %min3A_266 : vector<16xf32>
      %max3A_269 = arith.maximumf %max3A_256, %min3A_268 : vector<16xf32>
      %min3A_270 = arith.minimumf %max3A_256, %min3A_268 : vector<16xf32>
      %max3A_271 = arith.maximumf %max3A_258, %min3A_270 : vector<16xf32>
      %add3A_272 = arith.constant 144 : i32
      %add3A_273 = arith.addi %mul3A_157, %add3A_272 : i32
      %get3A_274 = arith.index_cast %add3A_273 : i32 to index
      %get3A_275 = tpu.vector_load %arg6[%get3A_274] {strides = array<i32>} : memref<25088xf32, #tpu.memory_space<vmem>>, vector<16xf32>,
      %get3A_276 = vector.shape_cast %get3A_275 : vector<16xf32> to vector<16xf32>
      %add3A_277 = arith.addf %add3A_264, %get3A_276 : vector<16xf32>
      %max3A_278 = arith.maximumf %max3A_265, %get3A_276 : vector<16xf32>
      %min3A_279 = arith.minimumf %max3A_265, %get3A_276 : vector<16xf32>
      %max3A_280 = arith.maximumf %max3A_267, %min3A_279 : vector<16xf32>
      %min3A_281 = arith.minimumf %max3A_267, %min3A_279 : vector<16xf32>
      %max3A_282 = arith.maximumf %max3A_269, %min3A_281 : vector<16xf32>
      %min3A_283 = arith.minimumf %max3A_269, %min3A_281 : vector<16xf32>
      %max3A_284 = arith.maximumf %max3A_271, %min3A_283 : vector<16xf32>
      %add3A_285 = arith.constant 160 : i32
      %add3A_286 = arith.addi %mul3A_157, %add3A_285 : i32
      %get3A_287 = arith.index_cast %add3A_286 : i32 to index
      %get3A_288 = tpu.vector_load %arg6[%get3A_287] {strides = array<i32>} : memref<25088xf32, #tpu.memory_space<vmem>>, vector<16xf32>,
      %get3A_289 = vector.shape_cast %get3A_288 : vector<16xf32> to vector<16xf32>
      %add3A_290 = arith.addf %add3A_277, %get3A_289 : vector<16xf32>
      %max3A_291 = arith.maximumf %max3A_278, %get3A_289 : vector<16xf32>
      %min3A_292 = arith.minimumf %max3A_278, %get3A_289 : vector<16xf32>
      %max3A_293 = arith.maximumf %max3A_280, %min3A_292 : vector<16xf32>
      %min3A_294 = arith.minimumf %max3A_280, %min3A_292 : vector<16xf32>
      %max3A_295 = arith.maximumf %max3A_282, %min3A_294 : vector<16xf32>
      %min3A_296 = arith.minimumf %max3A_282, %min3A_294 : vector<16xf32>
      %max3A_297 = arith.maximumf %max3A_284, %min3A_296 : vector<16xf32>
      %add3A_298 = arith.constant 176 : i32
      %add3A_299 = arith.addi %mul3A_157, %add3A_298 : i32
      %get3A_300 = arith.index_cast %add3A_299 : i32 to index
      %get3A_301 = tpu.vector_load %arg6[%get3A_300] {strides = array<i32>} : memref<25088xf32, #tpu.memory_space<vmem>>, vector<16xf32>,
      %get3A_302 = vector.shape_cast %get3A_301 : vector<16xf32> to vector<16xf32>
      %add3A_303 = arith.addf %add3A_290, %get3A_302 : vector<16xf32>
      %max3A_304 = arith.maximumf %max3A_291, %get3A_302 : vector<16xf32>
      %min3A_305 = arith.minimumf %max3A_291, %get3A_302 : vector<16xf32>
      %max3A_306 = arith.maximumf %max3A_293, %min3A_305 : vector<16xf32>
      %min3A_307 = arith.minimumf %max3A_293, %min3A_305 : vector<16xf32>
      %max3A_308 = arith.maximumf %max3A_295, %min3A_307 : vector<16xf32>
      %min3A_309 = arith.minimumf %max3A_295, %min3A_307 : vector<16xf32>
      %max3A_310 = arith.maximumf %max3A_297, %min3A_309 : vector<16xf32>
      %add3A_311 = arith.constant 192 : i32
      %add3A_312 = arith.addi %mul3A_157, %add3A_311 : i32
      %get3A_313 = arith.index_cast %add3A_312 : i32 to index
      %get3A_314 = tpu.vector_load %arg6[%get3A_313] {strides = array<i32>} : memref<25088xf32, #tpu.memory_space<vmem>>, vector<16xf32>,
      %get3A_315 = vector.shape_cast %get3A_314 : vector<16xf32> to vector<16xf32>
      %add3A_316 = arith.addf %add3A_303, %get3A_315 : vector<16xf32>
      %max3A_317 = arith.maximumf %max3A_304, %get3A_315 : vector<16xf32>
      %min3A_318 = arith.minimumf %max3A_304, %get3A_315 : vector<16xf32>
      %max3A_319 = arith.maximumf %max3A_306, %min3A_318 : vector<16xf32>
      %min3A_320 = arith.minimumf %max3A_306, %min3A_318 : vector<16xf32>
      %max3A_321 = arith.maximumf %max3A_308, %min3A_320 : vector<16xf32>
      %min3A_322 = arith.minimumf %max3A_308, %min3A_320 : vector<16xf32>
      %max3A_323 = arith.maximumf %max3A_310, %min3A_322 : vector<16xf32>
      %add3A_324 = arith.constant 208 : i32
      %add3A_325 = arith.addi %mul3A_157, %add3A_324 : i32
      %get3A_326 = arith.index_cast %add3A_325 : i32 to index
      %get3A_327 = tpu.vector_load %arg6[%get3A_326] {strides = array<i32>} : memref<25088xf32, #tpu.memory_space<vmem>>, vector<16xf32>,
      %get3A_328 = vector.shape_cast %get3A_327 : vector<16xf32> to vector<16xf32>
      %add3A_329 = arith.addf %add3A_316, %get3A_328 : vector<16xf32>
      %max3A_330 = arith.maximumf %max3A_317, %get3A_328 : vector<16xf32>
      %min3A_331 = arith.minimumf %max3A_317, %get3A_328 : vector<16xf32>
      %max3A_332 = arith.maximumf %max3A_319, %min3A_331 : vector<16xf32>
      %min3A_333 = arith.minimumf %max3A_319, %min3A_331 : vector<16xf32>
      %max3A_334 = arith.maximumf %max3A_321, %min3A_333 : vector<16xf32>
      %min3A_335 = arith.minimumf %max3A_321, %min3A_333 : vector<16xf32>
      %max3A_336 = arith.maximumf %max3A_323, %min3A_335 : vector<16xf32>
      %add3A_337 = arith.constant 224 : i32
      %add3A_338 = arith.addi %mul3A_157, %add3A_337 : i32
      %get3A_339 = arith.index_cast %add3A_338 : i32 to index
      %get3A_340 = tpu.vector_load %arg6[%get3A_339] {strides = array<i32>} : memref<25088xf32, #tpu.memory_space<vmem>>, vector<16xf32>,
      %get3A_341 = vector.shape_cast %get3A_340 : vector<16xf32> to vector<16xf32>
      %add3A_342 = arith.addf %add3A_329, %get3A_341 : vector<16xf32>
      %max3A_343 = arith.maximumf %max3A_330, %get3A_341 : vector<16xf32>
      %min3A_344 = arith.minimumf %max3A_330, %get3A_341 : vector<16xf32>
      %max3A_345 = arith.maximumf %max3A_332, %min3A_344 : vector<16xf32>
      %min3A_346 = arith.minimumf %max3A_332, %min3A_344 : vector<16xf32>
      %max3A_347 = arith.maximumf %max3A_334, %min3A_346 : vector<16xf32>
      %min3A_348 = arith.minimumf %max3A_334, %min3A_346 : vector<16xf32>
      %max3A_349 = arith.maximumf %max3A_336, %min3A_348 : vector<16xf32>
      %add3A_350 = arith.constant 240 : i32
      %add3A_351 = arith.addi %mul3A_157, %add3A_350 : i32
      %get3A_352 = arith.index_cast %add3A_351 : i32 to index
      %get3A_353 = tpu.vector_load %arg6[%get3A_352] {strides = array<i32>} : memref<25088xf32, #tpu.memory_space<vmem>>, vector<16xf32>,
      %get3A_354 = vector.shape_cast %get3A_353 : vector<16xf32> to vector<16xf32>
      %add3A_355 = arith.addf %add3A_342, %get3A_354 : vector<16xf32>
      %max3A_356 = arith.maximumf %max3A_343, %get3A_354 : vector<16xf32>
      %min3A_357 = arith.minimumf %max3A_343, %get3A_354 : vector<16xf32>
      %max3A_358 = arith.maximumf %max3A_345, %min3A_357 : vector<16xf32>
      %min3A_359 = arith.minimumf %max3A_345, %min3A_357 : vector<16xf32>
      %max3A_360 = arith.maximumf %max3A_347, %min3A_359 : vector<16xf32>
      %min3A_361 = arith.minimumf %max3A_347, %min3A_359 : vector<16xf32>
      %max3A_362 = arith.maximumf %max3A_349, %min3A_361 : vector<16xf32>
      scf.yield %max3A_356, %max3A_358, %max3A_360, %max3A_362, %add3A_355 : vector<16xf32>, vector<16xf32>, vector<16xf32>, vector<16xf32>, vector<16xf32>
    }
    %scan3A_120 = arith.constant 98 : i32
    %dma_wait3A_121 = tpu.memref_slice %arg2[%add3A_104] : memref<19267584xf32, #tpu.memory_space<hbm>> -> memref<25088xf32, #tpu.memory_space<hbm>>
    %dma_wait3A_122 = tpu.memref_slice %arg2[%add3A_104] : memref<19267584xf32, #tpu.memory_space<hbm>> -> memref<25088xf32, #tpu.memory_space<hbm>>
    tpu.wait_dma2 semaphore(%arg11 : memref<!tpu.dma_semaphore, #tpu.memory_space<semaphore_mem>>) src(%dma_wait3A_122 : memref<25088xf32, #tpu.memory_space<hbm>>) dst(%arg7 : memref<25088xf32, #tpu.memory_space<vmem>>)
    %scan3A_123 = arith.constant 0 : i32
    %scan3A_124 = arith.constant 98 : i32
    %scan3A_125 = arith.addi %scan3A_123, %scan3A_124 : i32
    %scan3A_126 = arith.constant 1 : i32
    %scan3A_127:5 = scf.for %scan3A_150 = %scan3A_123 to %scan3A_125 step %scan3A_126 iter_args(%scan3A_151 = %scan3A_119#0, %scan3A_152 = %scan3A_119#1, %scan3A_153 = %scan3A_119#2, %scan3A_154 = %scan3A_119#3, %scan3A_155 = %scan3A_119#4) -> (vector<16xf32>, vector<16xf32>, vector<16xf32>, vector<16xf32>, vector<16xf32>)  : i32 {
      %mul3A_156 = arith.constant 256 : i32
      %mul3A_157 = arith.muli %scan3A_150, %mul3A_156 : i32
      %add3A_158 = arith.constant 0 : i32
      %add3A_159 = arith.addi %mul3A_157, %add3A_158 : i32
      %get3A = arith.index_cast %add3A_159 : i32 to index
      %get3A_160 = tpu.vector_load %arg7[%get3A] {strides = array<i32>} : memref<25088xf32, #tpu.memory_space<vmem>>, vector<16xf32>,
      %get3A_161 = vector.shape_cast %get3A_160 : vector<16xf32> to vector<16xf32>
      %add3A_162 = arith.addf %scan3A_155, %get3A_161 : vector<16xf32>
      %max3A = arith.maximumf %scan3A_151, %get3A_161 : vector<16xf32>
      %min3A = arith.minimumf %scan3A_151, %get3A_161 : vector<16xf32>
      %max3A_163 = arith.maximumf %scan3A_152, %min3A : vector<16xf32>
      %min3A_164 = arith.minimumf %scan3A_152, %min3A : vector<16xf32>
      %max3A_165 = arith.maximumf %scan3A_153, %min3A_164 : vector<16xf32>
      %min3A_166 = arith.minimumf %scan3A_153, %min3A_164 : vector<16xf32>
      %max3A_167 = arith.maximumf %scan3A_154, %min3A_166 : vector<16xf32>
      %add3A_168 = arith.constant 16 : i32
      %add3A_169 = arith.addi %mul3A_157, %add3A_168 : i32
      %get3A_170 = arith.index_cast %add3A_169 : i32 to index
      %get3A_171 = tpu.vector_load %arg7[%get3A_170] {strides = array<i32>} : memref<25088xf32, #tpu.memory_space<vmem>>, vector<16xf32>,
      %get3A_172 = vector.shape_cast %get3A_171 : vector<16xf32> to vector<16xf32>
      %add3A_173 = arith.addf %add3A_162, %get3A_172 : vector<16xf32>
      %max3A_174 = arith.maximumf %max3A, %get3A_172 : vector<16xf32>
      %min3A_175 = arith.minimumf %max3A, %get3A_172 : vector<16xf32>
      %max3A_176 = arith.maximumf %max3A_163, %min3A_175 : vector<16xf32>
      %min3A_177 = arith.minimumf %max3A_163, %min3A_175 : vector<16xf32>
      %max3A_178 = arith.maximumf %max3A_165, %min3A_177 : vector<16xf32>
      %min3A_179 = arith.minimumf %max3A_165, %min3A_177 : vector<16xf32>
      %max3A_180 = arith.maximumf %max3A_167, %min3A_179 : vector<16xf32>
      %add3A_181 = arith.constant 32 : i32
      %add3A_182 = arith.addi %mul3A_157, %add3A_181 : i32
      %get3A_183 = arith.index_cast %add3A_182 : i32 to index
      %get3A_184 = tpu.vector_load %arg7[%get3A_183] {strides = array<i32>} : memref<25088xf32, #tpu.memory_space<vmem>>, vector<16xf32>,
      %get3A_185 = vector.shape_cast %get3A_184 : vector<16xf32> to vector<16xf32>
      %add3A_186 = arith.addf %add3A_173, %get3A_185 : vector<16xf32>
      %max3A_187 = arith.maximumf %max3A_174, %get3A_185 : vector<16xf32>
      %min3A_188 = arith.minimumf %max3A_174, %get3A_185 : vector<16xf32>
      %max3A_189 = arith.maximumf %max3A_176, %min3A_188 : vector<16xf32>
      %min3A_190 = arith.minimumf %max3A_176, %min3A_188 : vector<16xf32>
      %max3A_191 = arith.maximumf %max3A_178, %min3A_190 : vector<16xf32>
      %min3A_192 = arith.minimumf %max3A_178, %min3A_190 : vector<16xf32>
      %max3A_193 = arith.maximumf %max3A_180, %min3A_192 : vector<16xf32>
      %add3A_194 = arith.constant 48 : i32
      %add3A_195 = arith.addi %mul3A_157, %add3A_194 : i32
      %get3A_196 = arith.index_cast %add3A_195 : i32 to index
      %get3A_197 = tpu.vector_load %arg7[%get3A_196] {strides = array<i32>} : memref<25088xf32, #tpu.memory_space<vmem>>, vector<16xf32>,
      %get3A_198 = vector.shape_cast %get3A_197 : vector<16xf32> to vector<16xf32>
      %add3A_199 = arith.addf %add3A_186, %get3A_198 : vector<16xf32>
      %max3A_200 = arith.maximumf %max3A_187, %get3A_198 : vector<16xf32>
      %min3A_201 = arith.minimumf %max3A_187, %get3A_198 : vector<16xf32>
      %max3A_202 = arith.maximumf %max3A_189, %min3A_201 : vector<16xf32>
      %min3A_203 = arith.minimumf %max3A_189, %min3A_201 : vector<16xf32>
      %max3A_204 = arith.maximumf %max3A_191, %min3A_203 : vector<16xf32>
      %min3A_205 = arith.minimumf %max3A_191, %min3A_203 : vector<16xf32>
      %max3A_206 = arith.maximumf %max3A_193, %min3A_205 : vector<16xf32>
      %add3A_207 = arith.constant 64 : i32
      %add3A_208 = arith.addi %mul3A_157, %add3A_207 : i32
      %get3A_209 = arith.index_cast %add3A_208 : i32 to index
      %get3A_210 = tpu.vector_load %arg7[%get3A_209] {strides = array<i32>} : memref<25088xf32, #tpu.memory_space<vmem>>, vector<16xf32>,
      %get3A_211 = vector.shape_cast %get3A_210 : vector<16xf32> to vector<16xf32>
      %add3A_212 = arith.addf %add3A_199, %get3A_211 : vector<16xf32>
      %max3A_213 = arith.maximumf %max3A_200, %get3A_211 : vector<16xf32>
      %min3A_214 = arith.minimumf %max3A_200, %get3A_211 : vector<16xf32>
      %max3A_215 = arith.maximumf %max3A_202, %min3A_214 : vector<16xf32>
      %min3A_216 = arith.minimumf %max3A_202, %min3A_214 : vector<16xf32>
      %max3A_217 = arith.maximumf %max3A_204, %min3A_216 : vector<16xf32>
      %min3A_218 = arith.minimumf %max3A_204, %min3A_216 : vector<16xf32>
      %max3A_219 = arith.maximumf %max3A_206, %min3A_218 : vector<16xf32>
      %add3A_220 = arith.constant 80 : i32
      %add3A_221 = arith.addi %mul3A_157, %add3A_220 : i32
      %get3A_222 = arith.index_cast %add3A_221 : i32 to index
      %get3A_223 = tpu.vector_load %arg7[%get3A_222] {strides = array<i32>} : memref<25088xf32, #tpu.memory_space<vmem>>, vector<16xf32>,
      %get3A_224 = vector.shape_cast %get3A_223 : vector<16xf32> to vector<16xf32>
      %add3A_225 = arith.addf %add3A_212, %get3A_224 : vector<16xf32>
      %max3A_226 = arith.maximumf %max3A_213, %get3A_224 : vector<16xf32>
      %min3A_227 = arith.minimumf %max3A_213, %get3A_224 : vector<16xf32>
      %max3A_228 = arith.maximumf %max3A_215, %min3A_227 : vector<16xf32>
      %min3A_229 = arith.minimumf %max3A_215, %min3A_227 : vector<16xf32>
      %max3A_230 = arith.maximumf %max3A_217, %min3A_229 : vector<16xf32>
      %min3A_231 = arith.minimumf %max3A_217, %min3A_229 : vector<16xf32>
      %max3A_232 = arith.maximumf %max3A_219, %min3A_231 : vector<16xf32>
      %add3A_233 = arith.constant 96 : i32
      %add3A_234 = arith.addi %mul3A_157, %add3A_233 : i32
      %get3A_235 = arith.index_cast %add3A_234 : i32 to index
      %get3A_236 = tpu.vector_load %arg7[%get3A_235] {strides = array<i32>} : memref<25088xf32, #tpu.memory_space<vmem>>, vector<16xf32>,
      %get3A_237 = vector.shape_cast %get3A_236 : vector<16xf32> to vector<16xf32>
      %add3A_238 = arith.addf %add3A_225, %get3A_237 : vector<16xf32>
      %max3A_239 = arith.maximumf %max3A_226, %get3A_237 : vector<16xf32>
      %min3A_240 = arith.minimumf %max3A_226, %get3A_237 : vector<16xf32>
      %max3A_241 = arith.maximumf %max3A_228, %min3A_240 : vector<16xf32>
      %min3A_242 = arith.minimumf %max3A_228, %min3A_240 : vector<16xf32>
      %max3A_243 = arith.maximumf %max3A_230, %min3A_242 : vector<16xf32>
      %min3A_244 = arith.minimumf %max3A_230, %min3A_242 : vector<16xf32>
      %max3A_245 = arith.maximumf %max3A_232, %min3A_244 : vector<16xf32>
      %add3A_246 = arith.constant 112 : i32
      %add3A_247 = arith.addi %mul3A_157, %add3A_246 : i32
      %get3A_248 = arith.index_cast %add3A_247 : i32 to index
      %get3A_249 = tpu.vector_load %arg7[%get3A_248] {strides = array<i32>} : memref<25088xf32, #tpu.memory_space<vmem>>, vector<16xf32>,
      %get3A_250 = vector.shape_cast %get3A_249 : vector<16xf32> to vector<16xf32>
      %add3A_251 = arith.addf %add3A_238, %get3A_250 : vector<16xf32>
      %max3A_252 = arith.maximumf %max3A_239, %get3A_250 : vector<16xf32>
      %min3A_253 = arith.minimumf %max3A_239, %get3A_250 : vector<16xf32>
      %max3A_254 = arith.maximumf %max3A_241, %min3A_253 : vector<16xf32>
      %min3A_255 = arith.minimumf %max3A_241, %min3A_253 : vector<16xf32>
      %max3A_256 = arith.maximumf %max3A_243, %min3A_255 : vector<16xf32>
      %min3A_257 = arith.minimumf %max3A_243, %min3A_255 : vector<16xf32>
      %max3A_258 = arith.maximumf %max3A_245, %min3A_257 : vector<16xf32>
      %add3A_259 = arith.constant 128 : i32
      %add3A_260 = arith.addi %mul3A_157, %add3A_259 : i32
      %get3A_261 = arith.index_cast %add3A_260 : i32 to index
      %get3A_262 = tpu.vector_load %arg7[%get3A_261] {strides = array<i32>} : memref<25088xf32, #tpu.memory_space<vmem>>, vector<16xf32>,
      %get3A_263 = vector.shape_cast %get3A_262 : vector<16xf32> to vector<16xf32>
      %add3A_264 = arith.addf %add3A_251, %get3A_263 : vector<16xf32>
      %max3A_265 = arith.maximumf %max3A_252, %get3A_263 : vector<16xf32>
      %min3A_266 = arith.minimumf %max3A_252, %get3A_263 : vector<16xf32>
      %max3A_267 = arith.maximumf %max3A_254, %min3A_266 : vector<16xf32>
      %min3A_268 = arith.minimumf %max3A_254, %min3A_266 : vector<16xf32>
      %max3A_269 = arith.maximumf %max3A_256, %min3A_268 : vector<16xf32>
      %min3A_270 = arith.minimumf %max3A_256, %min3A_268 : vector<16xf32>
      %max3A_271 = arith.maximumf %max3A_258, %min3A_270 : vector<16xf32>
      %add3A_272 = arith.constant 144 : i32
      %add3A_273 = arith.addi %mul3A_157, %add3A_272 : i32
      %get3A_274 = arith.index_cast %add3A_273 : i32 to index
      %get3A_275 = tpu.vector_load %arg7[%get3A_274] {strides = array<i32>} : memref<25088xf32, #tpu.memory_space<vmem>>, vector<16xf32>,
      %get3A_276 = vector.shape_cast %get3A_275 : vector<16xf32> to vector<16xf32>
      %add3A_277 = arith.addf %add3A_264, %get3A_276 : vector<16xf32>
      %max3A_278 = arith.maximumf %max3A_265, %get3A_276 : vector<16xf32>
      %min3A_279 = arith.minimumf %max3A_265, %get3A_276 : vector<16xf32>
      %max3A_280 = arith.maximumf %max3A_267, %min3A_279 : vector<16xf32>
      %min3A_281 = arith.minimumf %max3A_267, %min3A_279 : vector<16xf32>
      %max3A_282 = arith.maximumf %max3A_269, %min3A_281 : vector<16xf32>
      %min3A_283 = arith.minimumf %max3A_269, %min3A_281 : vector<16xf32>
      %max3A_284 = arith.maximumf %max3A_271, %min3A_283 : vector<16xf32>
      %add3A_285 = arith.constant 160 : i32
      %add3A_286 = arith.addi %mul3A_157, %add3A_285 : i32
      %get3A_287 = arith.index_cast %add3A_286 : i32 to index
      %get3A_288 = tpu.vector_load %arg7[%get3A_287] {strides = array<i32>} : memref<25088xf32, #tpu.memory_space<vmem>>, vector<16xf32>,
      %get3A_289 = vector.shape_cast %get3A_288 : vector<16xf32> to vector<16xf32>
      %add3A_290 = arith.addf %add3A_277, %get3A_289 : vector<16xf32>
      %max3A_291 = arith.maximumf %max3A_278, %get3A_289 : vector<16xf32>
      %min3A_292 = arith.minimumf %max3A_278, %get3A_289 : vector<16xf32>
      %max3A_293 = arith.maximumf %max3A_280, %min3A_292 : vector<16xf32>
      %min3A_294 = arith.minimumf %max3A_280, %min3A_292 : vector<16xf32>
      %max3A_295 = arith.maximumf %max3A_282, %min3A_294 : vector<16xf32>
      %min3A_296 = arith.minimumf %max3A_282, %min3A_294 : vector<16xf32>
      %max3A_297 = arith.maximumf %max3A_284, %min3A_296 : vector<16xf32>
      %add3A_298 = arith.constant 176 : i32
      %add3A_299 = arith.addi %mul3A_157, %add3A_298 : i32
      %get3A_300 = arith.index_cast %add3A_299 : i32 to index
      %get3A_301 = tpu.vector_load %arg7[%get3A_300] {strides = array<i32>} : memref<25088xf32, #tpu.memory_space<vmem>>, vector<16xf32>,
      %get3A_302 = vector.shape_cast %get3A_301 : vector<16xf32> to vector<16xf32>
      %add3A_303 = arith.addf %add3A_290, %get3A_302 : vector<16xf32>
      %max3A_304 = arith.maximumf %max3A_291, %get3A_302 : vector<16xf32>
      %min3A_305 = arith.minimumf %max3A_291, %get3A_302 : vector<16xf32>
      %max3A_306 = arith.maximumf %max3A_293, %min3A_305 : vector<16xf32>
      %min3A_307 = arith.minimumf %max3A_293, %min3A_305 : vector<16xf32>
      %max3A_308 = arith.maximumf %max3A_295, %min3A_307 : vector<16xf32>
      %min3A_309 = arith.minimumf %max3A_295, %min3A_307 : vector<16xf32>
      %max3A_310 = arith.maximumf %max3A_297, %min3A_309 : vector<16xf32>
      %add3A_311 = arith.constant 192 : i32
      %add3A_312 = arith.addi %mul3A_157, %add3A_311 : i32
      %get3A_313 = arith.index_cast %add3A_312 : i32 to index
      %get3A_314 = tpu.vector_load %arg7[%get3A_313] {strides = array<i32>} : memref<25088xf32, #tpu.memory_space<vmem>>, vector<16xf32>,
      %get3A_315 = vector.shape_cast %get3A_314 : vector<16xf32> to vector<16xf32>
      %add3A_316 = arith.addf %add3A_303, %get3A_315 : vector<16xf32>
      %max3A_317 = arith.maximumf %max3A_304, %get3A_315 : vector<16xf32>
      %min3A_318 = arith.minimumf %max3A_304, %get3A_315 : vector<16xf32>
      %max3A_319 = arith.maximumf %max3A_306, %min3A_318 : vector<16xf32>
      %min3A_320 = arith.minimumf %max3A_306, %min3A_318 : vector<16xf32>
      %max3A_321 = arith.maximumf %max3A_308, %min3A_320 : vector<16xf32>
      %min3A_322 = arith.minimumf %max3A_308, %min3A_320 : vector<16xf32>
      %max3A_323 = arith.maximumf %max3A_310, %min3A_322 : vector<16xf32>
      %add3A_324 = arith.constant 208 : i32
      %add3A_325 = arith.addi %mul3A_157, %add3A_324 : i32
      %get3A_326 = arith.index_cast %add3A_325 : i32 to index
      %get3A_327 = tpu.vector_load %arg7[%get3A_326] {strides = array<i32>} : memref<25088xf32, #tpu.memory_space<vmem>>, vector<16xf32>,
      %get3A_328 = vector.shape_cast %get3A_327 : vector<16xf32> to vector<16xf32>
      %add3A_329 = arith.addf %add3A_316, %get3A_328 : vector<16xf32>
      %max3A_330 = arith.maximumf %max3A_317, %get3A_328 : vector<16xf32>
      %min3A_331 = arith.minimumf %max3A_317, %get3A_328 : vector<16xf32>
      %max3A_332 = arith.maximumf %max3A_319, %min3A_331 : vector<16xf32>
      %min3A_333 = arith.minimumf %max3A_319, %min3A_331 : vector<16xf32>
      %max3A_334 = arith.maximumf %max3A_321, %min3A_333 : vector<16xf32>
      %min3A_335 = arith.minimumf %max3A_321, %min3A_333 : vector<16xf32>
      %max3A_336 = arith.maximumf %max3A_323, %min3A_335 : vector<16xf32>
      %add3A_337 = arith.constant 224 : i32
      %add3A_338 = arith.addi %mul3A_157, %add3A_337 : i32
      %get3A_339 = arith.index_cast %add3A_338 : i32 to index
      %get3A_340 = tpu.vector_load %arg7[%get3A_339] {strides = array<i32>} : memref<25088xf32, #tpu.memory_space<vmem>>, vector<16xf32>,
      %get3A_341 = vector.shape_cast %get3A_340 : vector<16xf32> to vector<16xf32>
      %add3A_342 = arith.addf %add3A_329, %get3A_341 : vector<16xf32>
      %max3A_343 = arith.maximumf %max3A_330, %get3A_341 : vector<16xf32>
      %min3A_344 = arith.minimumf %max3A_330, %get3A_341 : vector<16xf32>
      %max3A_345 = arith.maximumf %max3A_332, %min3A_344 : vector<16xf32>
      %min3A_346 = arith.minimumf %max3A_332, %min3A_344 : vector<16xf32>
      %max3A_347 = arith.maximumf %max3A_334, %min3A_346 : vector<16xf32>
      %min3A_348 = arith.minimumf %max3A_334, %min3A_346 : vector<16xf32>
      %max3A_349 = arith.maximumf %max3A_336, %min3A_348 : vector<16xf32>
      %add3A_350 = arith.constant 240 : i32
      %add3A_351 = arith.addi %mul3A_157, %add3A_350 : i32
      %get3A_352 = arith.index_cast %add3A_351 : i32 to index
      %get3A_353 = tpu.vector_load %arg7[%get3A_352] {strides = array<i32>} : memref<25088xf32, #tpu.memory_space<vmem>>, vector<16xf32>,
      %get3A_354 = vector.shape_cast %get3A_353 : vector<16xf32> to vector<16xf32>
      %add3A_355 = arith.addf %add3A_342, %get3A_354 : vector<16xf32>
      %max3A_356 = arith.maximumf %max3A_343, %get3A_354 : vector<16xf32>
      %min3A_357 = arith.minimumf %max3A_343, %get3A_354 : vector<16xf32>
      %max3A_358 = arith.maximumf %max3A_345, %min3A_357 : vector<16xf32>
      %min3A_359 = arith.minimumf %max3A_345, %min3A_357 : vector<16xf32>
      %max3A_360 = arith.maximumf %max3A_347, %min3A_359 : vector<16xf32>
      %min3A_361 = arith.minimumf %max3A_347, %min3A_359 : vector<16xf32>
      %max3A_362 = arith.maximumf %max3A_349, %min3A_361 : vector<16xf32>
      scf.yield %max3A_356, %max3A_358, %max3A_360, %max3A_362, %add3A_355 : vector<16xf32>, vector<16xf32>, vector<16xf32>, vector<16xf32>, vector<16xf32>
    }
    %scan3A_128 = arith.constant 98 : i32
    %swap3A = arith.constant 0 : index
    %swap3A_129 = tpu.vector_load %arg12[%swap3A] {strides = array<i32>} : memref<80xf32, #tpu.memory_space<vmem>>, vector<16xf32>,
    %swap3A_130 = vector.shape_cast %swap3A_129 : vector<16xf32> to vector<16xf32>
    %swap3A_131 = vector.shape_cast %scan3A_127#0 : vector<16xf32> to vector<16xf32>
    tpu.vector_store %arg12[%swap3A], %swap3A_131 {strides = array<i32>} : memref<80xf32, #tpu.memory_space<vmem>>, vector<16xf32>,
    %swap3A_132 = arith.constant 16 : index
    %swap3A_133 = tpu.vector_load %arg12[%swap3A_132] {strides = array<i32>} : memref<80xf32, #tpu.memory_space<vmem>>, vector<16xf32>,
    %swap3A_134 = vector.shape_cast %swap3A_133 : vector<16xf32> to vector<16xf32>
    %swap3A_135 = vector.shape_cast %scan3A_127#1 : vector<16xf32> to vector<16xf32>
    tpu.vector_store %arg12[%swap3A_132], %swap3A_135 {strides = array<i32>} : memref<80xf32, #tpu.memory_space<vmem>>, vector<16xf32>,
    %swap3A_136 = arith.constant 32 : index
    %swap3A_137 = tpu.vector_load %arg12[%swap3A_136] {strides = array<i32>} : memref<80xf32, #tpu.memory_space<vmem>>, vector<16xf32>,
    %swap3A_138 = vector.shape_cast %swap3A_137 : vector<16xf32> to vector<16xf32>
    %swap3A_139 = vector.shape_cast %scan3A_127#2 : vector<16xf32> to vector<16xf32>
    tpu.vector_store %arg12[%swap3A_136], %swap3A_139 {strides = array<i32>} : memref<80xf32, #tpu.memory_space<vmem>>, vector<16xf32>,
    %swap3A_140 = arith.constant 48 : index
    %swap3A_141 = tpu.vector_load %arg12[%swap3A_140] {strides = array<i32>} : memref<80xf32, #tpu.memory_space<vmem>>, vector<16xf32>,
    %swap3A_142 = vector.shape_cast %swap3A_141 : vector<16xf32> to vector<16xf32>
    %swap3A_143 = vector.shape_cast %scan3A_127#3 : vector<16xf32> to vector<16xf32>
    tpu.vector_store %arg12[%swap3A_140], %swap3A_143 {strides = array<i32>} : memref<80xf32, #tpu.memory_space<vmem>>, vector<16xf32>,
    %swap3A_144 = arith.constant 64 : index
    %swap3A_145 = tpu.vector_load %arg12[%swap3A_144] {strides = array<i32>} : memref<80xf32, #tpu.memory_space<vmem>>, vector<16xf32>,
    %swap3A_146 = vector.shape_cast %swap3A_145 : vector<16xf32> to vector<16xf32>
    %swap3A_147 = vector.shape_cast %scan3A_127#4 : vector<16xf32> to vector<16xf32>
    tpu.vector_store %arg12[%swap3A_144], %swap3A_147 {strides = array<i32>} : memref<80xf32, #tpu.memory_space<vmem>>, vector<16xf32>,
    %mul3A_148 = arith.constant 80 : i32
    %mul3A_149 = arith.muli %add3A, %mul3A_148 : i32
    "tpu.region"() ({
      %run_scoped3A = tpu.sem_alloc : memref<!tpu.dma_semaphore, #tpu.memory_space<semaphore_mem>>
      %dma_start3A_150 = tpu.memref_slice %arg3[%mul3A_149] : memref<2560xf32, #tpu.memory_space<hbm>> -> memref<80xf32, #tpu.memory_space<hbm>>
      %dma_start3A_151 = tpu.memref_slice %arg3[%mul3A_149] : memref<2560xf32, #tpu.memory_space<hbm>> -> memref<80xf32, #tpu.memory_space<hbm>>
      tpu.enqueue_dma source(%arg12 : memref<80xf32, #tpu.memory_space<vmem>>) target(%dma_start3A_151 : memref<80xf32, #tpu.memory_space<hbm>>) target_semaphore(%run_scoped3A : memref<!tpu.dma_semaphore, #tpu.memory_space<semaphore_mem>>)
      %dma_wait3A_152 = tpu.memref_slice %arg3[%mul3A_149] : memref<2560xf32, #tpu.memory_space<hbm>> -> memref<80xf32, #tpu.memory_space<hbm>>
      %dma_wait3A_153 = tpu.memref_slice %arg3[%mul3A_149] : memref<2560xf32, #tpu.memory_space<hbm>> -> memref<80xf32, #tpu.memory_space<hbm>>
      tpu.wait_dma2 semaphore(%run_scoped3A : memref<!tpu.dma_semaphore, #tpu.memory_space<semaphore_mem>>) src(%arg12 : memref<80xf32, #tpu.memory_space<vmem>>) dst(%dma_wait3A_153 : memref<80xf32, #tpu.memory_space<hbm>>)
      tpu.yield
    }) : () -> ()
    return
  }
}

module attributes {stable_mosaic.version = 14 : i64} {
  func.func @_gate_kernel(%arg0: memref<64x1xf32, #tpu.memory_space<vmem>>, %arg1: memref<64x1xf32, #tpu.memory_space<vmem>>, %arg2: memref<32x80xf32, #tpu.memory_space<vmem>>, %arg3: memref<48x96xf32, #tpu.memory_space<vmem>>, %arg4: memref<48x1xf32, #tpu.memory_space<vmem>>, %arg5: memref<96x48xf32, #tpu.memory_space<vmem>>, %arg6: memref<96x1xf32, #tpu.memory_space<vmem>>, %arg7: memref<96x1xf32, #tpu.memory_space<vmem>>) attributes {dimension_semantics = [], scalar_prefetch = 0 : i64, scratch_operands = 0 : i64, tpu.core_type = #tpu.core_type<tc>} {
    %get3A = arith.constant 0 : index
    %get3A_0 = arith.constant 0 : index
    %get3A_1 = vector.load %arg2[%get3A, %get3A_0] : memref<32x80xf32, #tpu.memory_space<vmem>>, vector<32x80xf32>
    %slice3A = vector.extract_strided_slice %get3A_1 {offsets = [0, 64], sizes = [32, 16], strides = [1, 1]} : vector<32x80xf32> to vector<32x16xf32>
    %reduce_sum3A = arith.constant dense<0.000000e+00> : vector<32xf32>
    %reduce_sum3A_2 = vector.multi_reduction <add>, %slice3A, %reduce_sum3A [1] : vector<32x16xf32> to vector<32xf32>
    %slice3A_3 = vector.extract_strided_slice %get3A_1 {offsets = [0, 0], sizes = [32, 64], strides = [1, 1]} : vector<32x80xf32> to vector<32x64xf32>
    %broadcast_in_dim3A = arith.constant 0.000000e+00 : f32
    %broadcast_in_dim3A_4 = vector.broadcast %broadcast_in_dim3A : f32 to vector<32xf32>
    %broadcast_in_dim3A_5 = arith.constant 4.000000e+00 : f32
    %broadcast_in_dim3A_6 = vector.broadcast %broadcast_in_dim3A_5 : f32 to vector<32xf32>
    %reduce_max3A = arith.constant dense<0xFF800000> : vector<32xf32>
    %reduce_max3A_7 = vector.multi_reduction <maximumf>, %slice3A_3, %reduce_max3A [1] : vector<32x64xf32> to vector<32xf32>
    %broadcast_in_dim3A_8 = vector.shape_cast %reduce_max3A_7 : vector<32xf32> to vector<32x1xf32>
    %eq3A = vector.broadcast %broadcast_in_dim3A_8 : vector<32x1xf32> to vector<32x64xf32>
    %eq3A_9 = arith.cmpf oeq, %slice3A_3, %eq3A : vector<32x64xf32>
    %convert_element_type3A = arith.extui %eq3A_9 : vector<32x64xi1> to vector<32x64xi32>
    %convert_element_type3A_10 = arith.sitofp %convert_element_type3A : vector<32x64xi32> to vector<32x64xf32>
    %reduce_sum3A_11 = arith.constant dense<0.000000e+00> : vector<32xf32>
    %reduce_sum3A_12 = vector.multi_reduction <add>, %convert_element_type3A_10, %reduce_sum3A_11 [1] : vector<32x64xf32> to vector<32xf32>
    %min3A = arith.minimumf %reduce_sum3A_12, %broadcast_in_dim3A_6 : vector<32xf32>
    %gt3A = arith.constant 0.000000e+00 : f32
    %gt3A_13 = vector.broadcast %gt3A : f32 to vector<32xf32>
    %gt3A_14 = arith.cmpf ogt, %min3A, %gt3A_13 : vector<32xf32>
    %mul3A = arith.mulf %reduce_max3A_7, %min3A : vector<32xf32>
    %jit3A = arith.constant 0.000000e+00 : f32
    %broadcast_in_dim3A_15 = vector.broadcast %jit3A : f32 to vector<32xf32>
    %select_n3A = arith.select %gt3A_14, %mul3A, %broadcast_in_dim3A_15 : vector<32xi1>, vector<32xf32>
    %add3A = arith.addf %broadcast_in_dim3A_4, %select_n3A : vector<32xf32>
    %sub3A = arith.subf %broadcast_in_dim3A_6, %min3A : vector<32xf32>
    %jit3A_16 = arith.constant 0xFF800000 : f32
    %broadcast_in_dim3A_17 = vector.broadcast %jit3A_16 : f32 to vector<32x64xf32>
    %select_n3A_18 = arith.select %eq3A_9, %broadcast_in_dim3A_17, %slice3A_3 : vector<32x64xi1>, vector<32x64xf32>
    %reduce_max3A_19 = arith.constant dense<0xFF800000> : vector<32xf32>
    %reduce_max3A_20 = vector.multi_reduction <maximumf>, %select_n3A_18, %reduce_max3A_19 [1] : vector<32x64xf32> to vector<32xf32>
    %broadcast_in_dim3A_21 = vector.shape_cast %reduce_max3A_20 : vector<32xf32> to vector<32x1xf32>
    %eq3A_22 = vector.broadcast %broadcast_in_dim3A_21 : vector<32x1xf32> to vector<32x64xf32>
    %eq3A_23 = arith.cmpf oeq, %select_n3A_18, %eq3A_22 : vector<32x64xf32>
    %convert_element_type3A_24 = arith.extui %eq3A_23 : vector<32x64xi1> to vector<32x64xi32>
    %convert_element_type3A_25 = arith.sitofp %convert_element_type3A_24 : vector<32x64xi32> to vector<32x64xf32>
    %reduce_sum3A_26 = arith.constant dense<0.000000e+00> : vector<32xf32>
    %reduce_sum3A_27 = vector.multi_reduction <add>, %convert_element_type3A_25, %reduce_sum3A_26 [1] : vector<32x64xf32> to vector<32xf32>
    %min3A_28 = arith.minimumf %reduce_sum3A_27, %sub3A : vector<32xf32>
    %gt3A_29 = arith.constant 0.000000e+00 : f32
    %gt3A_30 = vector.broadcast %gt3A_29 : f32 to vector<32xf32>
    %gt3A_31 = arith.cmpf ogt, %min3A_28, %gt3A_30 : vector<32xf32>
    %mul3A_32 = arith.mulf %reduce_max3A_20, %min3A_28 : vector<32xf32>
    %jit3A_33 = arith.constant 0.000000e+00 : f32
    %broadcast_in_dim3A_34 = vector.broadcast %jit3A_33 : f32 to vector<32xf32>
    %select_n3A_35 = arith.select %gt3A_31, %mul3A_32, %broadcast_in_dim3A_34 : vector<32xi1>, vector<32xf32>
    %add3A_36 = arith.addf %add3A, %select_n3A_35 : vector<32xf32>
    %sub3A_37 = arith.subf %sub3A, %min3A_28 : vector<32xf32>
    %jit3A_38 = arith.constant 0xFF800000 : f32
    %broadcast_in_dim3A_39 = vector.broadcast %jit3A_38 : f32 to vector<32x64xf32>
    %select_n3A_40 = arith.select %eq3A_23, %broadcast_in_dim3A_39, %select_n3A_18 : vector<32x64xi1>, vector<32x64xf32>
    %reduce_max3A_41 = arith.constant dense<0xFF800000> : vector<32xf32>
    %reduce_max3A_42 = vector.multi_reduction <maximumf>, %select_n3A_40, %reduce_max3A_41 [1] : vector<32x64xf32> to vector<32xf32>
    %broadcast_in_dim3A_43 = vector.shape_cast %reduce_max3A_42 : vector<32xf32> to vector<32x1xf32>
    %eq3A_44 = vector.broadcast %broadcast_in_dim3A_43 : vector<32x1xf32> to vector<32x64xf32>
    %eq3A_45 = arith.cmpf oeq, %select_n3A_40, %eq3A_44 : vector<32x64xf32>
    %convert_element_type3A_46 = arith.extui %eq3A_45 : vector<32x64xi1> to vector<32x64xi32>
    %convert_element_type3A_47 = arith.sitofp %convert_element_type3A_46 : vector<32x64xi32> to vector<32x64xf32>
    %reduce_sum3A_48 = arith.constant dense<0.000000e+00> : vector<32xf32>
    %reduce_sum3A_49 = vector.multi_reduction <add>, %convert_element_type3A_47, %reduce_sum3A_48 [1] : vector<32x64xf32> to vector<32xf32>
    %min3A_50 = arith.minimumf %reduce_sum3A_49, %sub3A_37 : vector<32xf32>
    %gt3A_51 = arith.constant 0.000000e+00 : f32
    %gt3A_52 = vector.broadcast %gt3A_51 : f32 to vector<32xf32>
    %gt3A_53 = arith.cmpf ogt, %min3A_50, %gt3A_52 : vector<32xf32>
    %mul3A_54 = arith.mulf %reduce_max3A_42, %min3A_50 : vector<32xf32>
    %jit3A_55 = arith.constant 0.000000e+00 : f32
    %broadcast_in_dim3A_56 = vector.broadcast %jit3A_55 : f32 to vector<32xf32>
    %select_n3A_57 = arith.select %gt3A_53, %mul3A_54, %broadcast_in_dim3A_56 : vector<32xi1>, vector<32xf32>
    %add3A_58 = arith.addf %add3A_36, %select_n3A_57 : vector<32xf32>
    %sub3A_59 = arith.subf %sub3A_37, %min3A_50 : vector<32xf32>
    %jit3A_60 = arith.constant 0xFF800000 : f32
    %broadcast_in_dim3A_61 = vector.broadcast %jit3A_60 : f32 to vector<32x64xf32>
    %select_n3A_62 = arith.select %eq3A_45, %broadcast_in_dim3A_61, %select_n3A_40 : vector<32x64xi1>, vector<32x64xf32>
    %reduce_max3A_63 = arith.constant dense<0xFF800000> : vector<32xf32>
    %reduce_max3A_64 = vector.multi_reduction <maximumf>, %select_n3A_62, %reduce_max3A_63 [1] : vector<32x64xf32> to vector<32xf32>
    %broadcast_in_dim3A_65 = vector.shape_cast %reduce_max3A_64 : vector<32xf32> to vector<32x1xf32>
    %eq3A_66 = vector.broadcast %broadcast_in_dim3A_65 : vector<32x1xf32> to vector<32x64xf32>
    %eq3A_67 = arith.cmpf oeq, %select_n3A_62, %eq3A_66 : vector<32x64xf32>
    %convert_element_type3A_68 = arith.extui %eq3A_67 : vector<32x64xi1> to vector<32x64xi32>
    %convert_element_type3A_69 = arith.sitofp %convert_element_type3A_68 : vector<32x64xi32> to vector<32x64xf32>
    %reduce_sum3A_70 = arith.constant dense<0.000000e+00> : vector<32xf32>
    %reduce_sum3A_71 = vector.multi_reduction <add>, %convert_element_type3A_69, %reduce_sum3A_70 [1] : vector<32x64xf32> to vector<32xf32>
    %min3A_72 = arith.minimumf %reduce_sum3A_71, %sub3A_59 : vector<32xf32>
    %gt3A_73 = arith.constant 0.000000e+00 : f32
    %gt3A_74 = vector.broadcast %gt3A_73 : f32 to vector<32xf32>
    %gt3A_75 = arith.cmpf ogt, %min3A_72, %gt3A_74 : vector<32xf32>
    %mul3A_76 = arith.mulf %reduce_max3A_64, %min3A_72 : vector<32xf32>
    %jit3A_77 = arith.constant 0.000000e+00 : f32
    %broadcast_in_dim3A_78 = vector.broadcast %jit3A_77 : f32 to vector<32xf32>
    %select_n3A_79 = arith.select %gt3A_75, %mul3A_76, %broadcast_in_dim3A_78 : vector<32xi1>, vector<32xf32>
    %add3A_80 = arith.addf %add3A_58, %select_n3A_79 : vector<32xf32>
    %get3A_81 = arith.constant 0 : index
    %get3A_82 = arith.constant 0 : index
    %get3A_83 = vector.load %arg0[%get3A_81, %get3A_82] : memref<64x1xf32, #tpu.memory_space<vmem>>, vector<64x1xf32>
    %squeeze3A = vector.shape_cast %get3A_83 : vector<64x1xf32> to vector<64xf32>
    %concatenate3A = tpu.concatenate %squeeze3A, %reduce_sum3A_2 in 0 : vector<64xf32>, vector<32xf32> -> vector<96xf32>
    %mul3A_84 = arith.constant 4.98246163E-6 : f32
    %mul3A_85 = vector.broadcast %mul3A_84 : f32 to vector<96xf32>
    %mul3A_86 = arith.mulf %concatenate3A, %mul3A_85 : vector<96xf32>
    %get3A_87 = arith.constant 0 : index
    %get3A_88 = arith.constant 0 : index
    %get3A_89 = vector.load %arg1[%get3A_87, %get3A_88] : memref<64x1xf32, #tpu.memory_space<vmem>>, vector<64x1xf32>
    %squeeze3A_90 = vector.shape_cast %get3A_89 : vector<64x1xf32> to vector<64xf32>
    %concatenate3A_91 = tpu.concatenate %squeeze3A_90, %add3A_80 in 0 : vector<64xf32>, vector<32xf32> -> vector<96xf32>
    %broadcast_in_dim3A_92 = vector.shape_cast %mul3A_86 : vector<96xf32> to vector<96x1xf32>
    %get3A_93 = arith.constant 0 : index
    %get3A_94 = arith.constant 0 : index
    %get3A_95 = vector.load %arg3[%get3A_93, %get3A_94] : memref<48x96xf32, #tpu.memory_space<vmem>>, vector<48x96xf32>
    %dot_general3A = arith.constant dense<0.000000e+00> : vector<48x1xf32>
    %dot_general3A_96 = tpu.matmul %get3A_95, %broadcast_in_dim3A_92, %dot_general3A {dimension_numbers = #tpu.dot_dimension_numbers<[1], [0], [0], [1], [0, 0, 1, 1], [], []>, transpose_lhs_hint = false} : vector<48x96xf32>, vector<96x1xf32>, vector<48x1xf32> -> vector<48x1xf32>
    %get3A_97 = arith.constant 0 : index
    %get3A_98 = arith.constant 0 : index
    %get3A_99 = vector.load %arg4[%get3A_97, %get3A_98] : memref<48x1xf32, #tpu.memory_space<vmem>>, vector<48x1xf32>
    %add3A_100 = arith.addf %dot_general3A_96, %get3A_99 : vector<48x1xf32>
    %max3A = arith.constant 0.000000e+00 : f32
    %max3A_101 = vector.broadcast %max3A : f32 to vector<48x1xf32>
    %max3A_102 = arith.maximumf %add3A_100, %max3A_101 : vector<48x1xf32>
    %get3A_103 = arith.constant 0 : index
    %get3A_104 = arith.constant 0 : index
    %get3A_105 = vector.load %arg5[%get3A_103, %get3A_104] : memref<96x48xf32, #tpu.memory_space<vmem>>, vector<96x48xf32>
    %dot_general3A_106 = arith.constant dense<0.000000e+00> : vector<96x1xf32>
    %dot_general3A_107 = tpu.matmul %get3A_105, %max3A_102, %dot_general3A_106 {dimension_numbers = #tpu.dot_dimension_numbers<[1], [0], [0], [1], [0, 0, 1, 1], [], []>, transpose_lhs_hint = false} : vector<96x48xf32>, vector<48x1xf32>, vector<96x1xf32> -> vector<96x1xf32>
    %get3A_108 = arith.constant 0 : index
    %get3A_109 = arith.constant 0 : index
    %get3A_110 = vector.load %arg6[%get3A_108, %get3A_109] : memref<96x1xf32, #tpu.memory_space<vmem>>, vector<96x1xf32>
    %add3A_111 = arith.addf %dot_general3A_107, %get3A_110 : vector<96x1xf32>
    %broadcast_in_dim3A_112 = vector.shape_cast %concatenate3A_91 : vector<96xf32> to vector<96x1xf32>
    %get3A_113 = arith.constant 0 : index
    %get3A_114 = arith.constant 0 : index
    %get3A_115 = vector.load %arg3[%get3A_113, %get3A_114] : memref<48x96xf32, #tpu.memory_space<vmem>>, vector<48x96xf32>
    %dot_general3A_116 = arith.constant dense<0.000000e+00> : vector<48x1xf32>
    %dot_general3A_117 = tpu.matmul %get3A_115, %broadcast_in_dim3A_112, %dot_general3A_116 {dimension_numbers = #tpu.dot_dimension_numbers<[1], [0], [0], [1], [0, 0, 1, 1], [], []>, transpose_lhs_hint = false} : vector<48x96xf32>, vector<96x1xf32>, vector<48x1xf32> -> vector<48x1xf32>
    %get3A_118 = arith.constant 0 : index
    %get3A_119 = arith.constant 0 : index
    %get3A_120 = vector.load %arg4[%get3A_118, %get3A_119] : memref<48x1xf32, #tpu.memory_space<vmem>>, vector<48x1xf32>
    %add3A_121 = arith.addf %dot_general3A_117, %get3A_120 : vector<48x1xf32>
    %max3A_122 = arith.constant 0.000000e+00 : f32
    %max3A_123 = vector.broadcast %max3A_122 : f32 to vector<48x1xf32>
    %max3A_124 = arith.maximumf %add3A_121, %max3A_123 : vector<48x1xf32>
    %get3A_125 = arith.constant 0 : index
    %get3A_126 = arith.constant 0 : index
    %get3A_127 = vector.load %arg5[%get3A_125, %get3A_126] : memref<96x48xf32, #tpu.memory_space<vmem>>, vector<96x48xf32>
    %dot_general3A_128 = arith.constant dense<0.000000e+00> : vector<96x1xf32>
    %dot_general3A_129 = tpu.matmul %get3A_127, %max3A_124, %dot_general3A_128 {dimension_numbers = #tpu.dot_dimension_numbers<[1], [0], [0], [1], [0, 0, 1, 1], [], []>, transpose_lhs_hint = false} : vector<96x48xf32>, vector<48x1xf32>, vector<96x1xf32> -> vector<96x1xf32>
    %get3A_130 = arith.constant 0 : index
    %get3A_131 = arith.constant 0 : index
    %get3A_132 = vector.load %arg6[%get3A_130, %get3A_131] : memref<96x1xf32, #tpu.memory_space<vmem>>, vector<96x1xf32>
    %add3A_133 = arith.addf %dot_general3A_129, %get3A_132 : vector<96x1xf32>
    %add3A_134 = arith.addf %add3A_111, %add3A_133 : vector<96x1xf32>
    %logistic3A = arith.negf %add3A_134 : vector<96x1xf32>
    %logistic3A_135 = math.exp %logistic3A : vector<96x1xf32>
    %logistic3A_136 = arith.constant 1.000000e+00 : f32
    %logistic3A_137 = vector.broadcast %logistic3A_136 : f32 to vector<96x1xf32>
    %logistic3A_138 = arith.addf %logistic3A_137, %logistic3A_135 : vector<96x1xf32>
    %logistic3A_139 = arith.divf %logistic3A_137, %logistic3A_138 : vector<96x1xf32>
    %swap3A = arith.constant 0 : index
    %swap3A_140 = arith.constant 0 : index
    %swap3A_141 = vector.load %arg7[%swap3A, %swap3A_140] : memref<96x1xf32, #tpu.memory_space<vmem>>, vector<96x1xf32>
    tpu.vector_store %arg7[%swap3A, %swap3A_140], %logistic3A_139 {strides = array<i32>} : memref<96x1xf32, #tpu.memory_space<vmem>>, vector<96x1xf32>,
    return
  }
}

module attributes {stable_mosaic.version = 14 : i64} {
  func.func @_stats_kernel(%arg0: i32, %arg1: memref<8x1568x128xf32, #tpu.memory_space<vmem>>, %arg2: memref<8x1xf32, #tpu.memory_space<vmem>>, %arg3: memref<8x1xf32, #tpu.memory_space<vmem>>) attributes {dimension_semantics = [#tpu.dimension_semantics<parallel>], iteration_bounds = array<i64: 8>, scalar_prefetch = 0 : i64, scratch_operands = 0 : i64, tpu.core_type = #tpu.core_type<tc>, window_params = [{transform_indices = @transform_0, window_bounds = array<i64: 8, 1568, 128>}, {transform_indices = @transform_1, window_bounds = array<i64: 8, 1>}, {transform_indices = @transform_2, window_bounds = array<i64: 8, 1>}]} {
    %get3A = arith.constant 0 : index
    %get3A_0 = arith.constant 0 : index
    %get3A_1 = arith.constant 0 : index
    %get3A_2 = vector.load %arg1[%get3A, %get3A_0, %get3A_1] : memref<8x1568x128xf32, #tpu.memory_space<vmem>>, vector<8x1568x128xf32>
    %reduce_sum3A = arith.constant dense<0.000000e+00> : vector<8xf32>
    %reduce_sum3A_3 = vector.multi_reduction <add>, %get3A_2, %reduce_sum3A [1, 2] : vector<8x1568x128xf32> to vector<8xf32>
    %broadcast_in_dim3A = vector.shape_cast %reduce_sum3A_3 : vector<8xf32> to vector<8x1xf32>
    %swap3A = arith.constant 0 : index
    %swap3A_4 = arith.constant 0 : index
    %swap3A_5 = vector.load %arg2[%swap3A, %swap3A_4] : memref<8x1xf32, #tpu.memory_space<vmem>>, vector<8x1xf32>
    tpu.vector_store %arg2[%swap3A, %swap3A_4], %broadcast_in_dim3A {strides = array<i32>} : memref<8x1xf32, #tpu.memory_space<vmem>>, vector<8x1xf32>,
    %broadcast_in_dim3A_6 = arith.constant 0xFF800000 : f32
    %broadcast_in_dim3A_7 = vector.broadcast %broadcast_in_dim3A_6 : f32 to vector<8x8x128xf32>
    %scan3A = arith.constant 0 : i32
    %scan3A_8 = arith.constant 196 : i32
    %scan3A_9 = arith.addi %scan3A, %scan3A_8 : i32
    %scan3A_10 = arith.constant 1 : i32
    %scan3A_11:4 = scf.for %scan3A_95 = %scan3A to %scan3A_9 step %scan3A_10 iter_args(%scan3A_96 = %broadcast_in_dim3A_7, %scan3A_97 = %broadcast_in_dim3A_7, %scan3A_98 = %broadcast_in_dim3A_7, %scan3A_99 = %broadcast_in_dim3A_7) -> (vector<8x8x128xf32>, vector<8x8x128xf32>, vector<8x8x128xf32>, vector<8x8x128xf32>)  : i32 {
      %mul3A_100 = arith.constant 8 : i32
      %mul3A_101 = arith.muli %scan3A_95, %mul3A_100 : i32
      %get3A_102 = arith.constant 0 : index
      %get3A_103 = arith.index_cast %mul3A_101 : i32 to index
      %get3A_104 = arith.constant 0 : index
      %get3A_105 = vector.load %arg1[%get3A_102, %get3A_103, %get3A_104] : memref<8x1568x128xf32, #tpu.memory_space<vmem>>, vector<8x8x128xf32>
      %max3A = arith.maximumf %scan3A_96, %get3A_105 : vector<8x8x128xf32>
      %min3A_106 = arith.minimumf %scan3A_96, %get3A_105 : vector<8x8x128xf32>
      %max3A_107 = arith.maximumf %scan3A_97, %min3A_106 : vector<8x8x128xf32>
      %min3A_108 = arith.minimumf %scan3A_97, %min3A_106 : vector<8x8x128xf32>
      %max3A_109 = arith.maximumf %scan3A_98, %min3A_108 : vector<8x8x128xf32>
      %min3A_110 = arith.minimumf %scan3A_98, %min3A_108 : vector<8x8x128xf32>
      %max3A_111 = arith.maximumf %scan3A_99, %min3A_110 : vector<8x8x128xf32>
      scf.yield %max3A, %max3A_107, %max3A_109, %max3A_111 : vector<8x8x128xf32>, vector<8x8x128xf32>, vector<8x8x128xf32>, vector<8x8x128xf32>
    }
    %scan3A_12 = arith.constant 196 : i32
    %concatenate3A = tpu.concatenate %scan3A_11#0, %scan3A_11#1, %scan3A_11#2, %scan3A_11#3 in 1 : vector<8x8x128xf32>, vector<8x8x128xf32>, vector<8x8x128xf32>, vector<8x8x128xf32> -> vector<8x32x128xf32>
    %broadcast_in_dim3A_13 = arith.constant 0.000000e+00 : f32
    %broadcast_in_dim3A_14 = vector.broadcast %broadcast_in_dim3A_13 : f32 to vector<8xf32>
    %broadcast_in_dim3A_15 = arith.constant 4.000000e+00 : f32
    %broadcast_in_dim3A_16 = vector.broadcast %broadcast_in_dim3A_15 : f32 to vector<8xf32>
    %reduce_max3A = arith.constant dense<0xFF800000> : vector<8xf32>
    %reduce_max3A_17 = vector.multi_reduction <maximumf>, %concatenate3A, %reduce_max3A [1, 2] : vector<8x32x128xf32> to vector<8xf32>
    %broadcast_in_dim3A_18 = vector.shape_cast %reduce_max3A_17 : vector<8xf32> to vector<8x1x1xf32>
    %eq3A = vector.broadcast %broadcast_in_dim3A_18 : vector<8x1x1xf32> to vector<8x32x128xf32>
    %eq3A_19 = arith.cmpf oeq, %concatenate3A, %eq3A : vector<8x32x128xf32>
    %convert_element_type3A = arith.extui %eq3A_19 : vector<8x32x128xi1> to vector<8x32x128xi32>
    %convert_element_type3A_20 = arith.sitofp %convert_element_type3A : vector<8x32x128xi32> to vector<8x32x128xf32>
    %reduce_sum3A_21 = arith.constant dense<0.000000e+00> : vector<8xf32>
    %reduce_sum3A_22 = vector.multi_reduction <add>, %convert_element_type3A_20, %reduce_sum3A_21 [1, 2] : vector<8x32x128xf32> to vector<8xf32>
    %min3A = arith.minimumf %reduce_sum3A_22, %broadcast_in_dim3A_16 : vector<8xf32>
    %gt3A = arith.constant 0.000000e+00 : f32
    %gt3A_23 = vector.broadcast %gt3A : f32 to vector<8xf32>
    %gt3A_24 = arith.cmpf ogt, %min3A, %gt3A_23 : vector<8xf32>
    %mul3A = arith.mulf %reduce_max3A_17, %min3A : vector<8xf32>
    %jit3A = arith.constant 0.000000e+00 : f32
    %broadcast_in_dim3A_25 = vector.broadcast %jit3A : f32 to vector<8xf32>
    %select_n3A = arith.select %gt3A_24, %mul3A, %broadcast_in_dim3A_25 : vector<8xi1>, vector<8xf32>
    %add3A = arith.addf %broadcast_in_dim3A_14, %select_n3A : vector<8xf32>
    %sub3A = arith.subf %broadcast_in_dim3A_16, %min3A : vector<8xf32>
    %jit3A_26 = arith.constant 0xFF800000 : f32
    %broadcast_in_dim3A_27 = vector.broadcast %jit3A_26 : f32 to vector<8x32x128xf32>
    %select_n3A_28 = arith.select %eq3A_19, %broadcast_in_dim3A_27, %concatenate3A : vector<8x32x128xi1>, vector<8x32x128xf32>
    %reduce_max3A_29 = arith.constant dense<0xFF800000> : vector<8xf32>
    %reduce_max3A_30 = vector.multi_reduction <maximumf>, %select_n3A_28, %reduce_max3A_29 [1, 2] : vector<8x32x128xf32> to vector<8xf32>
    %broadcast_in_dim3A_31 = vector.shape_cast %reduce_max3A_30 : vector<8xf32> to vector<8x1x1xf32>
    %eq3A_32 = vector.broadcast %broadcast_in_dim3A_31 : vector<8x1x1xf32> to vector<8x32x128xf32>
    %eq3A_33 = arith.cmpf oeq, %select_n3A_28, %eq3A_32 : vector<8x32x128xf32>
    %convert_element_type3A_34 = arith.extui %eq3A_33 : vector<8x32x128xi1> to vector<8x32x128xi32>
    %convert_element_type3A_35 = arith.sitofp %convert_element_type3A_34 : vector<8x32x128xi32> to vector<8x32x128xf32>
    %reduce_sum3A_36 = arith.constant dense<0.000000e+00> : vector<8xf32>
    %reduce_sum3A_37 = vector.multi_reduction <add>, %convert_element_type3A_35, %reduce_sum3A_36 [1, 2] : vector<8x32x128xf32> to vector<8xf32>
    %min3A_38 = arith.minimumf %reduce_sum3A_37, %sub3A : vector<8xf32>
    %gt3A_39 = arith.constant 0.000000e+00 : f32
    %gt3A_40 = vector.broadcast %gt3A_39 : f32 to vector<8xf32>
    %gt3A_41 = arith.cmpf ogt, %min3A_38, %gt3A_40 : vector<8xf32>
    %mul3A_42 = arith.mulf %reduce_max3A_30, %min3A_38 : vector<8xf32>
    %jit3A_43 = arith.constant 0.000000e+00 : f32
    %broadcast_in_dim3A_44 = vector.broadcast %jit3A_43 : f32 to vector<8xf32>
    %select_n3A_45 = arith.select %gt3A_41, %mul3A_42, %broadcast_in_dim3A_44 : vector<8xi1>, vector<8xf32>
    %add3A_46 = arith.addf %add3A, %select_n3A_45 : vector<8xf32>
    %sub3A_47 = arith.subf %sub3A, %min3A_38 : vector<8xf32>
    %jit3A_48 = arith.constant 0xFF800000 : f32
    %broadcast_in_dim3A_49 = vector.broadcast %jit3A_48 : f32 to vector<8x32x128xf32>
    %select_n3A_50 = arith.select %eq3A_33, %broadcast_in_dim3A_49, %select_n3A_28 : vector<8x32x128xi1>, vector<8x32x128xf32>
    %reduce_max3A_51 = arith.constant dense<0xFF800000> : vector<8xf32>
    %reduce_max3A_52 = vector.multi_reduction <maximumf>, %select_n3A_50, %reduce_max3A_51 [1, 2] : vector<8x32x128xf32> to vector<8xf32>
    %broadcast_in_dim3A_53 = vector.shape_cast %reduce_max3A_52 : vector<8xf32> to vector<8x1x1xf32>
    %eq3A_54 = vector.broadcast %broadcast_in_dim3A_53 : vector<8x1x1xf32> to vector<8x32x128xf32>
    %eq3A_55 = arith.cmpf oeq, %select_n3A_50, %eq3A_54 : vector<8x32x128xf32>
    %convert_element_type3A_56 = arith.extui %eq3A_55 : vector<8x32x128xi1> to vector<8x32x128xi32>
    %convert_element_type3A_57 = arith.sitofp %convert_element_type3A_56 : vector<8x32x128xi32> to vector<8x32x128xf32>
    %reduce_sum3A_58 = arith.constant dense<0.000000e+00> : vector<8xf32>
    %reduce_sum3A_59 = vector.multi_reduction <add>, %convert_element_type3A_57, %reduce_sum3A_58 [1, 2] : vector<8x32x128xf32> to vector<8xf32>
    %min3A_60 = arith.minimumf %reduce_sum3A_59, %sub3A_47 : vector<8xf32>
    %gt3A_61 = arith.constant 0.000000e+00 : f32
    %gt3A_62 = vector.broadcast %gt3A_61 : f32 to vector<8xf32>
    %gt3A_63 = arith.cmpf ogt, %min3A_60, %gt3A_62 : vector<8xf32>
    %mul3A_64 = arith.mulf %reduce_max3A_52, %min3A_60 : vector<8xf32>
    %jit3A_65 = arith.constant 0.000000e+00 : f32
    %broadcast_in_dim3A_66 = vector.broadcast %jit3A_65 : f32 to vector<8xf32>
    %select_n3A_67 = arith.select %gt3A_63, %mul3A_64, %broadcast_in_dim3A_66 : vector<8xi1>, vector<8xf32>
    %add3A_68 = arith.addf %add3A_46, %select_n3A_67 : vector<8xf32>
    %sub3A_69 = arith.subf %sub3A_47, %min3A_60 : vector<8xf32>
    %jit3A_70 = arith.constant 0xFF800000 : f32
    %broadcast_in_dim3A_71 = vector.broadcast %jit3A_70 : f32 to vector<8x32x128xf32>
    %select_n3A_72 = arith.select %eq3A_55, %broadcast_in_dim3A_71, %select_n3A_50 : vector<8x32x128xi1>, vector<8x32x128xf32>
    %reduce_max3A_73 = arith.constant dense<0xFF800000> : vector<8xf32>
    %reduce_max3A_74 = vector.multi_reduction <maximumf>, %select_n3A_72, %reduce_max3A_73 [1, 2] : vector<8x32x128xf32> to vector<8xf32>
    %broadcast_in_dim3A_75 = vector.shape_cast %reduce_max3A_74 : vector<8xf32> to vector<8x1x1xf32>
    %eq3A_76 = vector.broadcast %broadcast_in_dim3A_75 : vector<8x1x1xf32> to vector<8x32x128xf32>
    %eq3A_77 = arith.cmpf oeq, %select_n3A_72, %eq3A_76 : vector<8x32x128xf32>
    %convert_element_type3A_78 = arith.extui %eq3A_77 : vector<8x32x128xi1> to vector<8x32x128xi32>
    %convert_element_type3A_79 = arith.sitofp %convert_element_type3A_78 : vector<8x32x128xi32> to vector<8x32x128xf32>
    %reduce_sum3A_80 = arith.constant dense<0.000000e+00> : vector<8xf32>
    %reduce_sum3A_81 = vector.multi_reduction <add>, %convert_element_type3A_79, %reduce_sum3A_80 [1, 2] : vector<8x32x128xf32> to vector<8xf32>
    %min3A_82 = arith.minimumf %reduce_sum3A_81, %sub3A_69 : vector<8xf32>
    %gt3A_83 = arith.constant 0.000000e+00 : f32
    %gt3A_84 = vector.broadcast %gt3A_83 : f32 to vector<8xf32>
    %gt3A_85 = arith.cmpf ogt, %min3A_82, %gt3A_84 : vector<8xf32>
    %mul3A_86 = arith.mulf %reduce_max3A_74, %min3A_82 : vector<8xf32>
    %jit3A_87 = arith.constant 0.000000e+00 : f32
    %broadcast_in_dim3A_88 = vector.broadcast %jit3A_87 : f32 to vector<8xf32>
    %select_n3A_89 = arith.select %gt3A_85, %mul3A_86, %broadcast_in_dim3A_88 : vector<8xi1>, vector<8xf32>
    %add3A_90 = arith.addf %add3A_68, %select_n3A_89 : vector<8xf32>
    %broadcast_in_dim3A_91 = vector.shape_cast %add3A_90 : vector<8xf32> to vector<8x1xf32>
    %swap3A_92 = arith.constant 0 : index
    %swap3A_93 = arith.constant 0 : index
    %swap3A_94 = vector.load %arg3[%swap3A_92, %swap3A_93] : memref<8x1xf32, #tpu.memory_space<vmem>>, vector<8x1xf32>
    tpu.vector_store %arg3[%swap3A_92, %swap3A_93], %broadcast_in_dim3A_91 {strides = array<i32>} : memref<8x1xf32, #tpu.memory_space<vmem>>, vector<8x1xf32>,
    return
  }
  func.func @transform_0(%arg0: i32) -> (i32, i32, i32) {
    %c0_i32 = arith.constant 0 : i32
    %c0_i32_0 = arith.constant 0 : i32
    %c0_i32_1 = arith.constant 0 : i32
    return %arg0, %c0_i32, %c0_i32_0 : i32, i32, i32
  }
  func.func @transform_1(%arg0: i32) -> (i32, i32) {
    %c0_i32 = arith.constant 0 : i32
    %c0_i32_0 = arith.constant 0 : i32
    return %arg0, %c0_i32 : i32, i32
  }
  func.func @transform_2(%arg0: i32) -> (i32, i32) {
    %c0_i32 = arith.constant 0 : i32
    %c0_i32_0 = arith.constant 0 : i32
    return %arg0, %c0_i32 : i32, i32
  }
}

module attributes {stable_mosaic.version = 14 : i64} {
  func.func @_scale_kernel(%arg0: i32, %arg1: memref<8x1568x128xf32, #tpu.memory_space<vmem>>, %arg2: memref<8x1xf32, #tpu.memory_space<vmem>>, %arg3: memref<8x1568x128xf32, #tpu.memory_space<vmem>>) attributes {dimension_semantics = [#tpu.dimension_semantics<parallel>], iteration_bounds = array<i64: 12>, scalar_prefetch = 0 : i64, scratch_operands = 0 : i64, tpu.core_type = #tpu.core_type<tc>, window_params = [{transform_indices = @transform_0, window_bounds = array<i64: 8, 1568, 128>}, {transform_indices = @transform_1, window_bounds = array<i64: 8, 1>}, {transform_indices = @transform_2, window_bounds = array<i64: 8, 1568, 128>}]} {
    %get3A = arith.constant 0 : index
    %get3A_0 = arith.constant 0 : index
    %get3A_1 = arith.constant 0 : index
    %get3A_2 = vector.load %arg1[%get3A, %get3A_0, %get3A_1] : memref<8x1568x128xf32, #tpu.memory_space<vmem>>, vector<8x1568x128xf32>
    %get3A_3 = arith.constant 0 : index
    %get3A_4 = arith.constant 0 : index
    %get3A_5 = vector.load %arg2[%get3A_3, %get3A_4] : memref<8x1xf32, #tpu.memory_space<vmem>>, vector<8x1xf32>
    %broadcast_in_dim3A = vector.shape_cast %get3A_5 : vector<8x1xf32> to vector<8x1x1xf32>
    %mul3A = vector.broadcast %broadcast_in_dim3A : vector<8x1x1xf32> to vector<8x1568x128xf32>
    %mul3A_6 = arith.mulf %get3A_2, %mul3A : vector<8x1568x128xf32>
    %swap3A = arith.constant 0 : index
    %swap3A_7 = arith.constant 0 : index
    %swap3A_8 = arith.constant 0 : index
    %swap3A_9 = vector.load %arg3[%swap3A, %swap3A_7, %swap3A_8] : memref<8x1568x128xf32, #tpu.memory_space<vmem>>, vector<8x1568x128xf32>
    tpu.vector_store %arg3[%swap3A, %swap3A_7, %swap3A_8], %mul3A_6 {strides = array<i32>} : memref<8x1568x128xf32, #tpu.memory_space<vmem>>, vector<8x1568x128xf32>,
    return
  }
  func.func @transform_0(%arg0: i32) -> (i32, i32, i32) {
    %c0_i32 = arith.constant 0 : i32
    %c0_i32_0 = arith.constant 0 : i32
    %c0_i32_1 = arith.constant 0 : i32
    return %arg0, %c0_i32, %c0_i32_0 : i32, i32, i32
  }
  func.func @transform_1(%arg0: i32) -> (i32, i32) {
    %c0_i32 = arith.constant 0 : i32
    %c0_i32_0 = arith.constant 0 : i32
    return %arg0, %c0_i32 : i32, i32
  }
  func.func @transform_2(%arg0: i32) -> (i32, i32, i32) {
    %c0_i32 = arith.constant 0 : i32
    %c0_i32_0 = arith.constant 0 : i32
    %c0_i32_1 = arith.constant 0 : i32
    return %arg0, %c0_i32, %c0_i32_0 : i32, i32, i32
  }
}

</mosaic_0001>

<sc_bundles>
// kernel: kernel.6.cloned.1.call-start
scs
__scs_entry_jumppad:
0x0: {  	(pc) =	sbr.rel $0x88, $3  }
0x1: {  	(tag) =	ssettag $0x0;
	lr =	simm.s32 $0x1  }
0x2: {  	[smem:$0x3F9C] =	sst lr;
	_ =	strace $0xD0000000  }
0x3: {  	_ = 	snop  }
0x4: {  	_ = 	snop  }
0x5: {  	_ = 	snop  }
0x6: {  	_ = 	snop  }
0x7: {  	_ = 	snop  }
__scs_overlays_trampoline_lowered:
0x8: {  	[smem:$0x3FAB] =	sst s0  }
0x9: {  	[smem:$0x3FAC] =	sst s1  }
0xa: {  	[smem:$0x3FAD] =	sst s2  }
0xb: {  	[smem:$0x3FAE] =	sst s3  }
0xc: {  	[smem:$0x3FAF] =	sst s4  }
0xd: {  	[smem:$0x3FB0] =	sst s5  }
0xe: {  	[smem:$0x3FB1] =	sst s6  }
0xf: {  	[smem:$0x3FB2] =	sst s7  }
0x10: {  	[smem:$0x3FB3] =	sst s8  }
0x11: {  	[smem:$0x3FB4] =	sst s9;
	s0 =	simm.s32 @!p0 $0x0  }
0x12: {  	s1 =	sld [smem:$0x3F9A];
	s0 =	simm.s32 @p0 $0x1  }
0x13: {  	[smem:$0x3FB5] =	sst s0;
	s0 =	simm.s32 @!p1 $0x0  }
0x14: {  	s2 =	sld [smem:$0x3F99];
	s0 =	simm.s32 @p1 $0x1  }
0x15: {  	[smem:$0x3FB6] =	sst s0;
	s0 =	simm.s32 @!p2 $0x0  }
0x16: {  	s3 =	sld [smem:$0x3FDB];
	s0 =	simm.s32 @p2 $0x1  }
0x17: {  	s4 =	simm.s32 $0x1BF5;
	[smem:$0x3FB8] =	sst s0  }
0x18: {  	s0 =	sld [smem:$0x3F9B];
	_ =	swait.ge [sflag:s4], $0x0  }
0x19: {  	s7 =	sld [smem:$0x3F9C]  }
0x1a: {  	s8 =	sadd.s32 $0xFFFFE003, lr  }
0x1b: {  	s9 =	sadd.s32 $0xFFFFFEF7, lr;
	s5 =	simm.s32 $0xFFFFFFFF;
	p2 =	slt.u32 s8, $0xFFFFF086  }
0x1c: {  	p1 =	slt.u32 s9, $0xF7A;
	s5 =	simm.s32 @!p2 $0x0  }
0x1d: {  	s5 =	simm.s32 @p1 $0x1;
	p0 =	seq.s32 s7, s2  }
0x1e: {  	s7 =	smul.u32 @!p0 $0xF7A, s2;
	p2 =	seq.s32 @!p0 s5, $0x0  }
0x1f: {  	s9 =	smul.u32 $0xF7A, s1;
	s8 =	simm.s32 @!p0 $0x1BF5;
	p2 =	por !p2, p0  }
0x20: {  	[sflag:s8] =	ssyncset.s32 @!p0 $0xFFFFF086;
	s6 =	sadd.s32 @!p0 s3, s7;
	s7 =	simm.s32 @!p0 $0x108  }
0x21: {  	s3 =	sadd.s32 s3, s9;
	s6 =	sadd.s32 @!p0 $0x88, s6;
	s7 =	simm.s32 @p2 $0x1082  }
0x22: {  	[simem:s7], [sflag:s8] =	dma.local @!p0 [hbm:s6], $0xF7A  }
0x23: {  	s9 =	sor.u32 $0xD0000000, s2;
	s6 =	simm.s32 $0x108;
	_ =	swait.ge @!p0 [sflag:s8], $0x0  }
0x24: {  	s3 =	sadd.s32 $0x88, s3;
	s6 =	simm.s32 @!p1 $0x1082;
	[sflag:s4] =	ssyncset.s32 $0xFFFFF086  }
0x25: {  	[simem:s6], [sflag:s4] =	dma.local [hbm:s3], $0xF7A  }
0x26: {  	[smem:$0x3F9C] =	sst s1;
	(tag) =	ssettag s2;
	_ =	strace s9  }
0x27: {  	s1 =	sld [smem:$0x3FAC]  }
0x28: {  	s2 =	sld [smem:$0x3FAD]  }
0x29: {  	s4 =	sld [smem:$0x3FAF]  }
0x2a: {  	p0 =	seq.s32 s5, $0x0;
	s5 =	sld [smem:$0x3FB0]  }
0x2b: {  	s6 =	sld [smem:$0x3FB1]  }
0x2c: {  	s7 =	sld [smem:$0x3FB2]  }
0x2d: {  	s3 =	simm.s32 $0x108;
	s8 =	sld [smem:$0x3FB3]  }
0x2e: {  	s3 =	simm.s32 @!p0 $0x1082;
	s9 =	sld [smem:$0x3FB4]  }
0x2f: {  	lr =	sadd.s32 s0, s3;
	s0 =	sld [smem:$0x3FAB]  }
0x30: {  	s3 =	sld [smem:$0x3FAE]  }
0x31: {  	[smem:$0x3FB7] =	sst s10  }
0x32: {  	s10 =	sld [smem:$0x3FB5];
	_ =	sdelay $0x3  }
0x33: {  	p0 =	seq.s32 s10, $0x1;
	s10 =	sld [smem:$0x3FB7];
	_ =	sdelay $0x3  }
0x34: {  	[smem:$0x3FB7] =	sst s10  }
0x35: {  	s10 =	sld [smem:$0x3FB6];
	_ =	sdelay $0x3  }
0x36: {  	p1 =	seq.s32 s10, $0x1;
	s10 =	sld [smem:$0x3FB7];
	_ =	sdelay $0x3  }
0x37: {  	[smem:$0x3FB7] =	sst s10  }
0x38: {  	s10 =	sld [smem:$0x3FB8]  }
0x39: {  	_ = 	snop;
	(pc) =	sbr.ind lr, $3  }
0x3a: {  	_ = 	snop  }
0x3b: {  	_ = 	snop  }
0x3c: {  	p2 =	seq.s32 s10, $0x1;
	s10 =	sld [smem:$0x3FB7]  }
0x3d: {  	_ =	shalt  }
0x3e: {  	_ =	shalt  }
0x3f: {  	_ =	shalt  }
0x40: {  	_ =	shalt  }
0x41: {  	_ =	shalt  }
0x42: {  	_ =	shalt  }
0x43: {  	_ =	shalt  }
0x44: {  	_ =	shalt  }
0x45: {  	_ =	shalt  }
0x46: {  	_ =	shalt  }
0x47: {  	_ =	shalt  }
0x48: {  	_ =	shalt  }
0x49: {  	_ =	shalt  }
0x4a: {  	_ =	shalt  }
0x4b: {  	_ =	shalt  }
0x4c: {  	_ =	shalt  }
0x4d: {  	_ =	shalt  }
0x4e: {  	_ =	shalt  }
0x4f: {  	_ =	shalt  }
0x50: {  	_ =	shalt  }
0x51: {  	_ =	shalt  }
0x52: {  	_ =	shalt  }
0x53: {  	_ =	shalt  }
0x54: {  	_ =	shalt  }
0x55: {  	_ =	shalt  }
0x56: {  	_ =	shalt  }
0x57: {  	_ =	shalt  }
0x58: {  	_ =	shalt  }
0x59: {  	_ =	shalt  }
0x5a: {  	_ =	shalt  }
0x5b: {  	_ =	shalt  }
0x5c: {  	_ =	shalt  }
0x5d: {  	_ =	shalt  }
0x5e: {  	_ =	shalt  }
0x5f: {  	_ =	shalt  }
0x60: {  	_ =	shalt  }
0x61: {  	_ =	shalt  }
0x62: {  	_ =	shalt  }
0x63: {  	_ =	shalt  }
0x64: {  	_ =	shalt  }
0x65: {  	_ =	shalt  }
0x66: {  	_ =	shalt  }
0x67: {  	_ =	shalt  }
0x68: {  	_ =	shalt  }
0x69: {  	_ =	shalt  }
0x6a: {  	_ =	shalt  }
0x6b: {  	_ =	shalt  }
0x6c: {  	_ =	shalt  }
0x6d: {  	_ =	shalt  }
0x6e: {  	_ =	shalt  }
0x6f: {  	_ =	shalt  }
0x70: {  	_ =	shalt  }
0x71: {  	_ =	shalt  }
0x72: {  	_ =	shalt  }
0x73: {  	_ =	shalt  }
0x74: {  	_ =	shalt  }
0x75: {  	_ =	shalt  }
0x76: {  	_ =	shalt  }
0x77: {  	_ =	shalt  }
0x78: {  	_ =	shalt  }
0x79: {  	_ =	shalt  }
0x7a: {  	_ =	shalt  }
0x7b: {  	_ =	shalt  }
0x7c: {  	_ =	shalt  }
0x7d: {  	_ =	shalt  }
0x7e: {  	_ =	shalt  }
0x7f: {  	_ =	shalt  }
0x80: {  	_ =	shalt  }
0x81: {  	_ =	shalt  }
0x82: {  	_ =	shalt  }
0x83: {  	_ =	shalt  }
0x84: {  	_ =	shalt  }
0x85: {  	_ =	shalt  }
0x86: {  	_ =	shalt  }
0x87: {  	_ =	shalt  }
.Lfunc_end0:
.L_simem_size_0:
called_computation_lowered:
.L_overlay_start_0:
0x88: {  	s2 =	sld [smem:$0x3FD9]  }
0x89: {  	s3 =	sld [smem:$0x3FFE];
	_ =	sdelay $0x1  }
0x8a: {  	s1 =	srdreg.scid  }
0x8b: {  	s0 =	sand.u32 $0x1, s1  }
0x8c: {  	s16 =	sshll.u32 s0, $0xA;
	s2 =	sadd.s32 s3, s2  }
0x8d: {  	s2 =	sadd.s32 s2, s16  }
0x8e: {  	[smem:$0x3FC3] =	sst s2  }
0x8f: {  	_ = 	snop  }
0x90: {  	(tm) =	ssettm $0x1  }
0x91: {  	s17 =	sld [smem:$0x3FFB];
	_ =	sdelay $0x3  }
0x92: {  	_ =	strace s17  }
0x93: {  	s2 =	sld [smem:$0x3FFC];
	_ =	sdelay $0x3  }
0x94: {  	_ =	strace s2  }
0x95: {  	s2 =	sld [smem:$0x3FFD];
	_ =	sdelay $0x3  }
0x96: {  	_ =	strace s2  }
0x97: {  	_ =	strace $0x8FFFFFFF  }
0x98: {  	s18 =	sld [smem:$0x3FDB];
	_ =	sdelay $0x1  }
0x99: {  	s19 =	simm.s32 $_scs_section_size  }
0x9a: {  	s4 =	simm.s32 $_size__tile_overlayer_lowered;
	s5 =	simm.s32 $_tile_overlayer_lowered  }
0x9b: {  	s22 =	simm.s32 $0x1BFF;
	s21 =	sshll.u32 s5, $0x1;
	s2 =	sadd.s32 s19, s18  }
0x9c: {  	s6 =	simm.s32 $0x0;
	s20 =	sshll.u32 s4, $0x1;
	s4 =	sadd.s32 s21, s2  }
0x9d: {  	[timem:s6], [sflag:s22] =	dma.local [hbm:s4], s20  }
0x9e: {  	_ =	swait.ge [sflag:s22], s20  }
0x9f: {  	s3 =	ssub.s32 $0x0, s20;
	[sflag:s22] =	ssyncset.done $0x0  }
0xa0: {  	[sflag:s22] =	ssyncadd.s32 s3;
	_ =	sdelay $0x1  }
0xa1: {  	s23 =	simm.s32 $0x1B8B  }
0xa2: {  	_ =	swait.ge [sflag:s23], $0x1  }
0xa3: {  	[sflag:s23] =	ssyncset.done $0x0  }
0xa4: {  	s25 =	simm.s32 $0x1B8E;
	s24 =	sld [smem:$0x3FFE];
	[sflag:s23] =	ssyncadd.s32 $0xFFFFFFFF  }
0xa5: {  	s26 =	simm.s32 $execute0_lowered;
	[smem:$0x3FD2] =	sst s25  }
0xa6: {  	s4 =	sshll.u32 s26, $0x1;
	_ =	strace $0x80000046;
	[dreg:$0x1] =	wrdreg $0xFFFFFFFF  }
0xa7: {  	s28 =	simm.s32 $_size_execute0_lowered;
	s2 =	sadd.s32 s2, s4;
	[dreg:$0x0] =	wrdreg $0x0  }
0xa8: {  	s4 =	sshll.u32 s28, $0x1;
	[dreg:$0x2] =	wrdreg s2  }
0xa9: {  	[dreg:$0x3] =	wrdreg s4  }
0xaa: {  	[dreg:$0x4] =	wrdreg $0xC0  }
0xab: {  	_ =	task [dreg:s6], $0x5FFFF  }
0xac: {  	[dreg:$0x1] =	wrdreg $0xFFFFFFFF  }
0xad: {  	[dreg:$0x0] =	wrdreg $0x60  }
0xae: {  	[dreg:$0x2] =	wrdreg s24  }
0xaf: {  	[dreg:$0x3] =	wrdreg $0x9  }
0xb0: {  	_ =	task.clear_ibuf [dreg:s6], $0x4FFFF;
	_ =	strace $0x90000046  }
0xb1: {  	s29 =	simm.s32 $0x9;
	_ =	strace $0x80000048  }
0xb2: {  	_ =	swait.ge [sflag:s29], $0x1  }
0xb3: {  	[sflag:s29] =	ssyncadd.s32 $0xFFFFFFFF  }
0xb4: {  	_ =	strace $0x90000048  }
0xb5: {  	_ =	sfence  }
0xb6: {  	s30 =	sld [smem:$0x0];
	_ =	sdelay $0x2  }
0xb7: {  	s31 =	sshll.u32 s1, $0xD;
	s1 =	sshrl.u32 s1, $0x2  }
0xb8: {  	s3 =	sand.u32 $0x4000, s31;
	s1 =	sadd.s32 s1, s30  }
0xb9: {  	s0 =	sor.u32 s3, s0;
	s1 =	sshll.u32 s1, $0x11  }
0xba: {  	s0 =	sor.u32 s1, s0  }
0xbb: {  	s0 =	sadd.s32 $0x8F2B, s0  }
0xbc: {  	[sflag:s0] =	ssyncadd.remote.s32 $0x1  }
0xbd: {  	_ =	sfence.sel $0xFFFF  }
0xbe: {  	[dreg:$0x0] =	wrdreg $0xFFFFFFFF;
	(pc) =	sbr.abs _section_cstart, $3  }
0xbf: {  	[dreg:$0x1] =	wrdreg $0xFFFFFFFF  }
0xc0: {  	_ =	task.clear_ibuf [dreg:s6], $0x2FFFF;
	_ =	strace $0x9FFFFFFF  }
0xc1: {  	(tm) =	ssettm $0x7FFFFFFF  }
tec
execute0_lowered:
.L_overlay_start_1:
0x0: {  	(tag) =	ssettag $0x1  }
0x1: {  	s1 =	srdreg.scid;
	s0 =	stileid.u32  }
0x2: {  	s4 =	rddreg [dreg:$0x0];
	s2 =	simm.s32 $0x0;
	s13 =	simm.s32 $0x6200  }
0x3: {  	s14 =	simm.s32 $0x1;
	s5 =	sand.u32 $0x1, s1;
	s31 =	sshll.u32 s0, $0x1  }
0x4: {  	s15 =	simm.s32 $0xC400;
	s16 =	simm.s32 $0x2;
	s3 =	sor.u32 s5, s31  }
0x5: {  	s17 =	simm.s32 $0x12600;
	s18 =	simm.s32 $0x3;
	s6 =	smul.u32 $0x31000, s3  }
0x6: {  	s19 =	simm.s32 $0x4;
	s20 =	simm.s32 $0x18800;
	s3 =	smul.u32 $0xA, s3  }
0x7: {  	s21 =	simm.s32 $0x5;
	s22 =	simm.s32 $0x0;
	s1 =	rddreg [dreg:$0x1]  }
0x8: {  	[smem:$0x7FF] =	sst s2;
	s6 =	sshrl.u32 s6, $0x3;
	s11 =	sadd.s32 s3, s4  }
0x9: {  	_ =	strace $0x80000047;
	s10 =	sadd.s32 s6, s4;
	s11 =	sadd.s32 $0x24CA00, s11  }
0xa: {  	s9 =	ssub.s32 $0x2, s5;
	s3 =	sadd.s32 $0x188A00, s10;
	s4 =	sadd.s32 $0x189640, s10  }
0xb: {  	s12 =	sshrl.u32 s9, $0x1;
	s5 =	sadd.s32 $0x18A280, s10;
	s6 =	sadd.s32 $0x18AEC0, s10  }
0xc: {  	s12 =	ssub.s32 s9, s12;
	s7 =	sadd.s32 $0x18BB00, s10;
	s8 =	sadd.s32 $0x18C740, s10  }
0xd: {  	s12 =	smax.u32 s12, $0x1;
	s9 =	sadd.s32 $0x18D380, s10;
	s10 =	sadd.s32 $0x18DFC0, s10  }
.LBB2_1:
0xe: {  	[tilespmem:s2], [sflag:$0x1] =	stream.linear.gather [hbm4b:s3+s2], $0x6200, $0x38;
	[tilespmem:$0x18880] =	vst v63  }
0xf: {  	_ = 	snop  }
0x10: {  	[tilespmem:s13], [sflag:$0x2] =	stream.linear.gather [hbm4b:s4+s2], $0x6200, $0x38;
	[tilespmem:$0x18880] =	vst v63  }
0x11: {  	_ =	swait.ge [sflag:s14], $0x6200  }
0x12: {  	[sflag:s14] =	ssyncset.done $0x0  }
0x13: {  	s23 =	simm.s32 $0x0;
	[sflag:s14] =	ssyncadd.s32 $0xFFFF9E00  }
0x14: {  	[tilespmem:s15], [sflag:$0x3] =	stream.linear.gather [hbm4b:s5+s2], $0x6200, $0x38;
	[tilespmem:$0x18880] =	vst v63  }
0x15: {  	v0 =	vld [tilespmem:s23+$0x0];
	_ =	sdelay $0x1  }
0x16: {  	v1 =	vld [tilespmem:s23+$0x10];
	_ =	sdelay $0x1  }
0x17: {  	v2 =	vimm.f32 $-Inf;
	v3 =	vimm.f32 $0.0e+00;
	v4 =	vld [tilespmem:s23+$0x20]  }
0x18: {  	v3 =	vadd.f32 v0, v3;
	v5 =	vmin.f32 v2, v0  }
0x19: {  	v7 =	vld [tilespmem:s23+$0x30];
	v0 =	vmax.f32 v2, v0;
	v6 =	vmax.f32 v2, v5;
	v5 =	vmin.f32 v2, v5  }
0x1a: {  	v8 =	vmax.f32 v0, v1;
	v0 =	vmin.f32 v0, v1;
	v3 =	vadd.f32 v1, v3  }
0x1b: {  	v9 =	vld [tilespmem:s23+$0x40];
	v1 =	vmax.f32 v2, v5;
	v5 =	vmin.f32 v2, v5;
	v10 =	vmin.f32 v6, v0  }
0x1c: {  	v11 =	vmax.f32 v8, v4;
	v0 =	vmax.f32 v6, v0;
	v2 =	vmax.f32 v2, v5  }
0x1d: {  	v5 =	vmax.f32 v1, v10;
	v1 =	vmin.f32 v1, v10;
	v3 =	vadd.f32 v4, v3  }
0x1e: {  	v10 =	vld [tilespmem:s23+$0x50];
	v6 =	vmax.f32 v11, v7;
	v1 =	vmax.f32 v2, v1;
	v4 =	vmin.f32 v8, v4  }
0x1f: {  	v8 =	vmax.f32 v0, v4;
	v0 =	vmin.f32 v0, v4;
	v2 =	vadd.f32 v7, v3  }
0x20: {  	v3 =	vmin.f32 v11, v7;
	v11 =	vmax.f32 v6, v9;
	v6 =	vmin.f32 v6, v9  }
0x21: {  	v13 =	vmax.f32 v5, v0;
	v0 =	vmin.f32 v5, v0;
	v4 =	vmax.f32 v8, v3  }
0x22: {  	v3 =	vmin.f32 v8, v3;
	v0 =	vmax.f32 v1, v0;
	v2 =	vadd.f32 v9, v2  }
0x23: {  	v7 =	vld [tilespmem:s23+$0x60];
	v8 =	vmin.f32 v11, v10;
	v5 =	vmax.f32 v11, v10;
	v11 =	vmax.f32 v13, v3  }
0x24: {  	v9 =	vld [tilespmem:s23+$0x70];
	v3 =	vmin.f32 v13, v3;
	v56 =	vmin.f32 v4, v6;
	v4 =	vmax.f32 v4, v6  }
0x25: {  	v14 =	vmin.f32 v4, v8;
	v57 =	vmin.f32 v11, v56;
	v0 =	vmax.f32 v0, v3  }
0x26: {  	v12 =	vld [tilespmem:s23+$0x80];
	v3 =	vmax.f32 v4, v8;
	v4 =	vmax.f32 v11, v56;
	v2 =	vadd.f32 v10, v2  }
0x27: {  	v0 =	vmax.f32 v0, v57;
	v11 =	vmax.f32 v4, v14  }
0x28: {  	v10 =	vld [tilespmem:s23+$0x90];
	v4 =	vmin.f32 v4, v14;
	v1 =	vadd.f32 v7, v2;
	v2 =	vmax.f32 v5, v7  }
0x29: {  	v0 =	vmax.f32 v0, v4;
	v5 =	vmin.f32 v5, v7;
	v6 =	vmax.f32 v2, v9  }
0x2a: {  	v2 =	vmin.f32 v2, v9;
	v8 =	vmax.f32 v3, v5;
	v3 =	vmin.f32 v3, v5  }
0x2b: {  	v1 =	vadd.f32 v9, v1;
	v7 =	vmax.f32 v6, v12;
	v6 =	vmin.f32 v6, v12  }
0x2c: {  	v58 =	vmin.f32 v8, v2;
	v60 =	vmax.f32 v11, v3;
	v2 =	vmax.f32 v8, v2  }
0x2d: {  	v9 =	vld [tilespmem:s23+$0xA0];
	v3 =	vmin.f32 v11, v3;
	v15 =	vmax.f32 v7, v10;
	v7 =	vmin.f32 v7, v10  }
0x2e: {  	v8 =	vmax.f32 v60, v58;
	v17 =	vmax.f32 v2, v6;
	v1 =	vadd.f32 v12, v1  }
0x2f: {  	v16 =	vld [tilespmem:s23+$0xB0];
	v2 =	vmin.f32 v2, v6;
	v3 =	vmax.f32 v0, v3;
	v4 =	vmax.f32 v17, v7  }
0x30: {  	v6 =	vmin.f32 v17, v7;
	v12 =	vmin.f32 v60, v58;
	v1 =	vadd.f32 v10, v1  }
0x31: {  	v7 =	vmin.f32 v8, v2;
	v2 =	vmax.f32 v8, v2;
	v3 =	vmax.f32 v3, v12;
	v10 =	vld [tilespmem:s23+$0xC0]  }
0x32: {  	v5 =	vmin.f32 v15, v9;
	v8 =	vmax.f32 v15, v9;
	v1 =	vadd.f32 v9, v1  }
0x33: {  	v59 =	vld [tilespmem:s23+$0xD0];
	v11 =	vmin.f32 v4, v5;
	v5 =	vmax.f32 v4, v5;
	v9 =	vmax.f32 v2, v6  }
0x34: {  	v2 =	vmin.f32 v2, v6;
	v6 =	vmin.f32 v8, v16;
	v1 =	vadd.f32 v16, v1  }
0x35: {  	v18 =	vld [tilespmem:s23+$0xE0];
	v3 =	vmax.f32 v3, v7;
	v4 =	vmax.f32 v8, v16;
	v61 =	vmin.f32 v5, v6  }
0x36: {  	v7 =	vmax.f32 v9, v11;
	v2 =	vmax.f32 v3, v2;
	v1 =	vadd.f32 v10, v1  }
0x37: {  	v0 =	vld [tilespmem:s23+$0xF0];
	v63 =	vmax.f32 v5, v6;
	v11 =	vmin.f32 v9, v11;
	v9 =	vmax.f32 v7, v61  }
0x38: {  	v11 =	vmax.f32 v2, v11;
	v8 =	vmax.f32 v4, v10;
	v1 =	vadd.f32 v59, v1  }
0x39: {  	v10 =	vmin.f32 v4, v10;
	v62 =	vmax.f32 v8, v59;
	v4 =	vmin.f32 v8, v59  }
0x3a: {  	v8 =	vmin.f32 v7, v61;
	v3 =	vmin.f32 v62, v18;
	v1 =	vadd.f32 v18, v1  }
0x3b: {  	v6 =	vmax.f32 v63, v10;
	v5 =	vmax.f32 v62, v18;
	v10 =	vmin.f32 v63, v10  }
0x3c: {  	s23 =	simm.s32 $0x400;
	v7 =	vmin.f32 v6, v4;
	v2 =	vmax.f32 v5, v0;
	v1 =	vadd.f32 v0, v1  }
.LBB2_2:
0x3d: {  	s24 =	sshra.s32 s23, $0x2;
	p0 =	sne.s32 s23, $0x18400;
	s23 =	sadd.s32 $0x400, s23;
	v8 =	vmax.f32 v11, v8;
	v11 =	vmax.f32 v9, v10;
	v9 =	vmin.f32 v9, v10  }
0x3e: {  	v10 =	vld [tilespmem:s24+$0x0];
	v8 =	vmax.f32 v8, v9;
	v9 =	vmax.f32 v11, v7;
	v7 =	vmin.f32 v11, v7  }
0x3f: {  	v4 =	vmax.f32 v6, v4;
	v6 =	vmax.f32 v8, v7  }
0x40: {  	v0 =	vmin.f32 v5, v0;
	v8 =	vmax.f32 v4, v3;
	v3 =	vmin.f32 v4, v3;
	v7 =	vld [tilespmem:s24+$0x10]  }
0x41: {  	v5 =	vmax.f32 v9, v3;
	v3 =	vmin.f32 v9, v3;
	v9 =	vmin.f32 v8, v0;
	v4 =	vld [tilespmem:s24+$0x20]  }
0x42: {  	v0 =	vmax.f32 v8, v0;
	v3 =	vmax.f32 v6, v3;
	v6 =	vmax.f32 v5, v9  }
0x43: {  	v1 =	vadd.f32 v10, v1;
	v8 =	vmax.f32 v2, v10;
	v2 =	vmin.f32 v2, v10  }
0x44: {  	v5 =	vmin.f32 v5, v9;
	v10 =	vmax.f32 v0, v2;
	v0 =	vmin.f32 v0, v2;
	v2 =	vld [tilespmem:s24+$0x30]  }
0x45: {  	v1 =	vadd.f32 v7, v1;
	v9 =	vmax.f32 v8, v7;
	v7 =	vmin.f32 v8, v7  }
0x46: {  	v3 =	vmax.f32 v3, v5;
	v8 =	vmax.f32 v6, v0;
	v0 =	vmin.f32 v6, v0;
	v6 =	vld [tilespmem:s24+$0x40]  }
0x47: {  	v5 =	vmin.f32 v10, v7;
	v11 =	vmax.f32 v9, v4;
	v1 =	vadd.f32 v4, v1  }
0x48: {  	v0 =	vmax.f32 v3, v0;
	v3 =	vmax.f32 v8, v5;
	v5 =	vmin.f32 v8, v5;
	v8 =	vld [tilespmem:s24+$0x50]  }
0x49: {  	v0 =	vmax.f32 v0, v5;
	v1 =	vadd.f32 v2, v1;
	v5 =	vmin.f32 v11, v2  }
0x4a: {  	v7 =	vmax.f32 v10, v7;
	v4 =	vmin.f32 v9, v4;
	v2 =	vmax.f32 v11, v2;
	v9 =	vld [tilespmem:s24+$0x60]  }
0x4b: {  	v10 =	vmax.f32 v7, v4;
	v1 =	vadd.f32 v6, v1;
	v11 =	vmax.f32 v2, v6  }
0x4c: {  	v4 =	vmin.f32 v7, v4;
	v7 =	vmax.f32 v10, v5;
	v2 =	vmin.f32 v2, v6;
	v6 =	vld [tilespmem:s24+$0x70]  }
0x4d: {  	v5 =	vmin.f32 v10, v5;
	v1 =	vadd.f32 v8, v1;
	v10 =	vmin.f32 v11, v8;
	v12 =	vld [tilespmem:s24+$0x80]  }
0x4e: {  	v13 =	vmax.f32 v3, v4;
	v3 =	vmin.f32 v3, v4;
	v4 =	vmax.f32 v11, v8  }
0x4f: {  	v0 =	vmax.f32 v0, v3;
	v1 =	vadd.f32 v9, v1;
	v3 =	vmax.f32 v4, v9;
	v8 =	vld [tilespmem:s24+$0x90]  }
0x50: {  	v11 =	vmax.f32 v13, v5;
	v5 =	vmin.f32 v13, v5;
	v13 =	vmin.f32 v7, v2  }
0x51: {  	v2 =	vmax.f32 v7, v2;
	v1 =	vadd.f32 v6, v1;
	v7 =	vmax.f32 v3, v6  }
0x52: {  	v4 =	vmin.f32 v4, v9;
	v3 =	vmin.f32 v3, v6;
	v6 =	vmax.f32 v7, v12;
	v9 =	vld [tilespmem:s24+$0xA0]  }
0x53: {  	v14 =	vmin.f32 v2, v10;
	v7 =	vmin.f32 v7, v12;
	v1 =	vadd.f32 v12, v1  }
0x54: {  	v12 =	vmin.f32 v11, v13;
	v15 =	vmax.f32 v6, v8;
	v6 =	vmin.f32 v6, v8;
	v16 =	vld [tilespmem:s24+$0xB0]  }
0x55: {  	v0 =	vmax.f32 v0, v5;
	v2 =	vmax.f32 v2, v10;
	v1 =	vadd.f32 v8, v1  }
0x56: {  	v5 =	vmax.f32 v11, v13;
	v0 =	vmax.f32 v0, v12;
	v8 =	vmax.f32 v2, v4;
	v10 =	vld [tilespmem:s24+$0xC0]  }
0x57: {  	v11 =	vmax.f32 v5, v14;
	v12 =	vmin.f32 v8, v3;
	v1 =	vadd.f32 v9, v1  }
0x58: {  	v5 =	vmin.f32 v5, v14;
	v2 =	vmin.f32 v2, v4;
	v4 =	vmin.f32 v15, v9;
	v13 =	vld [tilespmem:s24+$0xD0]  }
0x59: {  	v14 =	vmax.f32 v11, v2;
	v3 =	vmax.f32 v8, v3;
	v1 =	vadd.f32 v16, v1  }
0x5a: {  	v8 =	vmax.f32 v14, v12;
	v17 =	vmax.f32 v3, v7;
	v3 =	vmin.f32 v3, v7;
	v18 =	vld [tilespmem:s24+$0xE0]  }
0x5b: {  	v0 =	vmax.f32 v0, v5;
	v2 =	vmin.f32 v11, v2;
	v1 =	vadd.f32 v10, v1  }
0x5c: {  	v2 =	vmax.f32 v0, v2;
	v5 =	vmax.f32 v17, v6;
	v6 =	vmin.f32 v17, v6;
	v0 =	vld [tilespmem:s24+$0xF0]  }
0x5d: {  	v7 =	vmin.f32 v8, v3;
	v11 =	vmin.f32 v5, v4;
	v1 =	vadd.f32 v13, v1  }
0x5e: {  	v12 =	vmin.f32 v14, v12;
	v3 =	vmax.f32 v8, v3;
	v8 =	vmax.f32 v15, v9  }
0x5f: {  	v5 =	vmax.f32 v5, v4;
	v4 =	vmax.f32 v8, v16;
	v1 =	vadd.f32 v18, v1  }
0x60: {  	v9 =	vmax.f32 v3, v6;
	v3 =	vmin.f32 v3, v6;
	v6 =	vmin.f32 v8, v16  }
0x61: {  	v2 =	vmax.f32 v2, v12;
	v12 =	vmin.f32 v5, v6;
	v1 =	vadd.f32 v0, v1  }
0x62: {  	v2 =	vmax.f32 v2, v7;
	v7 =	vmax.f32 v9, v11;
	v8 =	vmax.f32 v4, v10  }
.Ltmp0:
0x63: {  	v10 =	vmin.f32 v4, v10;
	v14 =	vmax.f32 v8, v13;
	v4 =	vmin.f32 v8, v13;
	(pc) =	sbr.rel @p0 .LBB2_2-.Ltmp0, $4  }
0x64: {  	v2 =	vmax.f32 v2, v3;
	v13 =	vmax.f32 v5, v6;
	v3 =	vmin.f32 v14, v18  }
0x65: {  	v11 =	vmin.f32 v9, v11;
	v8 =	vmin.f32 v7, v12;
	v6 =	vmax.f32 v13, v10  }
0x66: {  	v9 =	vmax.f32 v7, v12;
	v7 =	vmin.f32 v6, v4;
	v5 =	vmax.f32 v14, v18  }
0x67: {  	v11 =	vmax.f32 v2, v11;
	v10 =	vmin.f32 v13, v10;
	v2 =	vmax.f32 v5, v0  }
0x68: {  	_ =	swait.ge [sflag:s16], $0x6200  }
0x69: {  	[sflag:s16] =	ssyncset.done $0x0  }
0x6a: {  	s23 =	simm.s32 $0x0;
	v8 =	vmax.f32 v11, v8;
	s31 =	simm.s32 $0x0;
	[sflag:s16] =	ssyncadd.s32 $0xFFFF9E00  }
0x6b: {  	v11 =	vmax.f32 v9, v10;
	v9 =	vmin.f32 v9, v10;
	v4 =	vmax.f32 v6, v4;
	[tilespmem:s17], [sflag:$0x4] =	stream.linear.gather [hbm4b:s6+s23], $0x6200, $0x38;
	[tilespmem:$0x18880] =	vst v63  }
0x6c: {  	v8 =	vmax.f32 v8, v9;
	v9 =	vmin.f32 v11, v7;
	v7 =	vmax.f32 v11, v7;
	v10 =	vld [tilespmem:s31+$0x6200]  }
0x6d: {  	v6 =	vmax.f32 v8, v9;
	v8 =	vmax.f32 v4, v3;
	v3 =	vmin.f32 v4, v3  }
0x6e: {  	v0 =	vmin.f32 v5, v0;
	v5 =	vmax.f32 v7, v3;
	v4 =	vld [tilespmem:s31+$0x6210]  }
0x6f: {  	v3 =	vmin.f32 v7, v3;
	v7 =	vmin.f32 v8, v0;
	v0 =	vmax.f32 v8, v0  }
0x70: {  	v3 =	vmax.f32 v6, v3;
	v6 =	vmax.f32 v5, v7;
	v8 =	vld [tilespmem:s31+$0x6220];
	v5 =	vmin.f32 v5, v7  }
0x71: {  	v3 =	vmax.f32 v3, v5;
	v7 =	vmin.f32 v2, v10  }
0x72: {  	v9 =	vld [tilespmem:s31+$0x6230];
	v1 =	vadd.f32 v10, v1;
	v2 =	vmax.f32 v2, v10;
	v5 =	vmax.f32 v0, v7  }
0x73: {  	v0 =	vmin.f32 v0, v7;
	v7 =	vmax.f32 v2, v4;
	v2 =	vmin.f32 v2, v4  }
0x74: {  	v1 =	vadd.f32 v4, v1;
	v4 =	vmax.f32 v6, v0;
	v0 =	vmin.f32 v6, v0;
	v6 =	vld [tilespmem:s31+$0x6240]  }
0x75: {  	v10 =	vmin.f32 v5, v2;
	v11 =	vmax.f32 v7, v8;
	v2 =	vmax.f32 v5, v2  }
0x76: {  	v5 =	vmin.f32 v7, v8;
	v0 =	vmax.f32 v3, v0;
	v1 =	vadd.f32 v8, v1  }
0x77: {  	v3 =	vmax.f32 v4, v10;
	v4 =	vmin.f32 v4, v10;
	v10 =	vld [tilespmem:s31+$0x6250];
	v7 =	vmax.f32 v11, v9  }
0x78: {  	v0 =	vmax.f32 v0, v4;
	v4 =	vmin.f32 v11, v9;
	v8 =	vld [tilespmem:s31+$0x6260];
	v1 =	vadd.f32 v9, v1  }
0x79: {  	v9 =	vmax.f32 v2, v5;
	v2 =	vmin.f32 v2, v5;
	v11 =	vmax.f32 v7, v6  }
0x7a: {  	v5 =	vmax.f32 v9, v4;
	v4 =	vmin.f32 v9, v4;
	v13 =	vmax.f32 v3, v2  }
0x7b: {  	v2 =	vmin.f32 v3, v2;
	v1 =	vadd.f32 v6, v1;
	v6 =	vmin.f32 v7, v6  }
0x7c: {  	v9 =	vmin.f32 v11, v10;
	v3 =	vmax.f32 v11, v10;
	v0 =	vmax.f32 v0, v2  }
0x7d: {  	v11 =	vmax.f32 v13, v4;
	v4 =	vmin.f32 v13, v4;
	v2 =	vmax.f32 v3, v8  }
0x7e: {  	v56 =	vmin.f32 v5, v6;
	v5 =	vmax.f32 v5, v6;
	v3 =	vmin.f32 v3, v8  }
0x7f: {  	v7 =	vld [tilespmem:s31+$0x6270];
	v0 =	vmax.f32 v0, v4;
	v1 =	vadd.f32 v10, v1;
	v14 =	vmin.f32 v5, v9  }
0x80: {  	v12 =	vld [tilespmem:s31+$0x6280];
	v57 =	vmin.f32 v11, v56;
	v4 =	vmax.f32 v5, v9;
	v5 =	vmax.f32 v11, v56  }
0x81: {  	v10 =	vld [tilespmem:s31+$0x6290];
	v0 =	vmax.f32 v0, v57;
	v9 =	vmax.f32 v4, v3;
	v11 =	vmax.f32 v5, v14  }
0x82: {  	v5 =	vmin.f32 v5, v14;
	v3 =	vmin.f32 v4, v3;
	v1 =	vadd.f32 v8, v1  }
0x83: {  	v60 =	vmax.f32 v11, v3;
	v0 =	vmax.f32 v0, v5;
	v3 =	vmin.f32 v11, v3  }
0x84: {  	v6 =	vmax.f32 v2, v7;
	v2 =	vmin.f32 v2, v7;
	v3 =	vmax.f32 v0, v3  }
0x85: {  	v8 =	vld [tilespmem:s31+$0x62A0];
	v1 =	vadd.f32 v7, v1;
	v7 =	vmax.f32 v6, v12;
	v6 =	vmin.f32 v6, v12  }
0x86: {  	v58 =	vmin.f32 v9, v2;
	v2 =	vmax.f32 v9, v2;
	v15 =	vmax.f32 v7, v10  }
0x87: {  	v7 =	vmin.f32 v7, v10;
	v17 =	vmax.f32 v2, v6;
	v1 =	vadd.f32 v12, v1  }
0x88: {  	v16 =	vld [tilespmem:s31+$0x62B0];
	v9 =	vmax.f32 v60, v58;
	v2 =	vmin.f32 v2, v6;
	v5 =	vmax.f32 v17, v7  }
0x89: {  	v6 =	vmin.f32 v17, v7;
	v7 =	vmin.f32 v9, v2;
	v1 =	vadd.f32 v10, v1  }
0x8a: {  	v12 =	vmin.f32 v60, v58;
	v2 =	vmax.f32 v9, v2;
	v4 =	vmin.f32 v15, v8;
	v10 =	vld [tilespmem:s31+$0x62C0]  }
0x8b: {  	v9 =	vmax.f32 v2, v6;
	v2 =	vmin.f32 v2, v6;
	v1 =	vadd.f32 v8, v1  }
0x8c: {  	v59 =	vld [tilespmem:s31+$0x62D0];
	v3 =	vmax.f32 v3, v12;
	v11 =	vmin.f32 v5, v4;
	v5 =	vmax.f32 v5, v4  }
0x8d: {  	v3 =	vmax.f32 v3, v7;
	v7 =	vmax.f32 v9, v11;
	v1 =	vadd.f32 v16, v1  }
0x8e: {  	v18 =	vld [tilespmem:s31+$0x62E0];
	v2 =	vmax.f32 v3, v2;
	v11 =	vmin.f32 v9, v11;
	v8 =	vmax.f32 v15, v8  }
0x8f: {  	v11 =	vmax.f32 v2, v11;
	v6 =	vmin.f32 v8, v16;
	v1 =	vadd.f32 v10, v1  }
0x90: {  	v0 =	vld [tilespmem:s31+$0x62F0];
	v4 =	vmax.f32 v8, v16;
	v61 =	vmin.f32 v5, v6;
	v63 =	vmax.f32 v5, v6  }
0x91: {  	v8 =	vmax.f32 v4, v10;
	v9 =	vmax.f32 v7, v61;
	v1 =	vadd.f32 v59, v1  }
0x92: {  	v10 =	vmin.f32 v4, v10;
	v62 =	vmax.f32 v8, v59;
	v4 =	vmin.f32 v8, v59  }
0x93: {  	v8 =	vmin.f32 v7, v61;
	v3 =	vmin.f32 v62, v18;
	v1 =	vadd.f32 v18, v1  }
0x94: {  	v6 =	vmax.f32 v63, v10;
	v5 =	vmax.f32 v62, v18;
	v10 =	vmin.f32 v63, v10  }
0x95: {  	s23 =	simm.s32 $0x400;
	v7 =	vmin.f32 v6, v4;
	v2 =	vmax.f32 v5, v0;
	v1 =	vadd.f32 v0, v1  }
.LBB2_4:
0x96: {  	s24 =	sshra.s32 s23, $0x2;
	p0 =	sne.s32 s23, $0x18400;
	s23 =	sadd.s32 $0x400, s23;
	v8 =	vmax.f32 v11, v8;
	v11 =	vmax.f32 v9, v10;
	v9 =	vmin.f32 v9, v10  }
0x97: {  	v10 =	vld [tilespmem:s24+$0x6200];
	v8 =	vmax.f32 v8, v9;
	v9 =	vmax.f32 v11, v7;
	v7 =	vmin.f32 v11, v7  }
0x98: {  	v4 =	vmax.f32 v6, v4;
	v6 =	vmax.f32 v8, v7  }
0x99: {  	v0 =	vmin.f32 v5, v0;
	v8 =	vmax.f32 v4, v3;
	v3 =	vmin.f32 v4, v3;
	v7 =	vld [tilespmem:s24+$0x6210]  }
0x9a: {  	v5 =	vmax.f32 v9, v3;
	v3 =	vmin.f32 v9, v3;
	v9 =	vmin.f32 v8, v0;
	v4 =	vld [tilespmem:s24+$0x6220]  }
0x9b: {  	v0 =	vmax.f32 v8, v0;
	v3 =	vmax.f32 v6, v3;
	v6 =	vmax.f32 v5, v9  }
0x9c: {  	v1 =	vadd.f32 v10, v1;
	v8 =	vmax.f32 v2, v10;
	v2 =	vmin.f32 v2, v10  }
0x9d: {  	v5 =	vmin.f32 v5, v9;
	v10 =	vmax.f32 v0, v2;
	v0 =	vmin.f32 v0, v2;
	v2 =	vld [tilespmem:s24+$0x6230]  }
0x9e: {  	v1 =	vadd.f32 v7, v1;
	v9 =	vmax.f32 v8, v7;
	v7 =	vmin.f32 v8, v7  }
0x9f: {  	v3 =	vmax.f32 v3, v5;
	v8 =	vmax.f32 v6, v0;
	v0 =	vmin.f32 v6, v0;
	v6 =	vld [tilespmem:s24+$0x6240]  }
0xa0: {  	v5 =	vmin.f32 v10, v7;
	v11 =	vmax.f32 v9, v4;
	v1 =	vadd.f32 v4, v1  }
0xa1: {  	v0 =	vmax.f32 v3, v0;
	v3 =	vmax.f32 v8, v5;
	v5 =	vmin.f32 v8, v5;
	v8 =	vld [tilespmem:s24+$0x6250]  }
0xa2: {  	v0 =	vmax.f32 v0, v5;
	v1 =	vadd.f32 v2, v1;
	v5 =	vmin.f32 v11, v2  }
0xa3: {  	v7 =	vmax.f32 v10, v7;
	v4 =	vmin.f32 v9, v4;
	v2 =	vmax.f32 v11, v2;
	v9 =	vld [tilespmem:s24+$0x6260]  }
0xa4: {  	v10 =	vmax.f32 v7, v4;
	v1 =	vadd.f32 v6, v1;
	v11 =	vmax.f32 v2, v6  }
0xa5: {  	v4 =	vmin.f32 v7, v4;
	v7 =	vmax.f32 v10, v5;
	v2 =	vmin.f32 v2, v6;
	v6 =	vld [tilespmem:s24+$0x6270]  }
0xa6: {  	v5 =	vmin.f32 v10, v5;
	v1 =	vadd.f32 v8, v1;
	v10 =	vmin.f32 v11, v8;
	v12 =	vld [tilespmem:s24+$0x6280]  }
0xa7: {  	v13 =	vmax.f32 v3, v4;
	v3 =	vmin.f32 v3, v4;
	v4 =	vmax.f32 v11, v8  }
0xa8: {  	v0 =	vmax.f32 v0, v3;
	v1 =	vadd.f32 v9, v1;
	v3 =	vmax.f32 v4, v9;
	v8 =	vld [tilespmem:s24+$0x6290]  }
0xa9: {  	v11 =	vmax.f32 v13, v5;
	v5 =	vmin.f32 v13, v5;
	v13 =	vmin.f32 v7, v2  }
0xaa: {  	v2 =	vmax.f32 v7, v2;
	v1 =	vadd.f32 v6, v1;
	v7 =	vmax.f32 v3, v6  }
0xab: {  	v4 =	vmin.f32 v4, v9;
	v3 =	vmin.f32 v3, v6;
	v6 =	vmax.f32 v7, v12;
	v9 =	vld [tilespmem:s24+$0x62A0]  }
0xac: {  	v14 =	vmin.f32 v2, v10;
	v7 =	vmin.f32 v7, v12;
	v1 =	vadd.f32 v12, v1  }
0xad: {  	v12 =	vmin.f32 v11, v13;
	v15 =	vmax.f32 v6, v8;
	v6 =	vmin.f32 v6, v8;
	v16 =	vld [tilespmem:s24+$0x62B0]  }
0xae: {  	v0 =	vmax.f32 v0, v5;
	v2 =	vmax.f32 v2, v10;
	v1 =	vadd.f32 v8, v1  }
0xaf: {  	v5 =	vmax.f32 v11, v13;
	v0 =	vmax.f32 v0, v12;
	v8 =	vmax.f32 v2, v4;
	v10 =	vld [tilespmem:s24+$0x62C0]  }
0xb0: {  	v11 =	vmax.f32 v5, v14;
	v12 =	vmin.f32 v8, v3;
	v1 =	vadd.f32 v9, v1  }
0xb1: {  	v5 =	vmin.f32 v5, v14;
	v2 =	vmin.f32 v2, v4;
	v4 =	vmin.f32 v15, v9;
	v13 =	vld [tilespmem:s24+$0x62D0]  }
0xb2: {  	v14 =	vmax.f32 v11, v2;
	v3 =	vmax.f32 v8, v3;
	v1 =	vadd.f32 v16, v1  }
0xb3: {  	v8 =	vmax.f32 v14, v12;
	v17 =	vmax.f32 v3, v7;
	v3 =	vmin.f32 v3, v7;
	v18 =	vld [tilespmem:s24+$0x62E0]  }
0xb4: {  	v0 =	vmax.f32 v0, v5;
	v2 =	vmin.f32 v11, v2;
	v1 =	vadd.f32 v10, v1  }
0xb5: {  	v2 =	vmax.f32 v0, v2;
	v5 =	vmax.f32 v17, v6;
	v6 =	vmin.f32 v17, v6;
	v0 =	vld [tilespmem:s24+$0x62F0]  }
0xb6: {  	v7 =	vmin.f32 v8, v3;
	v11 =	vmin.f32 v5, v4;
	v1 =	vadd.f32 v13, v1  }
0xb7: {  	v12 =	vmin.f32 v14, v12;
	v3 =	vmax.f32 v8, v3;
	v8 =	vmax.f32 v15, v9  }
0xb8: {  	v5 =	vmax.f32 v5, v4;
	v4 =	vmax.f32 v8, v16;
	v1 =	vadd.f32 v18, v1  }
0xb9: {  	v9 =	vmax.f32 v3, v6;
	v3 =	vmin.f32 v3, v6;
	v6 =	vmin.f32 v8, v16  }
0xba: {  	v2 =	vmax.f32 v2, v12;
	v12 =	vmin.f32 v5, v6;
	v1 =	vadd.f32 v0, v1  }
0xbb: {  	v2 =	vmax.f32 v2, v7;
	v7 =	vmax.f32 v9, v11;
	v8 =	vmax.f32 v4, v10  }
.Ltmp1:
0xbc: {  	v10 =	vmin.f32 v4, v10;
	v14 =	vmax.f32 v8, v13;
	v4 =	vmin.f32 v8, v13;
	(pc) =	sbr.rel @p0 .LBB2_4-.Ltmp1, $4  }
0xbd: {  	v2 =	vmax.f32 v2, v3;
	v13 =	vmax.f32 v5, v6;
	v3 =	vmin.f32 v14, v18  }
0xbe: {  	v11 =	vmin.f32 v9, v11;
	v8 =	vmin.f32 v7, v12;
	v6 =	vmax.f32 v13, v10  }
0xbf: {  	v9 =	vmax.f32 v7, v12;
	v7 =	vmin.f32 v6, v4;
	v5 =	vmax.f32 v14, v18  }
0xc0: {  	v11 =	vmax.f32 v2, v11;
	v10 =	vmin.f32 v13, v10;
	v2 =	vmax.f32 v5, v0  }
0xc1: {  	_ =	swait.ge [sflag:s18], $0x6200  }
0xc2: {  	[sflag:s18] =	ssyncset.done $0x0  }
0xc3: {  	s23 =	simm.s32 $0x0;
	v8 =	vmax.f32 v11, v8;
	s31 =	simm.s32 $0x0;
	[sflag:s18] =	ssyncadd.s32 $0xFFFF9E00  }
0xc4: {  	v11 =	vmax.f32 v9, v10;
	v9 =	vmin.f32 v9, v10;
	v4 =	vmax.f32 v6, v4;
	[tilespmem:s23], [sflag:$0x1] =	stream.linear.gather [hbm4b:s7+s23], $0x6200, $0x38;
	[tilespmem:$0x18880] =	vst v63  }
0xc5: {  	v8 =	vmax.f32 v8, v9;
	v9 =	vmin.f32 v11, v7;
	v7 =	vmax.f32 v11, v7;
	v10 =	vld [tilespmem:s31+$0xC400]  }
0xc6: {  	v6 =	vmax.f32 v8, v9;
	v8 =	vmax.f32 v4, v3;
	v3 =	vmin.f32 v4, v3  }
0xc7: {  	v0 =	vmin.f32 v5, v0;
	v5 =	vmax.f32 v7, v3;
	v4 =	vld [tilespmem:s31+$0xC410]  }
0xc8: {  	v3 =	vmin.f32 v7, v3;
	v7 =	vmin.f32 v8, v0;
	v0 =	vmax.f32 v8, v0  }
0xc9: {  	v3 =	vmax.f32 v6, v3;
	v6 =	vmax.f32 v5, v7;
	v8 =	vld [tilespmem:s31+$0xC420];
	v5 =	vmin.f32 v5, v7  }
0xca: {  	v3 =	vmax.f32 v3, v5;
	v7 =	vmin.f32 v2, v10  }
0xcb: {  	v9 =	vld [tilespmem:s31+$0xC430];
	v1 =	vadd.f32 v10, v1;
	v2 =	vmax.f32 v2, v10;
	v5 =	vmax.f32 v0, v7  }
0xcc: {  	v0 =	vmin.f32 v0, v7;
	v7 =	vmax.f32 v2, v4;
	v2 =	vmin.f32 v2, v4  }
0xcd: {  	v1 =	vadd.f32 v4, v1;
	v4 =	vmax.f32 v6, v0;
	v0 =	vmin.f32 v6, v0;
	v6 =	vld [tilespmem:s31+$0xC440]  }
0xce: {  	v10 =	vmin.f32 v5, v2;
	v11 =	vmax.f32 v7, v8;
	v2 =	vmax.f32 v5, v2  }
0xcf: {  	v5 =	vmin.f32 v7, v8;
	v0 =	vmax.f32 v3, v0;
	v1 =	vadd.f32 v8, v1  }
0xd0: {  	v3 =	vmax.f32 v4, v10;
	v4 =	vmin.f32 v4, v10;
	v10 =	vld [tilespmem:s31+$0xC450];
	v7 =	vmax.f32 v11, v9  }
0xd1: {  	v0 =	vmax.f32 v0, v4;
	v4 =	vmin.f32 v11, v9;
	v8 =	vld [tilespmem:s31+$0xC460];
	v1 =	vadd.f32 v9, v1  }
0xd2: {  	v9 =	vmax.f32 v2, v5;
	v2 =	vmin.f32 v2, v5;
	v11 =	vmax.f32 v7, v6  }
0xd3: {  	v5 =	vmax.f32 v9, v4;
	v4 =	vmin.f32 v9, v4;
	v13 =	vmax.f32 v3, v2  }
0xd4: {  	v2 =	vmin.f32 v3, v2;
	v1 =	vadd.f32 v6, v1;
	v6 =	vmin.f32 v7, v6  }
0xd5: {  	v9 =	vmin.f32 v11, v10;
	v3 =	vmax.f32 v11, v10;
	v0 =	vmax.f32 v0, v2  }
0xd6: {  	v11 =	vmax.f32 v13, v4;
	v4 =	vmin.f32 v13, v4;
	v2 =	vmax.f32 v3, v8  }
0xd7: {  	v56 =	vmin.f32 v5, v6;
	v5 =	vmax.f32 v5, v6;
	v3 =	vmin.f32 v3, v8  }
0xd8: {  	v7 =	vld [tilespmem:s31+$0xC470];
	v0 =	vmax.f32 v0, v4;
	v1 =	vadd.f32 v10, v1;
	v14 =	vmin.f32 v5, v9  }
0xd9: {  	v12 =	vld [tilespmem:s31+$0xC480];
	v57 =	vmin.f32 v11, v56;
	v4 =	vmax.f32 v5, v9;
	v5 =	vmax.f32 v11, v56  }
0xda: {  	v10 =	vld [tilespmem:s31+$0xC490];
	v0 =	vmax.f32 v0, v57;
	v9 =	vmax.f32 v4, v3;
	v11 =	vmax.f32 v5, v14  }
0xdb: {  	v5 =	vmin.f32 v5, v14;
	v3 =	vmin.f32 v4, v3;
	v1 =	vadd.f32 v8, v1  }
0xdc: {  	v60 =	vmax.f32 v11, v3;
	v0 =	vmax.f32 v0, v5;
	v3 =	vmin.f32 v11, v3  }
0xdd: {  	v6 =	vmax.f32 v2, v7;
	v2 =	vmin.f32 v2, v7;
	v3 =	vmax.f32 v0, v3  }
0xde: {  	v8 =	vld [tilespmem:s31+$0xC4A0];
	v1 =	vadd.f32 v7, v1;
	v7 =	vmax.f32 v6, v12;
	v6 =	vmin.f32 v6, v12  }
0xdf: {  	v58 =	vmin.f32 v9, v2;
	v2 =	vmax.f32 v9, v2;
	v15 =	vmax.f32 v7, v10  }
0xe0: {  	v7 =	vmin.f32 v7, v10;
	v17 =	vmax.f32 v2, v6;
	v1 =	vadd.f32 v12, v1  }
0xe1: {  	v16 =	vld [tilespmem:s31+$0xC4B0];
	v9 =	vmax.f32 v60, v58;
	v2 =	vmin.f32 v2, v6;
	v5 =	vmax.f32 v17, v7  }
0xe2: {  	v6 =	vmin.f32 v17, v7;
	v7 =	vmin.f32 v9, v2;
	v1 =	vadd.f32 v10, v1  }
0xe3: {  	v12 =	vmin.f32 v60, v58;
	v2 =	vmax.f32 v9, v2;
	v4 =	vmin.f32 v15, v8;
	v10 =	vld [tilespmem:s31+$0xC4C0]  }
0xe4: {  	v9 =	vmax.f32 v2, v6;
	v2 =	vmin.f32 v2, v6;
	v1 =	vadd.f32 v8, v1  }
0xe5: {  	v59 =	vld [tilespmem:s31+$0xC4D0];
	v3 =	vmax.f32 v3, v12;
	v11 =	vmin.f32 v5, v4;
	v5 =	vmax.f32 v5, v4  }
0xe6: {  	v3 =	vmax.f32 v3, v7;
	v7 =	vmax.f32 v9, v11;
	v1 =	vadd.f32 v16, v1  }
0xe7: {  	v18 =	vld [tilespmem:s31+$0xC4E0];
	v2 =	vmax.f32 v3, v2;
	v11 =	vmin.f32 v9, v11;
	v8 =	vmax.f32 v15, v8  }
0xe8: {  	v11 =	vmax.f32 v2, v11;
	v6 =	vmin.f32 v8, v16;
	v1 =	vadd.f32 v10, v1  }
0xe9: {  	v0 =	vld [tilespmem:s31+$0xC4F0];
	v4 =	vmax.f32 v8, v16;
	v61 =	vmin.f32 v5, v6;
	v63 =	vmax.f32 v5, v6  }
0xea: {  	v8 =	vmax.f32 v4, v10;
	v9 =	vmax.f32 v7, v61;
	v1 =	vadd.f32 v59, v1  }
0xeb: {  	v10 =	vmin.f32 v4, v10;
	v62 =	vmax.f32 v8, v59;
	v4 =	vmin.f32 v8, v59  }
0xec: {  	v8 =	vmin.f32 v7, v61;
	v3 =	vmin.f32 v62, v18;
	v1 =	vadd.f32 v18, v1  }
0xed: {  	v6 =	vmax.f32 v63, v10;
	v5 =	vmax.f32 v62, v18;
	v10 =	vmin.f32 v63, v10  }
0xee: {  	s23 =	simm.s32 $0x400;
	v7 =	vmin.f32 v6, v4;
	v2 =	vmax.f32 v5, v0;
	v1 =	vadd.f32 v0, v1  }
.LBB2_6:
0xef: {  	s24 =	sshra.s32 s23, $0x2;
	p0 =	sne.s32 s23, $0x18400;
	s23 =	sadd.s32 $0x400, s23;
	v8 =	vmax.f32 v11, v8;
	v11 =	vmax.f32 v9, v10;
	v9 =	vmin.f32 v9, v10  }
0xf0: {  	v10 =	vld [tilespmem:s24+$0xC400];
	v8 =	vmax.f32 v8, v9;
	v9 =	vmax.f32 v11, v7;
	v7 =	vmin.f32 v11, v7  }
0xf1: {  	v4 =	vmax.f32 v6, v4;
	v6 =	vmax.f32 v8, v7  }
0xf2: {  	v0 =	vmin.f32 v5, v0;
	v8 =	vmax.f32 v4, v3;
	v3 =	vmin.f32 v4, v3;
	v7 =	vld [tilespmem:s24+$0xC410]  }
0xf3: {  	v5 =	vmax.f32 v9, v3;
	v3 =	vmin.f32 v9, v3;
	v9 =	vmin.f32 v8, v0;
	v4 =	vld [tilespmem:s24+$0xC420]  }
0xf4: {  	v0 =	vmax.f32 v8, v0;
	v3 =	vmax.f32 v6, v3;
	v6 =	vmax.f32 v5, v9  }
0xf5: {  	v1 =	vadd.f32 v10, v1;
	v8 =	vmax.f32 v2, v10;
	v2 =	vmin.f32 v2, v10  }
0xf6: {  	v5 =	vmin.f32 v5, v9;
	v10 =	vmax.f32 v0, v2;
	v0 =	vmin.f32 v0, v2;
	v2 =	vld [tilespmem:s24+$0xC430]  }
0xf7: {  	v1 =	vadd.f32 v7, v1;
	v9 =	vmax.f32 v8, v7;
	v7 =	vmin.f32 v8, v7  }
0xf8: {  	v3 =	vmax.f32 v3, v5;
	v8 =	vmax.f32 v6, v0;
	v0 =	vmin.f32 v6, v0;
	v6 =	vld [tilespmem:s24+$0xC440]  }
0xf9: {  	v5 =	vmin.f32 v10, v7;
	v11 =	vmax.f32 v9, v4;
	v1 =	vadd.f32 v4, v1  }
0xfa: {  	v0 =	vmax.f32 v3, v0;
	v3 =	vmax.f32 v8, v5;
	v5 =	vmin.f32 v8, v5;
	v8 =	vld [tilespmem:s24+$0xC450]  }
0xfb: {  	v0 =	vmax.f32 v0, v5;
	v1 =	vadd.f32 v2, v1;
	v5 =	vmin.f32 v11, v2  }
0xfc: {  	v7 =	vmax.f32 v10, v7;
	v4 =	vmin.f32 v9, v4;
	v2 =	vmax.f32 v11, v2;
	v9 =	vld [tilespmem:s24+$0xC460]  }
0xfd: {  	v10 =	vmax.f32 v7, v4;
	v1 =	vadd.f32 v6, v1;
	v11 =	vmax.f32 v2, v6  }
0xfe: {  	v4 =	vmin.f32 v7, v4;
	v7 =	vmax.f32 v10, v5;
	v2 =	vmin.f32 v2, v6;
	v6 =	vld [tilespmem:s24+$0xC470]  }
0xff: {  	v5 =	vmin.f32 v10, v5;
	v1 =	vadd.f32 v8, v1;
	v10 =	vmin.f32 v11, v8;
	v12 =	vld [tilespmem:s24+$0xC480]  }
0x100: {  	v13 =	vmax.f32 v3, v4;
	v3 =	vmin.f32 v3, v4;
	v4 =	vmax.f32 v11, v8  }
0x101: {  	v0 =	vmax.f32 v0, v3;
	v1 =	vadd.f32 v9, v1;
	v3 =	vmax.f32 v4, v9;
	v8 =	vld [tilespmem:s24+$0xC490]  }
0x102: {  	v11 =	vmax.f32 v13, v5;
	v5 =	vmin.f32 v13, v5;
	v13 =	vmin.f32 v7, v2  }
0x103: {  	v2 =	vmax.f32 v7, v2;
	v1 =	vadd.f32 v6, v1;
	v7 =	vmax.f32 v3, v6  }
0x104: {  	v4 =	vmin.f32 v4, v9;
	v3 =	vmin.f32 v3, v6;
	v6 =	vmax.f32 v7, v12;
	v9 =	vld [tilespmem:s24+$0xC4A0]  }
0x105: {  	v14 =	vmin.f32 v2, v10;
	v7 =	vmin.f32 v7, v12;
	v1 =	vadd.f32 v12, v1  }
0x106: {  	v12 =	vmin.f32 v11, v13;
	v15 =	vmax.f32 v6, v8;
	v6 =	vmin.f32 v6, v8;
	v16 =	vld [tilespmem:s24+$0xC4B0]  }
0x107: {  	v0 =	vmax.f32 v0, v5;
	v2 =	vmax.f32 v2, v10;
	v1 =	vadd.f32 v8, v1  }
0x108: {  	v5 =	vmax.f32 v11, v13;
	v0 =	vmax.f32 v0, v12;
	v8 =	vmax.f32 v2, v4;
	v10 =	vld [tilespmem:s24+$0xC4C0]  }
0x109: {  	v11 =	vmax.f32 v5, v14;
	v12 =	vmin.f32 v8, v3;
	v1 =	vadd.f32 v9, v1  }
0x10a: {  	v5 =	vmin.f32 v5, v14;
	v2 =	vmin.f32 v2, v4;
	v4 =	vmin.f32 v15, v9;
	v13 =	vld [tilespmem:s24+$0xC4D0]  }
0x10b: {  	v14 =	vmax.f32 v11, v2;
	v3 =	vmax.f32 v8, v3;
	v1 =	vadd.f32 v16, v1  }
0x10c: {  	v8 =	vmax.f32 v14, v12;
	v17 =	vmax.f32 v3, v7;
	v3 =	vmin.f32 v3, v7;
	v18 =	vld [tilespmem:s24+$0xC4E0]  }
0x10d: {  	v0 =	vmax.f32 v0, v5;
	v2 =	vmin.f32 v11, v2;
	v1 =	vadd.f32 v10, v1  }
0x10e: {  	v2 =	vmax.f32 v0, v2;
	v5 =	vmax.f32 v17, v6;
	v6 =	vmin.f32 v17, v6;
	v0 =	vld [tilespmem:s24+$0xC4F0]  }
0x10f: {  	v7 =	vmin.f32 v8, v3;
	v11 =	vmin.f32 v5, v4;
	v1 =	vadd.f32 v13, v1  }
0x110: {  	v12 =	vmin.f32 v14, v12;
	v3 =	vmax.f32 v8, v3;
	v8 =	vmax.f32 v15, v9  }
0x111: {  	v5 =	vmax.f32 v5, v4;
	v4 =	vmax.f32 v8, v16;
	v1 =	vadd.f32 v18, v1  }
0x112: {  	v9 =	vmax.f32 v3, v6;
	v3 =	vmin.f32 v3, v6;
	v6 =	vmin.f32 v8, v16  }
0x113: {  	v2 =	vmax.f32 v2, v12;
	v12 =	vmin.f32 v5, v6;
	v1 =	vadd.f32 v0, v1  }
0x114: {  	v2 =	vmax.f32 v2, v7;
	v7 =	vmax.f32 v9, v11;
	v8 =	vmax.f32 v4, v10  }
.Ltmp2:
0x115: {  	v10 =	vmin.f32 v4, v10;
	v14 =	vmax.f32 v8, v13;
	v4 =	vmin.f32 v8, v13;
	(pc) =	sbr.rel @p0 .LBB2_6-.Ltmp2, $4  }
0x116: {  	v2 =	vmax.f32 v2, v3;
	v13 =	vmax.f32 v5, v6;
	v3 =	vmin.f32 v14, v18  }
0x117: {  	v11 =	vmin.f32 v9, v11;
	v8 =	vmin.f32 v7, v12;
	v6 =	vmax.f32 v13, v10  }
0x118: {  	v9 =	vmax.f32 v7, v12;
	v7 =	vmin.f32 v6, v4;
	v5 =	vmax.f32 v14, v18  }
0x119: {  	v11 =	vmax.f32 v2, v11;
	v10 =	vmin.f32 v13, v10;
	v2 =	vmax.f32 v5, v0  }
0x11a: {  	_ =	swait.ge [sflag:s19], $0x6200  }
0x11b: {  	[sflag:s19] =	ssyncset.done $0x0  }
0x11c: {  	s23 =	simm.s32 $0x0;
	v8 =	vmax.f32 v11, v8;
	s31 =	simm.s32 $0x0;
	[sflag:s19] =	ssyncadd.s32 $0xFFFF9E00  }
0x11d: {  	v11 =	vmax.f32 v9, v10;
	v9 =	vmin.f32 v9, v10;
	v4 =	vmax.f32 v6, v4;
	[tilespmem:s13], [sflag:$0x2] =	stream.linear.gather [hbm4b:s8+s23], $0x6200, $0x38;
	[tilespmem:$0x18880] =	vst v63  }
0x11e: {  	v8 =	vmax.f32 v8, v9;
	v9 =	vmin.f32 v11, v7;
	v7 =	vmax.f32 v11, v7;
	v10 =	vld [tilespmem:s31+$0x12600]  }
0x11f: {  	v6 =	vmax.f32 v8, v9;
	v8 =	vmax.f32 v4, v3;
	v3 =	vmin.f32 v4, v3  }
0x120: {  	v0 =	vmin.f32 v5, v0;
	v5 =	vmax.f32 v7, v3;
	v4 =	vld [tilespmem:s31+$0x12610]  }
0x121: {  	v3 =	vmin.f32 v7, v3;
	v7 =	vmin.f32 v8, v0;
	v0 =	vmax.f32 v8, v0  }
0x122: {  	v3 =	vmax.f32 v6, v3;
	v6 =	vmax.f32 v5, v7;
	v8 =	vld [tilespmem:s31+$0x12620];
	v5 =	vmin.f32 v5, v7  }
0x123: {  	v3 =	vmax.f32 v3, v5;
	v7 =	vmin.f32 v2, v10  }
0x124: {  	v9 =	vld [tilespmem:s31+$0x12630];
	v1 =	vadd.f32 v10, v1;
	v2 =	vmax.f32 v2, v10;
	v5 =	vmax.f32 v0, v7  }
0x125: {  	v0 =	vmin.f32 v0, v7;
	v7 =	vmax.f32 v2, v4;
	v2 =	vmin.f32 v2, v4  }
0x126: {  	v1 =	vadd.f32 v4, v1;
	v4 =	vmax.f32 v6, v0;
	v0 =	vmin.f32 v6, v0;
	v6 =	vld [tilespmem:s31+$0x12640]  }
0x127: {  	v10 =	vmin.f32 v5, v2;
	v11 =	vmax.f32 v7, v8;
	v2 =	vmax.f32 v5, v2  }
0x128: {  	v5 =	vmin.f32 v7, v8;
	v0 =	vmax.f32 v3, v0;
	v1 =	vadd.f32 v8, v1  }
0x129: {  	v3 =	vmax.f32 v4, v10;
	v4 =	vmin.f32 v4, v10;
	v10 =	vld [tilespmem:s31+$0x12650];
	v7 =	vmax.f32 v11, v9  }
0x12a: {  	v0 =	vmax.f32 v0, v4;
	v4 =	vmin.f32 v11, v9;
	v8 =	vld [tilespmem:s31+$0x12660];
	v1 =	vadd.f32 v9, v1  }
0x12b: {  	v9 =	vmax.f32 v2, v5;
	v2 =	vmin.f32 v2, v5;
	v11 =	vmax.f32 v7, v6  }
0x12c: {  	v5 =	vmax.f32 v9, v4;
	v4 =	vmin.f32 v9, v4;
	v13 =	vmax.f32 v3, v2  }
0x12d: {  	v2 =	vmin.f32 v3, v2;
	v1 =	vadd.f32 v6, v1;
	v6 =	vmin.f32 v7, v6  }
0x12e: {  	v9 =	vmin.f32 v11, v10;
	v3 =	vmax.f32 v11, v10;
	v0 =	vmax.f32 v0, v2  }
0x12f: {  	v11 =	vmax.f32 v13, v4;
	v4 =	vmin.f32 v13, v4;
	v2 =	vmax.f32 v3, v8  }
0x130: {  	v56 =	vmin.f32 v5, v6;
	v5 =	vmax.f32 v5, v6;
	v3 =	vmin.f32 v3, v8  }
0x131: {  	v7 =	vld [tilespmem:s31+$0x12670];
	v0 =	vmax.f32 v0, v4;
	v1 =	vadd.f32 v10, v1;
	v14 =	vmin.f32 v5, v9  }
0x132: {  	v12 =	vld [tilespmem:s31+$0x12680];
	v57 =	vmin.f32 v11, v56;
	v4 =	vmax.f32 v5, v9;
	v5 =	vmax.f32 v11, v56  }
0x133: {  	v10 =	vld [tilespmem:s31+$0x12690];
	v0 =	vmax.f32 v0, v57;
	v9 =	vmax.f32 v4, v3;
	v11 =	vmax.f32 v5, v14  }
0x134: {  	v5 =	vmin.f32 v5, v14;
	v3 =	vmin.f32 v4, v3;
	v1 =	vadd.f32 v8, v1  }
0x135: {  	v60 =	vmax.f32 v11, v3;
	v0 =	vmax.f32 v0, v5;
	v3 =	vmin.f32 v11, v3  }
0x136: {  	v6 =	vmax.f32 v2, v7;
	v2 =	vmin.f32 v2, v7;
	v3 =	vmax.f32 v0, v3  }
0x137: {  	v8 =	vld [tilespmem:s31+$0x126A0];
	v1 =	vadd.f32 v7, v1;
	v7 =	vmax.f32 v6, v12;
	v6 =	vmin.f32 v6, v12  }
0x138: {  	v58 =	vmin.f32 v9, v2;
	v2 =	vmax.f32 v9, v2;
	v15 =	vmax.f32 v7, v10  }
0x139: {  	v7 =	vmin.f32 v7, v10;
	v17 =	vmax.f32 v2, v6;
	v1 =	vadd.f32 v12, v1  }
0x13a: {  	v16 =	vld [tilespmem:s31+$0x126B0];
	v9 =	vmax.f32 v60, v58;
	v2 =	vmin.f32 v2, v6;
	v5 =	vmax.f32 v17, v7  }
0x13b: {  	v6 =	vmin.f32 v17, v7;
	v7 =	vmin.f32 v9, v2;
	v1 =	vadd.f32 v10, v1  }
0x13c: {  	v12 =	vmin.f32 v60, v58;
	v2 =	vmax.f32 v9, v2;
	v4 =	vmin.f32 v15, v8;
	v10 =	vld [tilespmem:s31+$0x126C0]  }
0x13d: {  	v9 =	vmax.f32 v2, v6;
	v2 =	vmin.f32 v2, v6;
	v1 =	vadd.f32 v8, v1  }
0x13e: {  	v59 =	vld [tilespmem:s31+$0x126D0];
	v3 =	vmax.f32 v3, v12;
	v11 =	vmin.f32 v5, v4;
	v5 =	vmax.f32 v5, v4  }
0x13f: {  	v3 =	vmax.f32 v3, v7;
	v7 =	vmax.f32 v9, v11;
	v1 =	vadd.f32 v16, v1  }
0x140: {  	v18 =	vld [tilespmem:s31+$0x126E0];
	v2 =	vmax.f32 v3, v2;
	v11 =	vmin.f32 v9, v11;
	v8 =	vmax.f32 v15, v8  }
0x141: {  	v11 =	vmax.f32 v2, v11;
	v6 =	vmin.f32 v8, v16;
	v1 =	vadd.f32 v10, v1  }
0x142: {  	v0 =	vld [tilespmem:s31+$0x126F0];
	v4 =	vmax.f32 v8, v16;
	v61 =	vmin.f32 v5, v6;
	v63 =	vmax.f32 v5, v6  }
0x143: {  	v8 =	vmax.f32 v4, v10;
	v9 =	vmax.f32 v7, v61;
	v1 =	vadd.f32 v59, v1  }
0x144: {  	v10 =	vmin.f32 v4, v10;
	v62 =	vmax.f32 v8, v59;
	v4 =	vmin.f32 v8, v59  }
0x145: {  	v8 =	vmin.f32 v7, v61;
	v3 =	vmin.f32 v62, v18;
	v1 =	vadd.f32 v18, v1  }
0x146: {  	v6 =	vmax.f32 v63, v10;
	v5 =	vmax.f32 v62, v18;
	v10 =	vmin.f32 v63, v10  }
0x147: {  	s23 =	simm.s32 $0x400;
	v7 =	vmin.f32 v6, v4;
	v2 =	vmax.f32 v5, v0;
	v1 =	vadd.f32 v0, v1  }
.LBB2_8:
0x148: {  	s24 =	sshra.s32 s23, $0x2;
	p0 =	sne.s32 s23, $0x18400;
	s23 =	sadd.s32 $0x400, s23;
	v8 =	vmax.f32 v11, v8;
	v11 =	vmax.f32 v9, v10;
	v9 =	vmin.f32 v9, v10  }
0x149: {  	v10 =	vld [tilespmem:s24+$0x12600];
	v8 =	vmax.f32 v8, v9;
	v9 =	vmax.f32 v11, v7;
	v7 =	vmin.f32 v11, v7  }
0x14a: {  	v4 =	vmax.f32 v6, v4;
	v6 =	vmax.f32 v8, v7  }
0x14b: {  	v0 =	vmin.f32 v5, v0;
	v8 =	vmax.f32 v4, v3;
	v3 =	vmin.f32 v4, v3;
	v7 =	vld [tilespmem:s24+$0x12610]  }
0x14c: {  	v5 =	vmax.f32 v9, v3;
	v3 =	vmin.f32 v9, v3;
	v9 =	vmin.f32 v8, v0;
	v4 =	vld [tilespmem:s24+$0x12620]  }
0x14d: {  	v0 =	vmax.f32 v8, v0;
	v3 =	vmax.f32 v6, v3;
	v6 =	vmax.f32 v5, v9  }
0x14e: {  	v1 =	vadd.f32 v10, v1;
	v8 =	vmax.f32 v2, v10;
	v2 =	vmin.f32 v2, v10  }
0x14f: {  	v5 =	vmin.f32 v5, v9;
	v10 =	vmax.f32 v0, v2;
	v0 =	vmin.f32 v0, v2;
	v2 =	vld [tilespmem:s24+$0x12630]  }
0x150: {  	v1 =	vadd.f32 v7, v1;
	v9 =	vmax.f32 v8, v7;
	v7 =	vmin.f32 v8, v7  }
0x151: {  	v3 =	vmax.f32 v3, v5;
	v8 =	vmax.f32 v6, v0;
	v0 =	vmin.f32 v6, v0;
	v6 =	vld [tilespmem:s24+$0x12640]  }
0x152: {  	v5 =	vmin.f32 v10, v7;
	v11 =	vmax.f32 v9, v4;
	v1 =	vadd.f32 v4, v1  }
0x153: {  	v0 =	vmax.f32 v3, v0;
	v3 =	vmax.f32 v8, v5;
	v5 =	vmin.f32 v8, v5;
	v8 =	vld [tilespmem:s24+$0x12650]  }
0x154: {  	v0 =	vmax.f32 v0, v5;
	v1 =	vadd.f32 v2, v1;
	v5 =	vmin.f32 v11, v2  }
0x155: {  	v7 =	vmax.f32 v10, v7;
	v4 =	vmin.f32 v9, v4;
	v2 =	vmax.f32 v11, v2;
	v9 =	vld [tilespmem:s24+$0x12660]  }
0x156: {  	v10 =	vmax.f32 v7, v4;
	v1 =	vadd.f32 v6, v1;
	v11 =	vmax.f32 v2, v6  }
0x157: {  	v4 =	vmin.f32 v7, v4;
	v7 =	vmax.f32 v10, v5;
	v2 =	vmin.f32 v2, v6;
	v6 =	vld [tilespmem:s24+$0x12670]  }
0x158: {  	v5 =	vmin.f32 v10, v5;
	v1 =	vadd.f32 v8, v1;
	v10 =	vmin.f32 v11, v8;
	v12 =	vld [tilespmem:s24+$0x12680]  }
0x159: {  	v13 =	vmax.f32 v3, v4;
	v3 =	vmin.f32 v3, v4;
	v4 =	vmax.f32 v11, v8  }
0x15a: {  	v0 =	vmax.f32 v0, v3;
	v1 =	vadd.f32 v9, v1;
	v3 =	vmax.f32 v4, v9;
	v8 =	vld [tilespmem:s24+$0x12690]  }
0x15b: {  	v11 =	vmax.f32 v13, v5;
	v5 =	vmin.f32 v13, v5;
	v13 =	vmin.f32 v7, v2  }
0x15c: {  	v2 =	vmax.f32 v7, v2;
	v1 =	vadd.f32 v6, v1;
	v7 =	vmax.f32 v3, v6  }
0x15d: {  	v4 =	vmin.f32 v4, v9;
	v3 =	vmin.f32 v3, v6;
	v6 =	vmax.f32 v7, v12;
	v9 =	vld [tilespmem:s24+$0x126A0]  }
0x15e: {  	v14 =	vmin.f32 v2, v10;
	v7 =	vmin.f32 v7, v12;
	v1 =	vadd.f32 v12, v1  }
0x15f: {  	v12 =	vmin.f32 v11, v13;
	v15 =	vmax.f32 v6, v8;
	v6 =	vmin.f32 v6, v8;
	v16 =	vld [tilespmem:s24+$0x126B0]  }
0x160: {  	v0 =	vmax.f32 v0, v5;
	v2 =	vmax.f32 v2, v10;
	v1 =	vadd.f32 v8, v1  }
0x161: {  	v5 =	vmax.f32 v11, v13;
	v0 =	vmax.f32 v0, v12;
	v8 =	vmax.f32 v2, v4;
	v10 =	vld [tilespmem:s24+$0x126C0]  }
0x162: {  	v11 =	vmax.f32 v5, v14;
	v12 =	vmin.f32 v8, v3;
	v1 =	vadd.f32 v9, v1  }
0x163: {  	v5 =	vmin.f32 v5, v14;
	v2 =	vmin.f32 v2, v4;
	v4 =	vmin.f32 v15, v9;
	v13 =	vld [tilespmem:s24+$0x126D0]  }
0x164: {  	v14 =	vmax.f32 v11, v2;
	v3 =	vmax.f32 v8, v3;
	v1 =	vadd.f32 v16, v1  }
0x165: {  	v8 =	vmax.f32 v14, v12;
	v17 =	vmax.f32 v3, v7;
	v3 =	vmin.f32 v3, v7;
	v18 =	vld [tilespmem:s24+$0x126E0]  }
0x166: {  	v0 =	vmax.f32 v0, v5;
	v2 =	vmin.f32 v11, v2;
	v1 =	vadd.f32 v10, v1  }
0x167: {  	v2 =	vmax.f32 v0, v2;
	v5 =	vmax.f32 v17, v6;
	v6 =	vmin.f32 v17, v6;
	v0 =	vld [tilespmem:s24+$0x126F0]  }
0x168: {  	v7 =	vmin.f32 v8, v3;
	v11 =	vmin.f32 v5, v4;
	v1 =	vadd.f32 v13, v1  }
0x169: {  	v12 =	vmin.f32 v14, v12;
	v3 =	vmax.f32 v8, v3;
	v8 =	vmax.f32 v15, v9  }
0x16a: {  	v5 =	vmax.f32 v5, v4;
	v4 =	vmax.f32 v8, v16;
	v1 =	vadd.f32 v18, v1  }
0x16b: {  	v9 =	vmax.f32 v3, v6;
	v3 =	vmin.f32 v3, v6;
	v6 =	vmin.f32 v8, v16  }
0x16c: {  	v2 =	vmax.f32 v2, v12;
	v12 =	vmin.f32 v5, v6;
	v1 =	vadd.f32 v0, v1  }
0x16d: {  	v2 =	vmax.f32 v2, v7;
	v7 =	vmax.f32 v9, v11;
	v8 =	vmax.f32 v4, v10  }
.Ltmp3:
0x16e: {  	v10 =	vmin.f32 v4, v10;
	v14 =	vmax.f32 v8, v13;
	v4 =	vmin.f32 v8, v13;
	(pc) =	sbr.rel @p0 .LBB2_8-.Ltmp3, $4  }
0x16f: {  	v2 =	vmax.f32 v2, v3;
	v13 =	vmax.f32 v5, v6;
	v3 =	vmin.f32 v14, v18  }
0x170: {  	v11 =	vmin.f32 v9, v11;
	v8 =	vmin.f32 v7, v12;
	v6 =	vmax.f32 v13, v10  }
0x171: {  	v9 =	vmax.f32 v7, v12;
	v7 =	vmin.f32 v6, v4;
	v5 =	vmax.f32 v14, v18  }
0x172: {  	v11 =	vmax.f32 v2, v11;
	v10 =	vmin.f32 v13, v10;
	v2 =	vmax.f32 v5, v0  }
0x173: {  	_ =	swait.ge [sflag:s14], $0x6200  }
0x174: {  	[sflag:s14] =	ssyncset.done $0x0  }
0x175: {  	s23 =	simm.s32 $0x0;
	v8 =	vmax.f32 v11, v8;
	s31 =	simm.s32 $0x0;
	[sflag:s14] =	ssyncadd.s32 $0xFFFF9E00  }
0x176: {  	v11 =	vmax.f32 v9, v10;
	v9 =	vmin.f32 v9, v10;
	v4 =	vmax.f32 v6, v4;
	[tilespmem:s15], [sflag:$0x3] =	stream.linear.gather [hbm4b:s9+s23], $0x6200, $0x38;
	[tilespmem:$0x18880] =	vst v63  }
0x177: {  	v8 =	vmax.f32 v8, v9;
	v9 =	vmin.f32 v11, v7;
	v7 =	vmax.f32 v11, v7;
	v10 =	vld [tilespmem:s31+$0x0]  }
0x178: {  	v6 =	vmax.f32 v8, v9;
	v8 =	vmax.f32 v4, v3;
	v3 =	vmin.f32 v4, v3  }
0x179: {  	v0 =	vmin.f32 v5, v0;
	v5 =	vmax.f32 v7, v3;
	v4 =	vld [tilespmem:s31+$0x10]  }
0x17a: {  	v3 =	vmin.f32 v7, v3;
	v7 =	vmin.f32 v8, v0;
	v0 =	vmax.f32 v8, v0  }
0x17b: {  	v3 =	vmax.f32 v6, v3;
	v6 =	vmax.f32 v5, v7;
	v8 =	vld [tilespmem:s31+$0x20];
	v5 =	vmin.f32 v5, v7  }
0x17c: {  	v3 =	vmax.f32 v3, v5;
	v7 =	vmin.f32 v2, v10  }
0x17d: {  	v9 =	vld [tilespmem:s31+$0x30];
	v1 =	vadd.f32 v10, v1;
	v2 =	vmax.f32 v2, v10;
	v5 =	vmax.f32 v0, v7  }
0x17e: {  	v0 =	vmin.f32 v0, v7;
	v7 =	vmax.f32 v2, v4;
	v2 =	vmin.f32 v2, v4  }
0x17f: {  	v1 =	vadd.f32 v4, v1;
	v4 =	vmax.f32 v6, v0;
	v0 =	vmin.f32 v6, v0;
	v6 =	vld [tilespmem:s31+$0x40]  }
0x180: {  	v10 =	vmin.f32 v5, v2;
	v11 =	vmax.f32 v7, v8;
	v2 =	vmax.f32 v5, v2  }
0x181: {  	v5 =	vmin.f32 v7, v8;
	v0 =	vmax.f32 v3, v0;
	v1 =	vadd.f32 v8, v1  }
0x182: {  	v3 =	vmax.f32 v4, v10;
	v4 =	vmin.f32 v4, v10;
	v10 =	vld [tilespmem:s31+$0x50];
	v7 =	vmax.f32 v11, v9  }
0x183: {  	v0 =	vmax.f32 v0, v4;
	v4 =	vmin.f32 v11, v9;
	v8 =	vld [tilespmem:s31+$0x60];
	v1 =	vadd.f32 v9, v1  }
0x184: {  	v9 =	vmax.f32 v2, v5;
	v2 =	vmin.f32 v2, v5;
	v11 =	vmax.f32 v7, v6  }
0x185: {  	v5 =	vmax.f32 v9, v4;
	v4 =	vmin.f32 v9, v4;
	v13 =	vmax.f32 v3, v2  }
0x186: {  	v2 =	vmin.f32 v3, v2;
	v1 =	vadd.f32 v6, v1;
	v6 =	vmin.f32 v7, v6  }
0x187: {  	v9 =	vmin.f32 v11, v10;
	v3 =	vmax.f32 v11, v10;
	v0 =	vmax.f32 v0, v2  }
0x188: {  	v11 =	vmax.f32 v13, v4;
	v4 =	vmin.f32 v13, v4;
	v2 =	vmax.f32 v3, v8  }
0x189: {  	v56 =	vmin.f32 v5, v6;
	v5 =	vmax.f32 v5, v6;
	v3 =	vmin.f32 v3, v8  }
0x18a: {  	v7 =	vld [tilespmem:s31+$0x70];
	v0 =	vmax.f32 v0, v4;
	v1 =	vadd.f32 v10, v1;
	v14 =	vmin.f32 v5, v9  }
0x18b: {  	v12 =	vld [tilespmem:s31+$0x80];
	v57 =	vmin.f32 v11, v56;
	v4 =	vmax.f32 v5, v9;
	v5 =	vmax.f32 v11, v56  }
0x18c: {  	v10 =	vld [tilespmem:s31+$0x90];
	v0 =	vmax.f32 v0, v57;
	v9 =	vmax.f32 v4, v3;
	v11 =	vmax.f32 v5, v14  }
0x18d: {  	v5 =	vmin.f32 v5, v14;
	v3 =	vmin.f32 v4, v3;
	v1 =	vadd.f32 v8, v1  }
0x18e: {  	v60 =	vmax.f32 v11, v3;
	v0 =	vmax.f32 v0, v5;
	v3 =	vmin.f32 v11, v3  }
0x18f: {  	v6 =	vmax.f32 v2, v7;
	v2 =	vmin.f32 v2, v7;
	v3 =	vmax.f32 v0, v3  }
0x190: {  	v8 =	vld [tilespmem:s31+$0xA0];
	v1 =	vadd.f32 v7, v1;
	v7 =	vmax.f32 v6, v12;
	v6 =	vmin.f32 v6, v12  }
0x191: {  	v58 =	vmin.f32 v9, v2;
	v2 =	vmax.f32 v9, v2;
	v15 =	vmax.f32 v7, v10  }
0x192: {  	v7 =	vmin.f32 v7, v10;
	v17 =	vmax.f32 v2, v6;
	v1 =	vadd.f32 v12, v1  }
0x193: {  	v16 =	vld [tilespmem:s31+$0xB0];
	v9 =	vmax.f32 v60, v58;
	v2 =	vmin.f32 v2, v6;
	v5 =	vmax.f32 v17, v7  }
0x194: {  	v6 =	vmin.f32 v17, v7;
	v7 =	vmin.f32 v9, v2;
	v1 =	vadd.f32 v10, v1  }
0x195: {  	v12 =	vmin.f32 v60, v58;
	v2 =	vmax.f32 v9, v2;
	v4 =	vmin.f32 v15, v8;
	v10 =	vld [tilespmem:s31+$0xC0]  }
0x196: {  	v9 =	vmax.f32 v2, v6;
	v2 =	vmin.f32 v2, v6;
	v1 =	vadd.f32 v8, v1  }
0x197: {  	v59 =	vld [tilespmem:s31+$0xD0];
	v3 =	vmax.f32 v3, v12;
	v11 =	vmin.f32 v5, v4;
	v5 =	vmax.f32 v5, v4  }
0x198: {  	v3 =	vmax.f32 v3, v7;
	v7 =	vmax.f32 v9, v11;
	v1 =	vadd.f32 v16, v1  }
0x199: {  	v18 =	vld [tilespmem:s31+$0xE0];
	v2 =	vmax.f32 v3, v2;
	v11 =	vmin.f32 v9, v11;
	v8 =	vmax.f32 v15, v8  }
0x19a: {  	v11 =	vmax.f32 v2, v11;
	v6 =	vmin.f32 v8, v16;
	v1 =	vadd.f32 v10, v1  }
0x19b: {  	v0 =	vld [tilespmem:s31+$0xF0];
	v4 =	vmax.f32 v8, v16;
	v61 =	vmin.f32 v5, v6;
	v63 =	vmax.f32 v5, v6  }
0x19c: {  	v8 =	vmax.f32 v4, v10;
	v9 =	vmax.f32 v7, v61;
	v1 =	vadd.f32 v59, v1  }
0x19d: {  	v10 =	vmin.f32 v4, v10;
	v62 =	vmax.f32 v8, v59;
	v4 =	vmin.f32 v8, v59  }
0x19e: {  	v8 =	vmin.f32 v7, v61;
	v3 =	vmin.f32 v62, v18;
	v1 =	vadd.f32 v18, v1  }
0x19f: {  	v6 =	vmax.f32 v63, v10;
	v5 =	vmax.f32 v62, v18;
	v10 =	vmin.f32 v63, v10  }
0x1a0: {  	s23 =	simm.s32 $0x400;
	v7 =	vmin.f32 v6, v4;
	v2 =	vmax.f32 v5, v0;
	v1 =	vadd.f32 v0, v1  }
.LBB2_10:
0x1a1: {  	s24 =	sshra.s32 s23, $0x2;
	p0 =	sne.s32 s23, $0x18400;
	s23 =	sadd.s32 $0x400, s23;
	v8 =	vmax.f32 v11, v8;
	v11 =	vmax.f32 v9, v10;
	v9 =	vmin.f32 v9, v10  }
0x1a2: {  	v10 =	vld [tilespmem:s24+$0x0];
	v8 =	vmax.f32 v8, v9;
	v9 =	vmax.f32 v11, v7;
	v7 =	vmin.f32 v11, v7  }
0x1a3: {  	v4 =	vmax.f32 v6, v4;
	v6 =	vmax.f32 v8, v7  }
0x1a4: {  	v0 =	vmin.f32 v5, v0;
	v8 =	vmax.f32 v4, v3;
	v3 =	vmin.f32 v4, v3;
	v7 =	vld [tilespmem:s24+$0x10]  }
0x1a5: {  	v5 =	vmax.f32 v9, v3;
	v3 =	vmin.f32 v9, v3;
	v9 =	vmin.f32 v8, v0;
	v4 =	vld [tilespmem:s24+$0x20]  }
0x1a6: {  	v0 =	vmax.f32 v8, v0;
	v3 =	vmax.f32 v6, v3;
	v6 =	vmax.f32 v5, v9  }
0x1a7: {  	v1 =	vadd.f32 v10, v1;
	v8 =	vmax.f32 v2, v10;
	v2 =	vmin.f32 v2, v10  }
0x1a8: {  	v5 =	vmin.f32 v5, v9;
	v10 =	vmax.f32 v0, v2;
	v0 =	vmin.f32 v0, v2;
	v2 =	vld [tilespmem:s24+$0x30]  }
0x1a9: {  	v1 =	vadd.f32 v7, v1;
	v9 =	vmax.f32 v8, v7;
	v7 =	vmin.f32 v8, v7  }
0x1aa: {  	v3 =	vmax.f32 v3, v5;
	v8 =	vmax.f32 v6, v0;
	v0 =	vmin.f32 v6, v0;
	v6 =	vld [tilespmem:s24+$0x40]  }
0x1ab: {  	v5 =	vmin.f32 v10, v7;
	v11 =	vmax.f32 v9, v4;
	v1 =	vadd.f32 v4, v1  }
0x1ac: {  	v0 =	vmax.f32 v3, v0;
	v3 =	vmax.f32 v8, v5;
	v5 =	vmin.f32 v8, v5;
	v8 =	vld [tilespmem:s24+$0x50]  }
0x1ad: {  	v0 =	vmax.f32 v0, v5;
	v1 =	vadd.f32 v2, v1;
	v5 =	vmin.f32 v11, v2  }
0x1ae: {  	v7 =	vmax.f32 v10, v7;
	v4 =	vmin.f32 v9, v4;
	v2 =	vmax.f32 v11, v2;
	v9 =	vld [tilespmem:s24+$0x60]  }
0x1af: {  	v10 =	vmax.f32 v7, v4;
	v1 =	vadd.f32 v6, v1;
	v11 =	vmax.f32 v2, v6  }
0x1b0: {  	v4 =	vmin.f32 v7, v4;
	v7 =	vmax.f32 v10, v5;
	v2 =	vmin.f32 v2, v6;
	v6 =	vld [tilespmem:s24+$0x70]  }
0x1b1: {  	v5 =	vmin.f32 v10, v5;
	v1 =	vadd.f32 v8, v1;
	v10 =	vmin.f32 v11, v8;
	v12 =	vld [tilespmem:s24+$0x80]  }
0x1b2: {  	v13 =	vmax.f32 v3, v4;
	v3 =	vmin.f32 v3, v4;
	v4 =	vmax.f32 v11, v8  }
0x1b3: {  	v0 =	vmax.f32 v0, v3;
	v1 =	vadd.f32 v9, v1;
	v3 =	vmax.f32 v4, v9;
	v8 =	vld [tilespmem:s24+$0x90]  }
0x1b4: {  	v11 =	vmax.f32 v13, v5;
	v5 =	vmin.f32 v13, v5;
	v13 =	vmin.f32 v7, v2  }
0x1b5: {  	v2 =	vmax.f32 v7, v2;
	v1 =	vadd.f32 v6, v1;
	v7 =	vmax.f32 v3, v6  }
0x1b6: {  	v4 =	vmin.f32 v4, v9;
	v3 =	vmin.f32 v3, v6;
	v6 =	vmax.f32 v7, v12;
	v9 =	vld [tilespmem:s24+$0xA0]  }
0x1b7: {  	v14 =	vmin.f32 v2, v10;
	v7 =	vmin.f32 v7, v12;
	v1 =	vadd.f32 v12, v1  }
0x1b8: {  	v12 =	vmin.f32 v11, v13;
	v15 =	vmax.f32 v6, v8;
	v6 =	vmin.f32 v6, v8;
	v16 =	vld [tilespmem:s24+$0xB0]  }
0x1b9: {  	v0 =	vmax.f32 v0, v5;
	v2 =	vmax.f32 v2, v10;
	v1 =	vadd.f32 v8, v1  }
0x1ba: {  	v5 =	vmax.f32 v11, v13;
	v0 =	vmax.f32 v0, v12;
	v8 =	vmax.f32 v2, v4;
	v10 =	vld [tilespmem:s24+$0xC0]  }
0x1bb: {  	v11 =	vmax.f32 v5, v14;
	v12 =	vmin.f32 v8, v3;
	v1 =	vadd.f32 v9, v1  }
0x1bc: {  	v5 =	vmin.f32 v5, v14;
	v2 =	vmin.f32 v2, v4;
	v4 =	vmin.f32 v15, v9;
	v13 =	vld [tilespmem:s24+$0xD0]  }
0x1bd: {  	v14 =	vmax.f32 v11, v2;
	v3 =	vmax.f32 v8, v3;
	v1 =	vadd.f32 v16, v1  }
0x1be: {  	v8 =	vmax.f32 v14, v12;
	v17 =	vmax.f32 v3, v7;
	v3 =	vmin.f32 v3, v7;
	v18 =	vld [tilespmem:s24+$0xE0]  }
0x1bf: {  	v0 =	vmax.f32 v0, v5;
	v2 =	vmin.f32 v11, v2;
	v1 =	vadd.f32 v10, v1  }
0x1c0: {  	v2 =	vmax.f32 v0, v2;
	v5 =	vmax.f32 v17, v6;
	v6 =	vmin.f32 v17, v6;
	v0 =	vld [tilespmem:s24+$0xF0]  }
0x1c1: {  	v7 =	vmin.f32 v8, v3;
	v11 =	vmin.f32 v5, v4;
	v1 =	vadd.f32 v13, v1  }
0x1c2: {  	v12 =	vmin.f32 v14, v12;
	v3 =	vmax.f32 v8, v3;
	v8 =	vmax.f32 v15, v9  }
0x1c3: {  	v5 =	vmax.f32 v5, v4;
	v4 =	vmax.f32 v8, v16;
	v1 =	vadd.f32 v18, v1  }
0x1c4: {  	v9 =	vmax.f32 v3, v6;
	v3 =	vmin.f32 v3, v6;
	v6 =	vmin.f32 v8, v16  }
0x1c5: {  	v2 =	vmax.f32 v2, v12;
	v12 =	vmin.f32 v5, v6;
	v1 =	vadd.f32 v0, v1  }
0x1c6: {  	v2 =	vmax.f32 v2, v7;
	v7 =	vmax.f32 v9, v11;
	v8 =	vmax.f32 v4, v10  }
.Ltmp4:
0x1c7: {  	v10 =	vmin.f32 v4, v10;
	v14 =	vmax.f32 v8, v13;
	v4 =	vmin.f32 v8, v13;
	(pc) =	sbr.rel @p0 .LBB2_10-.Ltmp4, $4  }
0x1c8: {  	v2 =	vmax.f32 v2, v3;
	v13 =	vmax.f32 v5, v6;
	v3 =	vmin.f32 v14, v18  }
0x1c9: {  	v11 =	vmin.f32 v9, v11;
	v8 =	vmin.f32 v7, v12;
	v6 =	vmax.f32 v13, v10  }
0x1ca: {  	v9 =	vmax.f32 v7, v12;
	v7 =	vmin.f32 v6, v4;
	v5 =	vmax.f32 v14, v18  }
0x1cb: {  	v11 =	vmax.f32 v2, v11;
	v10 =	vmin.f32 v13, v10;
	v2 =	vmax.f32 v5, v0  }
0x1cc: {  	_ =	swait.ge [sflag:s16], $0x6200  }
0x1cd: {  	[sflag:s16] =	ssyncset.done $0x0  }
0x1ce: {  	s23 =	simm.s32 $0x0;
	v8 =	vmax.f32 v11, v8;
	s31 =	simm.s32 $0x0;
	[sflag:s16] =	ssyncadd.s32 $0xFFFF9E00  }
0x1cf: {  	v11 =	vmax.f32 v9, v10;
	v9 =	vmin.f32 v9, v10;
	v4 =	vmax.f32 v6, v4;
	[tilespmem:s17], [sflag:$0x4] =	stream.linear.gather [hbm4b:s10+s23], $0x6200, $0x38;
	[tilespmem:$0x18880] =	vst v63  }
0x1d0: {  	v8 =	vmax.f32 v8, v9;
	v9 =	vmin.f32 v11, v7;
	v7 =	vmax.f32 v11, v7;
	v10 =	vld [tilespmem:s31+$0x6200]  }
0x1d1: {  	v6 =	vmax.f32 v8, v9;
	v8 =	vmax.f32 v4, v3;
	v3 =	vmin.f32 v4, v3  }
0x1d2: {  	v0 =	vmin.f32 v5, v0;
	v5 =	vmax.f32 v7, v3;
	v4 =	vld [tilespmem:s31+$0x6210]  }
0x1d3: {  	v3 =	vmin.f32 v7, v3;
	v7 =	vmin.f32 v8, v0;
	v0 =	vmax.f32 v8, v0  }
0x1d4: {  	v3 =	vmax.f32 v6, v3;
	v6 =	vmax.f32 v5, v7;
	v8 =	vld [tilespmem:s31+$0x6220];
	v5 =	vmin.f32 v5, v7  }
0x1d5: {  	v3 =	vmax.f32 v3, v5;
	v7 =	vmin.f32 v2, v10  }
0x1d6: {  	v9 =	vld [tilespmem:s31+$0x6230];
	v1 =	vadd.f32 v10, v1;
	v2 =	vmax.f32 v2, v10;
	v5 =	vmax.f32 v0, v7  }
0x1d7: {  	v0 =	vmin.f32 v0, v7;
	v7 =	vmax.f32 v2, v4;
	v2 =	vmin.f32 v2, v4  }
0x1d8: {  	v1 =	vadd.f32 v4, v1;
	v4 =	vmax.f32 v6, v0;
	v0 =	vmin.f32 v6, v0;
	v6 =	vld [tilespmem:s31+$0x6240]  }
0x1d9: {  	v10 =	vmin.f32 v5, v2;
	v11 =	vmax.f32 v7, v8;
	v2 =	vmax.f32 v5, v2  }
0x1da: {  	v5 =	vmin.f32 v7, v8;
	v0 =	vmax.f32 v3, v0;
	v1 =	vadd.f32 v8, v1  }
0x1db: {  	v3 =	vmax.f32 v4, v10;
	v4 =	vmin.f32 v4, v10;
	v10 =	vld [tilespmem:s31+$0x6250];
	v7 =	vmax.f32 v11, v9  }
0x1dc: {  	v0 =	vmax.f32 v0, v4;
	v4 =	vmin.f32 v11, v9;
	v8 =	vld [tilespmem:s31+$0x6260];
	v1 =	vadd.f32 v9, v1  }
0x1dd: {  	v9 =	vmax.f32 v2, v5;
	v2 =	vmin.f32 v2, v5;
	v11 =	vmax.f32 v7, v6  }
0x1de: {  	v5 =	vmax.f32 v9, v4;
	v4 =	vmin.f32 v9, v4;
	v13 =	vmax.f32 v3, v2  }
0x1df: {  	v2 =	vmin.f32 v3, v2;
	v1 =	vadd.f32 v6, v1;
	v6 =	vmin.f32 v7, v6  }
0x1e0: {  	v9 =	vmin.f32 v11, v10;
	v3 =	vmax.f32 v11, v10;
	v0 =	vmax.f32 v0, v2  }
0x1e1: {  	v11 =	vmax.f32 v13, v4;
	v4 =	vmin.f32 v13, v4;
	v2 =	vmax.f32 v3, v8  }
0x1e2: {  	v56 =	vmin.f32 v5, v6;
	v5 =	vmax.f32 v5, v6;
	v3 =	vmin.f32 v3, v8  }
0x1e3: {  	v7 =	vld [tilespmem:s31+$0x6270];
	v0 =	vmax.f32 v0, v4;
	v1 =	vadd.f32 v10, v1;
	v14 =	vmin.f32 v5, v9  }
0x1e4: {  	v12 =	vld [tilespmem:s31+$0x6280];
	v57 =	vmin.f32 v11, v56;
	v4 =	vmax.f32 v5, v9;
	v5 =	vmax.f32 v11, v56  }
0x1e5: {  	v10 =	vld [tilespmem:s31+$0x6290];
	v0 =	vmax.f32 v0, v57;
	v9 =	vmax.f32 v4, v3;
	v11 =	vmax.f32 v5, v14  }
0x1e6: {  	v5 =	vmin.f32 v5, v14;
	v3 =	vmin.f32 v4, v3;
	v1 =	vadd.f32 v8, v1  }
0x1e7: {  	v60 =	vmax.f32 v11, v3;
	v0 =	vmax.f32 v0, v5;
	v3 =	vmin.f32 v11, v3  }
0x1e8: {  	v6 =	vmax.f32 v2, v7;
	v2 =	vmin.f32 v2, v7;
	v3 =	vmax.f32 v0, v3  }
0x1e9: {  	v8 =	vld [tilespmem:s31+$0x62A0];
	v1 =	vadd.f32 v7, v1;
	v7 =	vmax.f32 v6, v12;
	v6 =	vmin.f32 v6, v12  }
0x1ea: {  	v58 =	vmin.f32 v9, v2;
	v2 =	vmax.f32 v9, v2;
	v15 =	vmax.f32 v7, v10  }
0x1eb: {  	v7 =	vmin.f32 v7, v10;
	v17 =	vmax.f32 v2, v6;
	v1 =	vadd.f32 v12, v1  }
0x1ec: {  	v16 =	vld [tilespmem:s31+$0x62B0];
	v9 =	vmax.f32 v60, v58;
	v2 =	vmin.f32 v2, v6;
	v5 =	vmax.f32 v17, v7  }
0x1ed: {  	v6 =	vmin.f32 v17, v7;
	v7 =	vmin.f32 v9, v2;
	v1 =	vadd.f32 v10, v1  }
0x1ee: {  	v12 =	vmin.f32 v60, v58;
	v2 =	vmax.f32 v9, v2;
	v4 =	vmin.f32 v15, v8;
	v10 =	vld [tilespmem:s31+$0x62C0]  }
0x1ef: {  	v9 =	vmax.f32 v2, v6;
	v2 =	vmin.f32 v2, v6;
	v1 =	vadd.f32 v8, v1  }
0x1f0: {  	v59 =	vld [tilespmem:s31+$0x62D0];
	v3 =	vmax.f32 v3, v12;
	v11 =	vmin.f32 v5, v4;
	v5 =	vmax.f32 v5, v4  }
0x1f1: {  	v3 =	vmax.f32 v3, v7;
	v7 =	vmax.f32 v9, v11;
	v1 =	vadd.f32 v16, v1  }
0x1f2: {  	v18 =	vld [tilespmem:s31+$0x62E0];
	v2 =	vmax.f32 v3, v2;
	v11 =	vmin.f32 v9, v11;
	v8 =	vmax.f32 v15, v8  }
0x1f3: {  	v11 =	vmax.f32 v2, v11;
	v6 =	vmin.f32 v8, v16;
	v1 =	vadd.f32 v10, v1  }
0x1f4: {  	v0 =	vld [tilespmem:s31+$0x62F0];
	v4 =	vmax.f32 v8, v16;
	v61 =	vmin.f32 v5, v6;
	v63 =	vmax.f32 v5, v6  }
0x1f5: {  	v8 =	vmax.f32 v4, v10;
	v9 =	vmax.f32 v7, v61;
	v1 =	vadd.f32 v59, v1  }
0x1f6: {  	v10 =	vmin.f32 v4, v10;
	v62 =	vmax.f32 v8, v59;
	v4 =	vmin.f32 v8, v59  }
0x1f7: {  	v8 =	vmin.f32 v7, v61;
	v3 =	vmin.f32 v62, v18;
	v1 =	vadd.f32 v18, v1  }
0x1f8: {  	v6 =	vmax.f32 v63, v10;
	v5 =	vmax.f32 v62, v18;
	v10 =	vmin.f32 v63, v10  }
0x1f9: {  	s23 =	simm.s32 $0x400;
	v7 =	vmin.f32 v6, v4;
	v2 =	vmax.f32 v5, v0;
	v1 =	vadd.f32 v0, v1  }
.LBB2_12:
0x1fa: {  	s24 =	sshra.s32 s23, $0x2;
	p0 =	sne.s32 s23, $0x18400;
	s23 =	sadd.s32 $0x400, s23;
	v8 =	vmax.f32 v11, v8;
	v11 =	vmax.f32 v9, v10;
	v9 =	vmin.f32 v9, v10  }
0x1fb: {  	v10 =	vld [tilespmem:s24+$0x6200];
	v8 =	vmax.f32 v8, v9;
	v9 =	vmax.f32 v11, v7;
	v7 =	vmin.f32 v11, v7  }
0x1fc: {  	v4 =	vmax.f32 v6, v4;
	v6 =	vmax.f32 v8, v7  }
0x1fd: {  	v0 =	vmin.f32 v5, v0;
	v8 =	vmax.f32 v4, v3;
	v3 =	vmin.f32 v4, v3;
	v7 =	vld [tilespmem:s24+$0x6210]  }
0x1fe: {  	v5 =	vmax.f32 v9, v3;
	v3 =	vmin.f32 v9, v3;
	v9 =	vmin.f32 v8, v0;
	v4 =	vld [tilespmem:s24+$0x6220]  }
0x1ff: {  	v0 =	vmax.f32 v8, v0;
	v3 =	vmax.f32 v6, v3;
	v6 =	vmax.f32 v5, v9  }
0x200: {  	v1 =	vadd.f32 v10, v1;
	v8 =	vmax.f32 v2, v10;
	v2 =	vmin.f32 v2, v10  }
0x201: {  	v5 =	vmin.f32 v5, v9;
	v10 =	vmax.f32 v0, v2;
	v0 =	vmin.f32 v0, v2;
	v2 =	vld [tilespmem:s24+$0x6230]  }
0x202: {  	v1 =	vadd.f32 v7, v1;
	v9 =	vmax.f32 v8, v7;
	v7 =	vmin.f32 v8, v7  }
0x203: {  	v3 =	vmax.f32 v3, v5;
	v8 =	vmax.f32 v6, v0;
	v0 =	vmin.f32 v6, v0;
	v6 =	vld [tilespmem:s24+$0x6240]  }
0x204: {  	v5 =	vmin.f32 v10, v7;
	v11 =	vmax.f32 v9, v4;
	v1 =	vadd.f32 v4, v1  }
0x205: {  	v0 =	vmax.f32 v3, v0;
	v3 =	vmax.f32 v8, v5;
	v5 =	vmin.f32 v8, v5;
	v8 =	vld [tilespmem:s24+$0x6250]  }
0x206: {  	v0 =	vmax.f32 v0, v5;
	v1 =	vadd.f32 v2, v1;
	v5 =	vmin.f32 v11, v2  }
0x207: {  	v7 =	vmax.f32 v10, v7;
	v4 =	vmin.f32 v9, v4;
	v2 =	vmax.f32 v11, v2;
	v9 =	vld [tilespmem:s24+$0x6260]  }
0x208: {  	v10 =	vmax.f32 v7, v4;
	v1 =	vadd.f32 v6, v1;
	v11 =	vmax.f32 v2, v6  }
0x209: {  	v4 =	vmin.f32 v7, v4;
	v7 =	vmax.f32 v10, v5;
	v2 =	vmin.f32 v2, v6;
	v6 =	vld [tilespmem:s24+$0x6270]  }
0x20a: {  	v5 =	vmin.f32 v10, v5;
	v1 =	vadd.f32 v8, v1;
	v10 =	vmin.f32 v11, v8;
	v12 =	vld [tilespmem:s24+$0x6280]  }
0x20b: {  	v13 =	vmax.f32 v3, v4;
	v3 =	vmin.f32 v3, v4;
	v4 =	vmax.f32 v11, v8  }
0x20c: {  	v0 =	vmax.f32 v0, v3;
	v1 =	vadd.f32 v9, v1;
	v3 =	vmax.f32 v4, v9;
	v8 =	vld [tilespmem:s24+$0x6290]  }
0x20d: {  	v11 =	vmax.f32 v13, v5;
	v5 =	vmin.f32 v13, v5;
	v13 =	vmin.f32 v7, v2  }
0x20e: {  	v2 =	vmax.f32 v7, v2;
	v1 =	vadd.f32 v6, v1;
	v7 =	vmax.f32 v3, v6  }
0x20f: {  	v4 =	vmin.f32 v4, v9;
	v3 =	vmin.f32 v3, v6;
	v6 =	vmax.f32 v7, v12;
	v9 =	vld [tilespmem:s24+$0x62A0]  }
0x210: {  	v14 =	vmin.f32 v2, v10;
	v7 =	vmin.f32 v7, v12;
	v1 =	vadd.f32 v12, v1  }
0x211: {  	v12 =	vmin.f32 v11, v13;
	v15 =	vmax.f32 v6, v8;
	v6 =	vmin.f32 v6, v8;
	v16 =	vld [tilespmem:s24+$0x62B0]  }
0x212: {  	v0 =	vmax.f32 v0, v5;
	v2 =	vmax.f32 v2, v10;
	v1 =	vadd.f32 v8, v1  }
0x213: {  	v5 =	vmax.f32 v11, v13;
	v0 =	vmax.f32 v0, v12;
	v8 =	vmax.f32 v2, v4;
	v10 =	vld [tilespmem:s24+$0x62C0]  }
0x214: {  	v11 =	vmax.f32 v5, v14;
	v12 =	vmin.f32 v8, v3;
	v1 =	vadd.f32 v9, v1  }
0x215: {  	v5 =	vmin.f32 v5, v14;
	v2 =	vmin.f32 v2, v4;
	v4 =	vmin.f32 v15, v9;
	v13 =	vld [tilespmem:s24+$0x62D0]  }
0x216: {  	v14 =	vmax.f32 v11, v2;
	v3 =	vmax.f32 v8, v3;
	v1 =	vadd.f32 v16, v1  }
0x217: {  	v8 =	vmax.f32 v14, v12;
	v17 =	vmax.f32 v3, v7;
	v3 =	vmin.f32 v3, v7;
	v18 =	vld [tilespmem:s24+$0x62E0]  }
0x218: {  	v0 =	vmax.f32 v0, v5;
	v2 =	vmin.f32 v11, v2;
	v1 =	vadd.f32 v10, v1  }
0x219: {  	v2 =	vmax.f32 v0, v2;
	v5 =	vmax.f32 v17, v6;
	v6 =	vmin.f32 v17, v6;
	v0 =	vld [tilespmem:s24+$0x62F0]  }
0x21a: {  	v7 =	vmin.f32 v8, v3;
	v11 =	vmin.f32 v5, v4;
	v1 =	vadd.f32 v13, v1  }
0x21b: {  	v12 =	vmin.f32 v14, v12;
	v3 =	vmax.f32 v8, v3;
	v8 =	vmax.f32 v15, v9  }
0x21c: {  	v5 =	vmax.f32 v5, v4;
	v4 =	vmax.f32 v8, v16;
	v1 =	vadd.f32 v18, v1  }
0x21d: {  	v9 =	vmax.f32 v3, v6;
	v3 =	vmin.f32 v3, v6;
	v6 =	vmin.f32 v8, v16  }
0x21e: {  	v2 =	vmax.f32 v2, v12;
	v12 =	vmin.f32 v5, v6;
	v1 =	vadd.f32 v0, v1  }
0x21f: {  	v2 =	vmax.f32 v2, v7;
	v7 =	vmax.f32 v9, v11;
	v8 =	vmax.f32 v4, v10  }
.Ltmp5:
0x220: {  	v10 =	vmin.f32 v4, v10;
	v14 =	vmax.f32 v8, v13;
	v4 =	vmin.f32 v8, v13;
	(pc) =	sbr.rel @p0 .LBB2_12-.Ltmp5, $4  }
0x221: {  	v2 =	vmax.f32 v2, v3;
	v13 =	vmax.f32 v5, v6;
	v3 =	vmin.f32 v14, v18  }
0x222: {  	v11 =	vmin.f32 v9, v11;
	v8 =	vmin.f32 v7, v12;
	v6 =	vmax.f32 v13, v10  }
0x223: {  	v9 =	vmax.f32 v7, v12;
	v7 =	vmin.f32 v6, v4;
	v5 =	vmax.f32 v14, v18  }
0x224: {  	v11 =	vmax.f32 v2, v11;
	v10 =	vmin.f32 v13, v10;
	v2 =	vmax.f32 v5, v0  }
0x225: {  	_ =	swait.ge [sflag:s18], $0x6200  }
0x226: {  	v8 =	vmax.f32 v11, v8;
	[sflag:s18] =	ssyncset.done $0x0  }
0x227: {  	v11 =	vmax.f32 v9, v10;
	v9 =	vmin.f32 v9, v10;
	s23 =	simm.s32 $0x0;
	v4 =	vmax.f32 v6, v4;
	[sflag:s18] =	ssyncadd.s32 $0xFFFF9E00  }
0x228: {  	v8 =	vmax.f32 v8, v9;
	v9 =	vmin.f32 v11, v7;
	v7 =	vmax.f32 v11, v7;
	v10 =	vld [tilespmem:s23+$0xC400]  }
0x229: {  	v6 =	vmax.f32 v8, v9;
	v8 =	vmax.f32 v4, v3;
	v3 =	vmin.f32 v4, v3  }
0x22a: {  	v0 =	vmin.f32 v5, v0;
	v4 =	vld [tilespmem:s23+$0xC410];
	v5 =	vmax.f32 v7, v3  }
0x22b: {  	v3 =	vmin.f32 v7, v3;
	v7 =	vmin.f32 v8, v0;
	v0 =	vmax.f32 v8, v0  }
0x22c: {  	v8 =	vld [tilespmem:s23+$0xC420];
	v3 =	vmax.f32 v6, v3;
	v6 =	vmax.f32 v5, v7;
	v5 =	vmin.f32 v5, v7  }
0x22d: {  	v3 =	vmax.f32 v3, v5;
	v7 =	vmin.f32 v2, v10  }
0x22e: {  	v9 =	vld [tilespmem:s23+$0xC430];
	v1 =	vadd.f32 v10, v1;
	v2 =	vmax.f32 v2, v10;
	v5 =	vmax.f32 v0, v7  }
0x22f: {  	v0 =	vmin.f32 v0, v7;
	v7 =	vmax.f32 v2, v4;
	v2 =	vmin.f32 v2, v4  }
0x230: {  	v1 =	vadd.f32 v4, v1;
	v4 =	vmax.f32 v6, v0;
	v0 =	vmin.f32 v6, v0;
	v6 =	vld [tilespmem:s23+$0xC440]  }
0x231: {  	v10 =	vmin.f32 v5, v2;
	v11 =	vmax.f32 v7, v8;
	v2 =	vmax.f32 v5, v2  }
0x232: {  	v5 =	vmin.f32 v7, v8;
	v0 =	vmax.f32 v3, v0;
	v1 =	vadd.f32 v8, v1  }
0x233: {  	v3 =	vmax.f32 v4, v10;
	v4 =	vmin.f32 v4, v10;
	v10 =	vld [tilespmem:s23+$0xC450];
	v7 =	vmax.f32 v11, v9  }
0x234: {  	v0 =	vmax.f32 v0, v4;
	v4 =	vmin.f32 v11, v9;
	v8 =	vld [tilespmem:s23+$0xC460];
	v1 =	vadd.f32 v9, v1  }
0x235: {  	v9 =	vmax.f32 v2, v5;
	v2 =	vmin.f32 v2, v5;
	v11 =	vmax.f32 v7, v6  }
0x236: {  	v5 =	vmax.f32 v9, v4;
	v4 =	vmin.f32 v9, v4;
	v13 =	vmax.f32 v3, v2  }
0x237: {  	v2 =	vmin.f32 v3, v2;
	v1 =	vadd.f32 v6, v1;
	v6 =	vmin.f32 v7, v6  }
0x238: {  	v9 =	vmin.f32 v11, v10;
	v3 =	vmax.f32 v11, v10;
	v0 =	vmax.f32 v0, v2  }
0x239: {  	v11 =	vmax.f32 v13, v4;
	v4 =	vmin.f32 v13, v4;
	v2 =	vmax.f32 v3, v8  }
0x23a: {  	v56 =	vmin.f32 v5, v6;
	v5 =	vmax.f32 v5, v6;
	v3 =	vmin.f32 v3, v8  }
0x23b: {  	v7 =	vld [tilespmem:s23+$0xC470];
	v0 =	vmax.f32 v0, v4;
	v1 =	vadd.f32 v10, v1;
	v14 =	vmin.f32 v5, v9  }
0x23c: {  	v12 =	vld [tilespmem:s23+$0xC480];
	v57 =	vmin.f32 v11, v56;
	v4 =	vmax.f32 v5, v9;
	v5 =	vmax.f32 v11, v56  }
0x23d: {  	v10 =	vld [tilespmem:s23+$0xC490];
	v0 =	vmax.f32 v0, v57;
	v9 =	vmax.f32 v4, v3;
	v11 =	vmax.f32 v5, v14  }
0x23e: {  	v5 =	vmin.f32 v5, v14;
	v3 =	vmin.f32 v4, v3;
	v1 =	vadd.f32 v8, v1  }
0x23f: {  	v60 =	vmax.f32 v11, v3;
	v0 =	vmax.f32 v0, v5;
	v3 =	vmin.f32 v11, v3  }
0x240: {  	v6 =	vmax.f32 v2, v7;
	v2 =	vmin.f32 v2, v7;
	v3 =	vmax.f32 v0, v3  }
0x241: {  	v8 =	vld [tilespmem:s23+$0xC4A0];
	v1 =	vadd.f32 v7, v1;
	v7 =	vmax.f32 v6, v12;
	v6 =	vmin.f32 v6, v12  }
0x242: {  	v58 =	vmin.f32 v9, v2;
	v2 =	vmax.f32 v9, v2;
	v15 =	vmax.f32 v7, v10  }
0x243: {  	v7 =	vmin.f32 v7, v10;
	v17 =	vmax.f32 v2, v6;
	v1 =	vadd.f32 v12, v1  }
0x244: {  	v16 =	vld [tilespmem:s23+$0xC4B0];
	v9 =	vmax.f32 v60, v58;
	v2 =	vmin.f32 v2, v6;
	v5 =	vmax.f32 v17, v7  }
0x245: {  	v6 =	vmin.f32 v17, v7;
	v7 =	vmin.f32 v9, v2;
	v1 =	vadd.f32 v10, v1  }
0x246: {  	v12 =	vmin.f32 v60, v58;
	v2 =	vmax.f32 v9, v2;
	v4 =	vmin.f32 v15, v8;
	v10 =	vld [tilespmem:s23+$0xC4C0]  }
0x247: {  	v9 =	vmax.f32 v2, v6;
	v2 =	vmin.f32 v2, v6;
	v1 =	vadd.f32 v8, v1  }
0x248: {  	v59 =	vld [tilespmem:s23+$0xC4D0];
	v3 =	vmax.f32 v3, v12;
	v11 =	vmin.f32 v5, v4;
	v5 =	vmax.f32 v5, v4  }
0x249: {  	v3 =	vmax.f32 v3, v7;
	v7 =	vmax.f32 v9, v11;
	v1 =	vadd.f32 v16, v1  }
0x24a: {  	v18 =	vld [tilespmem:s23+$0xC4E0];
	v2 =	vmax.f32 v3, v2;
	v11 =	vmin.f32 v9, v11;
	v8 =	vmax.f32 v15, v8  }
0x24b: {  	v11 =	vmax.f32 v2, v11;
	v6 =	vmin.f32 v8, v16;
	v1 =	vadd.f32 v10, v1  }
0x24c: {  	v0 =	vld [tilespmem:s23+$0xC4F0];
	v4 =	vmax.f32 v8, v16;
	v61 =	vmin.f32 v5, v6;
	v63 =	vmax.f32 v5, v6  }
0x24d: {  	v8 =	vmax.f32 v4, v10;
	v9 =	vmax.f32 v7, v61;
	v1 =	vadd.f32 v59, v1  }
0x24e: {  	v10 =	vmin.f32 v4, v10;
	v62 =	vmax.f32 v8, v59;
	v4 =	vmin.f32 v8, v59  }
0x24f: {  	v8 =	vmin.f32 v7, v61;
	v3 =	vmin.f32 v62, v18;
	v1 =	vadd.f32 v18, v1  }
0x250: {  	v6 =	vmax.f32 v63, v10;
	v5 =	vmax.f32 v62, v18;
	v10 =	vmin.f32 v63, v10  }
0x251: {  	s23 =	simm.s32 $0x400;
	v7 =	vmin.f32 v6, v4;
	v2 =	vmax.f32 v5, v0;
	v1 =	vadd.f32 v0, v1  }
.LBB2_14:
0x252: {  	s24 =	sshra.s32 s23, $0x2;
	p0 =	sne.s32 s23, $0x18400;
	s23 =	sadd.s32 $0x400, s23;
	v8 =	vmax.f32 v11, v8;
	v11 =	vmax.f32 v9, v10;
	v9 =	vmin.f32 v9, v10  }
0x253: {  	v10 =	vld [tilespmem:s24+$0xC400];
	v8 =	vmax.f32 v8, v9;
	v9 =	vmax.f32 v11, v7;
	v7 =	vmin.f32 v11, v7  }
0x254: {  	v4 =	vmax.f32 v6, v4;
	v6 =	vmax.f32 v8, v7  }
0x255: {  	v0 =	vmin.f32 v5, v0;
	v8 =	vmax.f32 v4, v3;
	v3 =	vmin.f32 v4, v3;
	v7 =	vld [tilespmem:s24+$0xC410]  }
0x256: {  	v5 =	vmax.f32 v9, v3;
	v3 =	vmin.f32 v9, v3;
	v9 =	vmin.f32 v8, v0;
	v4 =	vld [tilespmem:s24+$0xC420]  }
0x257: {  	v0 =	vmax.f32 v8, v0;
	v3 =	vmax.f32 v6, v3;
	v6 =	vmax.f32 v5, v9  }
0x258: {  	v1 =	vadd.f32 v10, v1;
	v8 =	vmax.f32 v2, v10;
	v2 =	vmin.f32 v2, v10  }
0x259: {  	v5 =	vmin.f32 v5, v9;
	v10 =	vmax.f32 v0, v2;
	v0 =	vmin.f32 v0, v2;
	v2 =	vld [tilespmem:s24+$0xC430]  }
0x25a: {  	v1 =	vadd.f32 v7, v1;
	v9 =	vmax.f32 v8, v7;
	v7 =	vmin.f32 v8, v7  }
0x25b: {  	v3 =	vmax.f32 v3, v5;
	v8 =	vmax.f32 v6, v0;
	v0 =	vmin.f32 v6, v0;
	v6 =	vld [tilespmem:s24+$0xC440]  }
0x25c: {  	v5 =	vmin.f32 v10, v7;
	v11 =	vmax.f32 v9, v4;
	v1 =	vadd.f32 v4, v1  }
0x25d: {  	v0 =	vmax.f32 v3, v0;
	v3 =	vmax.f32 v8, v5;
	v5 =	vmin.f32 v8, v5;
	v8 =	vld [tilespmem:s24+$0xC450]  }
0x25e: {  	v0 =	vmax.f32 v0, v5;
	v1 =	vadd.f32 v2, v1;
	v5 =	vmin.f32 v11, v2  }
0x25f: {  	v7 =	vmax.f32 v10, v7;
	v4 =	vmin.f32 v9, v4;
	v2 =	vmax.f32 v11, v2;
	v9 =	vld [tilespmem:s24+$0xC460]  }
0x260: {  	v10 =	vmax.f32 v7, v4;
	v1 =	vadd.f32 v6, v1;
	v11 =	vmax.f32 v2, v6  }
0x261: {  	v4 =	vmin.f32 v7, v4;
	v7 =	vmax.f32 v10, v5;
	v2 =	vmin.f32 v2, v6;
	v6 =	vld [tilespmem:s24+$0xC470]  }
0x262: {  	v5 =	vmin.f32 v10, v5;
	v1 =	vadd.f32 v8, v1;
	v10 =	vmin.f32 v11, v8;
	v12 =	vld [tilespmem:s24+$0xC480]  }
0x263: {  	v13 =	vmax.f32 v3, v4;
	v3 =	vmin.f32 v3, v4;
	v4 =	vmax.f32 v11, v8  }
0x264: {  	v0 =	vmax.f32 v0, v3;
	v1 =	vadd.f32 v9, v1;
	v3 =	vmax.f32 v4, v9;
	v8 =	vld [tilespmem:s24+$0xC490]  }
0x265: {  	v11 =	vmax.f32 v13, v5;
	v5 =	vmin.f32 v13, v5;
	v13 =	vmin.f32 v7, v2  }
0x266: {  	v2 =	vmax.f32 v7, v2;
	v1 =	vadd.f32 v6, v1;
	v7 =	vmax.f32 v3, v6  }
0x267: {  	v4 =	vmin.f32 v4, v9;
	v3 =	vmin.f32 v3, v6;
	v6 =	vmax.f32 v7, v12;
	v9 =	vld [tilespmem:s24+$0xC4A0]  }
0x268: {  	v14 =	vmin.f32 v2, v10;
	v7 =	vmin.f32 v7, v12;
	v1 =	vadd.f32 v12, v1  }
0x269: {  	v12 =	vmin.f32 v11, v13;
	v15 =	vmax.f32 v6, v8;
	v6 =	vmin.f32 v6, v8;
	v16 =	vld [tilespmem:s24+$0xC4B0]  }
0x26a: {  	v0 =	vmax.f32 v0, v5;
	v2 =	vmax.f32 v2, v10;
	v1 =	vadd.f32 v8, v1  }
0x26b: {  	v5 =	vmax.f32 v11, v13;
	v0 =	vmax.f32 v0, v12;
	v8 =	vmax.f32 v2, v4;
	v10 =	vld [tilespmem:s24+$0xC4C0]  }
0x26c: {  	v11 =	vmax.f32 v5, v14;
	v12 =	vmin.f32 v8, v3;
	v1 =	vadd.f32 v9, v1  }
0x26d: {  	v5 =	vmin.f32 v5, v14;
	v2 =	vmin.f32 v2, v4;
	v4 =	vmin.f32 v15, v9;
	v13 =	vld [tilespmem:s24+$0xC4D0]  }
0x26e: {  	v14 =	vmax.f32 v11, v2;
	v3 =	vmax.f32 v8, v3;
	v1 =	vadd.f32 v16, v1  }
0x26f: {  	v8 =	vmax.f32 v14, v12;
	v17 =	vmax.f32 v3, v7;
	v3 =	vmin.f32 v3, v7;
	v18 =	vld [tilespmem:s24+$0xC4E0]  }
0x270: {  	v0 =	vmax.f32 v0, v5;
	v2 =	vmin.f32 v11, v2;
	v1 =	vadd.f32 v10, v1  }
0x271: {  	v2 =	vmax.f32 v0, v2;
	v5 =	vmax.f32 v17, v6;
	v6 =	vmin.f32 v17, v6;
	v0 =	vld [tilespmem:s24+$0xC4F0]  }
0x272: {  	v7 =	vmin.f32 v8, v3;
	v11 =	vmin.f32 v5, v4;
	v1 =	vadd.f32 v13, v1  }
0x273: {  	v12 =	vmin.f32 v14, v12;
	v3 =	vmax.f32 v8, v3;
	v8 =	vmax.f32 v15, v9  }
0x274: {  	v5 =	vmax.f32 v5, v4;
	v4 =	vmax.f32 v8, v16;
	v1 =	vadd.f32 v18, v1  }
0x275: {  	v9 =	vmax.f32 v3, v6;
	v3 =	vmin.f32 v3, v6;
	v6 =	vmin.f32 v8, v16  }
0x276: {  	v2 =	vmax.f32 v2, v12;
	v12 =	vmin.f32 v5, v6;
	v1 =	vadd.f32 v0, v1  }
0x277: {  	v2 =	vmax.f32 v2, v7;
	v7 =	vmax.f32 v9, v11;
	v8 =	vmax.f32 v4, v10  }
.Ltmp6:
0x278: {  	v10 =	vmin.f32 v4, v10;
	v14 =	vmax.f32 v8, v13;
	v4 =	vmin.f32 v8, v13;
	(pc) =	sbr.rel @p0 .LBB2_14-.Ltmp6, $4  }
0x279: {  	v2 =	vmax.f32 v2, v3;
	v13 =	vmax.f32 v5, v6;
	v3 =	vmin.f32 v14, v18  }
0x27a: {  	v11 =	vmin.f32 v9, v11;
	v8 =	vmin.f32 v7, v12;
	v6 =	vmax.f32 v13, v10  }
0x27b: {  	v9 =	vmax.f32 v7, v12;
	v7 =	vmin.f32 v6, v4;
	v5 =	vmax.f32 v14, v18  }
0x27c: {  	v11 =	vmax.f32 v2, v11;
	v10 =	vmin.f32 v13, v10;
	v2 =	vmax.f32 v5, v0  }
0x27d: {  	_ =	swait.ge [sflag:s19], $0x6200  }
0x27e: {  	v8 =	vmax.f32 v11, v8;
	[sflag:s19] =	ssyncset.done $0x0  }
0x27f: {  	v11 =	vmax.f32 v9, v10;
	v9 =	vmin.f32 v9, v10;
	s23 =	simm.s32 $0x0;
	v4 =	vmax.f32 v6, v4;
	[sflag:s19] =	ssyncadd.s32 $0xFFFF9E00  }
0x280: {  	v8 =	vmax.f32 v8, v9;
	v9 =	vmin.f32 v11, v7;
	v7 =	vmax.f32 v11, v7;
	v10 =	vld [tilespmem:s23+$0x12600]  }
0x281: {  	v6 =	vmax.f32 v8, v9;
	v8 =	vmax.f32 v4, v3;
	v3 =	vmin.f32 v4, v3  }
0x282: {  	v0 =	vmin.f32 v5, v0;
	v4 =	vld [tilespmem:s23+$0x12610];
	v5 =	vmax.f32 v7, v3  }
0x283: {  	v3 =	vmin.f32 v7, v3;
	v7 =	vmin.f32 v8, v0;
	v0 =	vmax.f32 v8, v0  }
0x284: {  	v8 =	vld [tilespmem:s23+$0x12620];
	v3 =	vmax.f32 v6, v3;
	v6 =	vmax.f32 v5, v7;
	v5 =	vmin.f32 v5, v7  }
0x285: {  	v3 =	vmax.f32 v3, v5;
	v7 =	vmin.f32 v2, v10  }
0x286: {  	v9 =	vld [tilespmem:s23+$0x12630];
	v1 =	vadd.f32 v10, v1;
	v2 =	vmax.f32 v2, v10;
	v5 =	vmax.f32 v0, v7  }
0x287: {  	v0 =	vmin.f32 v0, v7;
	v7 =	vmax.f32 v2, v4;
	v2 =	vmin.f32 v2, v4  }
0x288: {  	v1 =	vadd.f32 v4, v1;
	v4 =	vmax.f32 v6, v0;
	v0 =	vmin.f32 v6, v0;
	v6 =	vld [tilespmem:s23+$0x12640]  }
0x289: {  	v10 =	vmin.f32 v5, v2;
	v11 =	vmax.f32 v7, v8;
	v2 =	vmax.f32 v5, v2  }
0x28a: {  	v5 =	vmin.f32 v7, v8;
	v0 =	vmax.f32 v3, v0;
	v1 =	vadd.f32 v8, v1  }
0x28b: {  	v3 =	vmax.f32 v4, v10;
	v4 =	vmin.f32 v4, v10;
	v10 =	vld [tilespmem:s23+$0x12650];
	v7 =	vmax.f32 v11, v9  }
0x28c: {  	v0 =	vmax.f32 v0, v4;
	v4 =	vmin.f32 v11, v9;
	v8 =	vld [tilespmem:s23+$0x12660];
	v1 =	vadd.f32 v9, v1  }
0x28d: {  	v9 =	vmax.f32 v2, v5;
	v2 =	vmin.f32 v2, v5;
	v11 =	vmax.f32 v7, v6  }
0x28e: {  	v5 =	vmax.f32 v9, v4;
	v4 =	vmin.f32 v9, v4;
	v13 =	vmax.f32 v3, v2  }
0x28f: {  	v2 =	vmin.f32 v3, v2;
	v1 =	vadd.f32 v6, v1;
	v6 =	vmin.f32 v7, v6  }
0x290: {  	v9 =	vmin.f32 v11, v10;
	v3 =	vmax.f32 v11, v10;
	v0 =	vmax.f32 v0, v2  }
0x291: {  	v11 =	vmax.f32 v13, v4;
	v4 =	vmin.f32 v13, v4;
	v2 =	vmax.f32 v3, v8  }
0x292: {  	v56 =	vmin.f32 v5, v6;
	v5 =	vmax.f32 v5, v6;
	v3 =	vmin.f32 v3, v8  }
0x293: {  	v7 =	vld [tilespmem:s23+$0x12670];
	v0 =	vmax.f32 v0, v4;
	v1 =	vadd.f32 v10, v1;
	v14 =	vmin.f32 v5, v9  }
0x294: {  	v12 =	vld [tilespmem:s23+$0x12680];
	v57 =	vmin.f32 v11, v56;
	v4 =	vmax.f32 v5, v9;
	v5 =	vmax.f32 v11, v56  }
0x295: {  	v10 =	vld [tilespmem:s23+$0x12690];
	v0 =	vmax.f32 v0, v57;
	v9 =	vmax.f32 v4, v3;
	v11 =	vmax.f32 v5, v14  }
0x296: {  	v5 =	vmin.f32 v5, v14;
	v3 =	vmin.f32 v4, v3;
	v1 =	vadd.f32 v8, v1  }
0x297: {  	v60 =	vmax.f32 v11, v3;
	v0 =	vmax.f32 v0, v5;
	v3 =	vmin.f32 v11, v3  }
0x298: {  	v6 =	vmax.f32 v2, v7;
	v2 =	vmin.f32 v2, v7;
	v3 =	vmax.f32 v0, v3  }
0x299: {  	v8 =	vld [tilespmem:s23+$0x126A0];
	v1 =	vadd.f32 v7, v1;
	v7 =	vmax.f32 v6, v12;
	v6 =	vmin.f32 v6, v12  }
0x29a: {  	v58 =	vmin.f32 v9, v2;
	v2 =	vmax.f32 v9, v2;
	v15 =	vmax.f32 v7, v10  }
0x29b: {  	v7 =	vmin.f32 v7, v10;
	v17 =	vmax.f32 v2, v6;
	v1 =	vadd.f32 v12, v1  }
0x29c: {  	v16 =	vld [tilespmem:s23+$0x126B0];
	v9 =	vmax.f32 v60, v58;
	v2 =	vmin.f32 v2, v6;
	v5 =	vmax.f32 v17, v7  }
0x29d: {  	v6 =	vmin.f32 v17, v7;
	v7 =	vmin.f32 v9, v2;
	v1 =	vadd.f32 v10, v1  }
0x29e: {  	v12 =	vmin.f32 v60, v58;
	v2 =	vmax.f32 v9, v2;
	v4 =	vmin.f32 v15, v8;
	v10 =	vld [tilespmem:s23+$0x126C0]  }
0x29f: {  	v9 =	vmax.f32 v2, v6;
	v2 =	vmin.f32 v2, v6;
	v1 =	vadd.f32 v8, v1  }
0x2a0: {  	v59 =	vld [tilespmem:s23+$0x126D0];
	v3 =	vmax.f32 v3, v12;
	v11 =	vmin.f32 v5, v4;
	v4 =	vmax.f32 v5, v4  }
0x2a1: {  	v7 =	vmax.f32 v3, v7;
	v62 =	vmax.f32 v9, v11;
	v1 =	vadd.f32 v16, v1  }
0x2a2: {  	v18 =	vld [tilespmem:s23+$0x126E0];
	v63 =	vmax.f32 v7, v2;
	v11 =	vmin.f32 v9, v11;
	v8 =	vmax.f32 v15, v8  }
0x2a3: {  	v11 =	vmax.f32 v63, v11;
	v6 =	vmin.f32 v8, v16;
	v1 =	vadd.f32 v10, v1  }
0x2a4: {  	v0 =	vld [tilespmem:s23+$0x126F0];
	v5 =	vmax.f32 v8, v16;
	v61 =	vmin.f32 v4, v6;
	v4 =	vmax.f32 v4, v6  }
0x2a5: {  	v3 =	vmax.f32 v5, v10;
	v8 =	vmin.f32 v62, v61;
	v1 =	vadd.f32 v59, v1  }
0x2a6: {  	v9 =	vmax.f32 v62, v61;
	v10 =	vmin.f32 v5, v10;
	v5 =	vmax.f32 v3, v59  }
0x2a7: {  	v3 =	vmin.f32 v3, v59;
	v2 =	vmin.f32 v5, v18;
	v1 =	vadd.f32 v18, v1  }
0x2a8: {  	v6 =	vmax.f32 v4, v10;
	v5 =	vmax.f32 v5, v18;
	v10 =	vmin.f32 v4, v10  }
0x2a9: {  	s23 =	simm.s32 $0x400;
	v7 =	vmin.f32 v6, v3;
	v4 =	vmax.f32 v5, v0;
	v1 =	vadd.f32 v0, v1  }
.LBB2_16:
0x2aa: {  	s24 =	sshra.s32 s23, $0x2;
	p0 =	sne.s32 s23, $0x18400;
	s23 =	sadd.s32 $0x400, s23;
	v8 =	vmax.f32 v11, v8;
	v11 =	vmax.f32 v9, v10;
	v9 =	vmin.f32 v9, v10  }
0x2ab: {  	v10 =	vld [tilespmem:s24+$0x12600];
	v8 =	vmax.f32 v8, v9;
	v9 =	vmax.f32 v11, v7;
	v7 =	vmin.f32 v11, v7  }
0x2ac: {  	v3 =	vmax.f32 v6, v3;
	v6 =	vmax.f32 v8, v7  }
0x2ad: {  	v0 =	vmin.f32 v5, v0;
	v8 =	vmax.f32 v3, v2;
	v2 =	vmin.f32 v3, v2;
	v7 =	vld [tilespmem:s24+$0x12610]  }
0x2ae: {  	v5 =	vmax.f32 v9, v2;
	v2 =	vmin.f32 v9, v2;
	v9 =	vmin.f32 v8, v0;
	v3 =	vld [tilespmem:s24+$0x12620]  }
0x2af: {  	v0 =	vmax.f32 v8, v0;
	v2 =	vmax.f32 v6, v2;
	v6 =	vmax.f32 v5, v9  }
0x2b0: {  	v1 =	vadd.f32 v10, v1;
	v8 =	vmax.f32 v4, v10;
	v4 =	vmin.f32 v4, v10  }
0x2b1: {  	v5 =	vmin.f32 v5, v9;
	v10 =	vmax.f32 v0, v4;
	v0 =	vmin.f32 v0, v4;
	v4 =	vld [tilespmem:s24+$0x12630]  }
0x2b2: {  	v1 =	vadd.f32 v7, v1;
	v9 =	vmax.f32 v8, v7;
	v7 =	vmin.f32 v8, v7  }
0x2b3: {  	v2 =	vmax.f32 v2, v5;
	v8 =	vmax.f32 v6, v0;
	v0 =	vmin.f32 v6, v0;
	v6 =	vld [tilespmem:s24+$0x12640]  }
0x2b4: {  	v5 =	vmin.f32 v10, v7;
	v11 =	vmax.f32 v9, v3;
	v1 =	vadd.f32 v3, v1  }
0x2b5: {  	v0 =	vmax.f32 v2, v0;
	v2 =	vmax.f32 v8, v5;
	v5 =	vmin.f32 v8, v5;
	v8 =	vld [tilespmem:s24+$0x12650]  }
0x2b6: {  	v0 =	vmax.f32 v0, v5;
	v1 =	vadd.f32 v4, v1;
	v5 =	vmin.f32 v11, v4  }
0x2b7: {  	v7 =	vmax.f32 v10, v7;
	v3 =	vmin.f32 v9, v3;
	v4 =	vmax.f32 v11, v4;
	v9 =	vld [tilespmem:s24+$0x12660]  }
0x2b8: {  	v10 =	vmax.f32 v7, v3;
	v1 =	vadd.f32 v6, v1;
	v11 =	vmax.f32 v4, v6  }
0x2b9: {  	v3 =	vmin.f32 v7, v3;
	v7 =	vmax.f32 v10, v5;
	v4 =	vmin.f32 v4, v6;
	v6 =	vld [tilespmem:s24+$0x12670]  }
0x2ba: {  	v5 =	vmin.f32 v10, v5;
	v1 =	vadd.f32 v8, v1;
	v10 =	vmin.f32 v11, v8;
	v12 =	vld [tilespmem:s24+$0x12680]  }
0x2bb: {  	v13 =	vmax.f32 v2, v3;
	v2 =	vmin.f32 v2, v3;
	v3 =	vmax.f32 v11, v8  }
0x2bc: {  	v0 =	vmax.f32 v0, v2;
	v1 =	vadd.f32 v9, v1;
	v2 =	vmax.f32 v3, v9;
	v8 =	vld [tilespmem:s24+$0x12690]  }
0x2bd: {  	v11 =	vmax.f32 v13, v5;
	v5 =	vmin.f32 v13, v5;
	v13 =	vmin.f32 v7, v4  }
0x2be: {  	v4 =	vmax.f32 v7, v4;
	v1 =	vadd.f32 v6, v1;
	v7 =	vmax.f32 v2, v6  }
0x2bf: {  	v3 =	vmin.f32 v3, v9;
	v2 =	vmin.f32 v2, v6;
	v6 =	vmax.f32 v7, v12;
	v9 =	vld [tilespmem:s24+$0x126A0]  }
0x2c0: {  	v14 =	vmin.f32 v4, v10;
	v7 =	vmin.f32 v7, v12;
	v1 =	vadd.f32 v12, v1  }
0x2c1: {  	v12 =	vmin.f32 v11, v13;
	v15 =	vmax.f32 v6, v8;
	v6 =	vmin.f32 v6, v8;
	v16 =	vld [tilespmem:s24+$0x126B0]  }
0x2c2: {  	v0 =	vmax.f32 v0, v5;
	v4 =	vmax.f32 v4, v10;
	v1 =	vadd.f32 v8, v1  }
0x2c3: {  	v5 =	vmax.f32 v11, v13;
	v0 =	vmax.f32 v0, v12;
	v8 =	vmax.f32 v4, v3;
	v10 =	vld [tilespmem:s24+$0x126C0]  }
0x2c4: {  	v11 =	vmax.f32 v5, v14;
	v12 =	vmin.f32 v8, v2;
	v1 =	vadd.f32 v9, v1  }
0x2c5: {  	v5 =	vmin.f32 v5, v14;
	v3 =	vmin.f32 v4, v3;
	v4 =	vmin.f32 v15, v9;
	v13 =	vld [tilespmem:s24+$0x126D0]  }
0x2c6: {  	v14 =	vmax.f32 v11, v3;
	v2 =	vmax.f32 v8, v2;
	v1 =	vadd.f32 v16, v1  }
0x2c7: {  	v8 =	vmax.f32 v14, v12;
	v17 =	vmax.f32 v2, v7;
	v2 =	vmin.f32 v2, v7;
	v18 =	vld [tilespmem:s24+$0x126E0]  }
0x2c8: {  	v0 =	vmax.f32 v0, v5;
	v3 =	vmin.f32 v11, v3;
	v1 =	vadd.f32 v10, v1  }
0x2c9: {  	v3 =	vmax.f32 v0, v3;
	v5 =	vmax.f32 v17, v6;
	v6 =	vmin.f32 v17, v6;
	v0 =	vld [tilespmem:s24+$0x126F0]  }
0x2ca: {  	v7 =	vmin.f32 v8, v2;
	v11 =	vmin.f32 v5, v4;
	v1 =	vadd.f32 v13, v1  }
0x2cb: {  	v12 =	vmin.f32 v14, v12;
	v2 =	vmax.f32 v8, v2;
	v8 =	vmax.f32 v15, v9  }
0x2cc: {  	v4 =	vmax.f32 v5, v4;
	v5 =	vmax.f32 v8, v16;
	v1 =	vadd.f32 v18, v1  }
0x2cd: {  	v9 =	vmax.f32 v2, v6;
	v2 =	vmin.f32 v2, v6;
	v6 =	vmin.f32 v8, v16  }
0x2ce: {  	v3 =	vmax.f32 v3, v12;
	v12 =	vmin.f32 v4, v6;
	v1 =	vadd.f32 v0, v1  }
0x2cf: {  	v7 =	vmax.f32 v3, v7;
	v14 =	vmax.f32 v9, v11;
	v3 =	vmax.f32 v5, v10  }
.Ltmp7:
0x2d0: {  	v10 =	vmin.f32 v5, v10;
	v5 =	vmax.f32 v3, v13;
	v3 =	vmin.f32 v3, v13;
	(pc) =	sbr.rel @p0 .LBB2_16-.Ltmp7, $4  }
0x2d1: {  	v4 =	vmax.f32 v4, v6;
	v13 =	vmax.f32 v7, v2;
	v2 =	vmin.f32 v5, v18  }
0x2d2: {  	v11 =	vmin.f32 v9, v11;
	v8 =	vmin.f32 v14, v12;
	v6 =	vmax.f32 v4, v10  }
0x2d3: {  	v9 =	vmax.f32 v14, v12;
	v7 =	vmin.f32 v6, v3;
	v5 =	vmax.f32 v5, v18  }
0x2d4: {  	v10 =	vmin.f32 v4, v10;
	v11 =	vmax.f32 v13, v11;
	v4 =	vmax.f32 v5, v0  }
0x2d5: {  	v8 =	vmax.f32 v11, v8;
	v51 =	vmax.f32 v9, v10;
	v52 =	vmin.f32 v9, v10  }
0x2d6: {  	v3 =	vmax.f32 v6, v3;
	v0 =	vmin.f32 v5, v0;
	v8 =	vmax.f32 v8, v52  }
0x2d7: {  	v53 =	vmin.f32 v51, v7;
	v54 =	vmax.f32 v51, v7;
	v56 =	vmin.f32 v3, v2  }
0x2d8: {  	[tilespmem:$0x18800] =	vst v4;
	v57 =	vmax.f32 v3, v2;
	v55 =	vmax.f32 v8, v53;
	v58 =	vmax.f32 v54, v56  }
0x2d9: {  	[tilespmem:$0x18840] =	vst v1;
	v59 =	vmin.f32 v54, v56;
	v60 =	vmin.f32 v57, v0;
	v0 =	vmax.f32 v57, v0  }
0x2da: {  	s22 =	sadd.s32 $0x1, s22;
	v61 =	vmax.f32 v55, v59;
	v62 =	vmax.f32 v58, v60;
	v3 =	vmin.f32 v58, v60;
	[tilespmem:$0x18810] =	vst v0  }
0x2db: {  	p0 =	sne.s32 s22, s12;
	v63 =	vmax.f32 v61, v3;
	[tilespmem:$0x18820] =	vst v62  }
.Ltmp8:
0x2dc: {  	[tilespmem:$0x18830] =	vst v63;
	(pc) =	sbr.rel @p0 .LBB2_1-.Ltmp8, $4  }
0x2dd: {  	[hbm4b:s11+s2] =	stream.linear.scatter [tilespmem:s20], [sflag:$0x5], $0x50, $0x38;
	[tilespmem:$0x18880] =	vst v63  }
0x2de: {  	_ =	swait.ge [sflag:s21], $0x50  }
0x2df: {  	[sflag:s21] =	ssyncset.done $0x0  }
0x2e0: {  	[sflag:s21] =	ssyncadd.s32 $0xFFFFFFB0  }
0x2e1: {  	_ =	sfence.sel $0x180000  }
0x2e2: {  	[bflag:$0x0] =	sbarrier.arrive $0xFFFF  }
0x2e3: {  	p0 =	sne.s32 s0, $0x0;
	_ =	strace $0x90000047  }
0x2e4: {  	s0 =	sadd.s32 @!p0 $0x100000, s1;
	[bflag:$0x2] =	sbarrier.arrive $0xFFFF  }
0x2e5: {  	[sflag:s0] =	ssyncadd.tile.s32 @!p0 $0x1;
	_ =	shalt  }
.Lfunc_end2:
_tile_overlayer_lowered:
.L_overlay_start_2:
0x2e6: {  	(tag) =	ssettag $0x2  }
0x2e7: {  	s0 =	rddreg [dreg:$0x0];
	s2 =	stileid.u32  }
0x2e8: {  	s1 =	rddreg [dreg:$0x1];
	p0 =	sne.s32 s2, $0x0  }
0x2e9: {  	s3 =	rddreg [dreg:$0x2];
	[bflag:$0x3] =	sbarrier.arrive $0xFFFF;
	s2 =	simm.s32 @!p0 $0x1C05  }
0x2ea: {  	[timem:s3], [sflag:s2] =	dma.local @!p0 [hbm:s0], s1  }
0x2eb: {  	s0 =	simm.s32 @!p0 $0x5  }
0x2ec: {  	_ =	swait.ge @!p0 [sflag:s0], s1  }
0x2ed: {  	s1 =	ssub.s32 @!p0 $0x0, s1;
	[sflag:s0] =	ssyncset.done @!p0 $0x0  }
0x2ee: {  	[sflag:s0] =	ssyncadd.s32 @!p0 s1  }
0x2ef: {  	[bflag:$0x3] =	sbarrier.arrive $0xFFFF  }
0x2f0: {  	_ =	shalt  }

</sc_bundles>
